<compile_context>
chip_gen: v7x
topology: tpu7x:2x2x1
jax: 0.10.2.dev20260603
libtpu: 0.0.44.dev20260713+nightly
codegen_flags: <defaults>
</compile_context>

<pallas_src>
import dataclasses
import functools

import jax
import jax.numpy as jnp
from jax import lax
from jax.experimental import pallas as pl
from jax.experimental.pallas import tpu as pltpu
from jax.experimental.pallas import tpu_sc as plsc

N_REAL = 10000
N_PAD = 10240
D = 128
NC, NS = 2, 16
NW = NC * NS
EB = 128
E_REAL = 320000
NB_MAIN = 72
N_MAIN = NW * NB_MAIN * EB
STAGES = (40, 32)
NBX = 8
EPW = (NB_MAIN + NBX) * EB
ROWS_PER_TILE = N_PAD // NS

_mesh = plsc.VectorSubcoreMesh(core_axis_name="c", subcore_axis_name="s")

_sc_params = pltpu.CompilerParams()
if "needs_layout_passes" in pltpu.CompilerParams.__dataclass_fields__:
    _sc_params = dataclasses.replace(_sc_params, needs_layout_passes=False)



@functools.partial(
    pl.kernel,
    mesh=_mesh,
    out_type=jax.ShapeDtypeStruct((NW, N_PAD), jnp.float32),
    compiler_params=_sc_params,
    scratch_types=[
        pltpu.VMEM((EPW,), jnp.int32),
        pltpu.VMEM((N_PAD,), jnp.float32),
        pltpu.SemaphoreType.DMA,
    ],
)
def _deg_kernel(dst_hbm, extra_hbm, out_hbm, idx_v, hist_v, sem):
    c = lax.axis_index("c")
    s = lax.axis_index("s")
    w = c * NS + s
    cp = pltpu.async_copy(dst_hbm.at[pl.ds(w * (NB_MAIN * EB), NB_MAIN * EB)],
                          idx_v.at[pl.ds(0, NB_MAIN * EB)], sem)
    cp2 = pltpu.async_copy(extra_hbm.at[w],
                           idx_v.at[pl.ds(NB_MAIN * EB, NBX * EB)], sem)
    z16 = jnp.zeros((16,), jnp.float32)

    @pl.loop(0, N_PAD // 16)
    def _(i):
        hist_v[pl.ds(i * 16, 16)] = z16

    cp.wait()
    cp2.wait()
    ones16 = jnp.ones((16,), jnp.float32)

    @pl.loop(0, EPW // 16)
    def _(t):
        idx = idx_v[pl.ds(t * 16, 16)]
        plsc.addupdate_scatter(hist_v, [idx], ones16)

    pltpu.sync_copy(hist_v, out_hbm.at[w])


@functools.partial(
    pl.kernel,
    mesh=_mesh,
    out_type=jax.ShapeDtypeStruct((NC, N_PAD, D), jnp.float32),
    scratch_types=[
        pltpu.VMEM((STAGES[0], EB), jnp.int32),
        pltpu.VMEM((STAGES[0], EB), jnp.int32),
        pltpu.VMEM((EB, D), jnp.float32),
        pltpu.VMEM((EB, D), jnp.float32),
        pltpu.VMEM_SHARED((N_PAD, D), jnp.float32),
        pltpu.SemaphoreType.DMA,
        pltpu.SemaphoreType.DMA,
        pltpu.SemaphoreType.DMA,
    ],
)
def _scatter_kernel(g_hbm, src_hbm, dst_hbm, xsrc_hbm, xdst_hbm, zeros_hbm,
                    out_hbm, sidx, didx, rows_a, rows_b, acc,
                    sem, sem_a, sem_b):
    c = lax.axis_index("c")
    s = lax.axis_index("s")
    w = c * NS + s
    base = w * NB_MAIN

    def load_idx(off, n):
        return (pltpu.async_copy(src_hbm.at[pl.ds(base + off, n)],
                                 sidx.at[pl.ds(0, n)], sem),
                pltpu.async_copy(dst_hbm.at[pl.ds(base + off, n)],
                                 didx.at[pl.ds(0, n)], sem))

    cp_s, cp_d = load_idx(0, STAGES[0])
    pltpu.sync_copy(zeros_hbm, acc.at[pl.ds(s * ROWS_PER_TILE, ROWS_PER_TILE)])
    plsc.subcore_barrier()

    def gather(j, buf):
        pltpu.sync_copy(g_hbm.at[sidx.at[j]], buf)

    def scat(j, buf, sem_g):
        pltpu.async_copy(buf, acc.at[didx.at[j]], sem_g, add=True)

    def wait_scat(j, buf, sem_g):
        pltpu.make_async_copy(buf, acc.at[didx.at[j]], sem_g).wait()

    for h, nbh in enumerate(STAGES + (NBX,)):
        cp_s.wait()
        cp_d.wait()
        gather(0, rows_a)
        scat(0, rows_a, sem_a)

        @pl.loop(0, nbh // 2 - 1)
        def _(p):
            gather(2 * p + 1, rows_b)
            wait_scat(2 * p, rows_a, sem_a)
            scat(2 * p + 1, rows_b, sem_b)
            gather(2 * p + 2, rows_a)
            wait_scat(2 * p + 1, rows_b, sem_b)
            scat(2 * p + 2, rows_a, sem_a)

        gather(nbh - 1, rows_b)
        wait_scat(nbh - 2, rows_a, sem_a)
        scat(nbh - 1, rows_b, sem_b)
        wait_scat(nbh - 1, rows_b, sem_b)
        if h == 0:
            cp_s, cp_d = load_idx(STAGES[0], STAGES[1])
        elif h == 1:
            cp_s = pltpu.async_copy(xsrc_hbm.at[w],
                                    sidx.at[pl.ds(0, NBX)], sem)
            cp_d = pltpu.async_copy(xdst_hbm.at[w],
                                    didx.at[pl.ds(0, NBX)], sem)

    plsc.subcore_barrier()
    pltpu.sync_copy(acc.at[pl.ds(s * ROWS_PER_TILE, ROWS_PER_TILE)],
                    out_hbm.at[c, pl.ds(s * ROWS_PER_TILE, ROWS_PER_TILE)])



_R = 2000
_NBLK = N_REAL // _R


def _first_body(x_ref, w_ref, parts_ref, h_ref, g_ref, dinv_ref):
    h = jnp.dot(x_ref[...], w_ref[...], preferred_element_type=jnp.float32)
    deg = jnp.sum(parts_ref[...], axis=1) + 1.0
    dinv = lax.rsqrt(deg)[:, None]
    h_ref[...] = h
    g_ref[...] = h * dinv
    dinv_ref[...] = dinv


def _first(x, w, parts):
    return pl.pallas_call(
        _first_body,
        grid=(_NBLK,),
        in_specs=[pl.BlockSpec((_R, D), lambda i: (i, 0)),
                  pl.BlockSpec((D, D), lambda i: (0, 0)),
                  pl.BlockSpec((_R, NW), lambda i: (i, 0))],
        out_specs=[pl.BlockSpec((_R, D), lambda i: (i, 0)),
                   pl.BlockSpec((_R, D), lambda i: (i, 0)),
                   pl.BlockSpec((_R, 1), lambda i: (i, 0))],
        out_shape=[jax.ShapeDtypeStruct((N_REAL, D), jnp.float32),
                   jax.ShapeDtypeStruct((N_REAL, D), jnp.float32),
                   jax.ShapeDtypeStruct((N_REAL, 1), jnp.float32)],
    )(x, w, parts)


def _mid_body(h1_ref, acc_ref, dinv_ref, b_ref, w_ref, h2_ref, g2_ref):
    dinv = dinv_ref[...]
    accs = acc_ref[...]
    h1 = jnp.maximum(dinv * (accs[0] + accs[1]) + (dinv * dinv) * h1_ref[...]
                     + b_ref[...], 0.0)
    h2 = jnp.dot(h1, w_ref[...], preferred_element_type=jnp.float32)
    h2_ref[...] = h2
    g2_ref[...] = h2 * dinv


def _mid(h1raw, acc, dinv, b1, w2):
    return pl.pallas_call(
        _mid_body,
        grid=(_NBLK,),
        in_specs=[pl.BlockSpec((_R, D), lambda i: (i, 0)),
                  pl.BlockSpec((NC, _R, D), lambda i: (0, i, 0)),
                  pl.BlockSpec((_R, 1), lambda i: (i, 0)),
                  pl.BlockSpec((1, D), lambda i: (0, 0)),
                  pl.BlockSpec((D, D), lambda i: (0, 0))],
        out_specs=[pl.BlockSpec((_R, D), lambda i: (i, 0)),
                   pl.BlockSpec((_R, D), lambda i: (i, 0))],
        out_shape=[jax.ShapeDtypeStruct((N_REAL, D), jnp.float32),
                   jax.ShapeDtypeStruct((N_REAL, D), jnp.float32)],
    )(h1raw, acc, dinv, b1, w2)


def _final_body(h2_ref, acc_ref, dinv_ref, b_ref, o_ref):
    dinv = dinv_ref[...]
    accs = acc_ref[...]
    o_ref[...] = jnp.maximum(dinv * (accs[0] + accs[1])
                             + (dinv * dinv) * h2_ref[...] + b_ref[...], 0.0)


def _final(h2raw, acc, dinv, b2):
    return pl.pallas_call(
        _final_body,
        grid=(_NBLK,),
        in_specs=[pl.BlockSpec((_R, D), lambda i: (i, 0)),
                  pl.BlockSpec((NC, _R, D), lambda i: (0, i, 0)),
                  pl.BlockSpec((_R, 1), lambda i: (i, 0)),
                  pl.BlockSpec((1, D), lambda i: (0, 0))],
        out_specs=pl.BlockSpec((_R, D), lambda i: (i, 0)),
        out_shape=jax.ShapeDtypeStruct((N_REAL, D), jnp.float32),
    )(h2raw, acc, dinv, b2)



def kernel(x, edge_index, W1, b1, W2, b2):
    ei = edge_index.astype(jnp.int32)
    src_main = ei[0, :N_MAIN].reshape(NW * NB_MAIN, EB)
    dst_main = ei[1, :N_MAIN].reshape(NW * NB_MAIN, EB)
    dst_main_flat = ei[1, :N_MAIN]
    npad = NW * NBX * EB - (E_REAL - N_MAIN)
    pad_iota = (lax.broadcasted_iota(jnp.int32, (npad // EB, EB), 0) * EB
                + lax.broadcasted_iota(jnp.int32, (npad // EB, EB), 1))
    tail = (E_REAL - N_MAIN) // EB
    xsrc = jnp.concatenate(
        [ei[0, N_MAIN:].reshape(tail, EB),
         pad_iota % N_REAL]).reshape(NW, NBX, EB)
    xdst = jnp.concatenate(
        [ei[1, N_MAIN:].reshape(tail, EB),
         N_REAL + pad_iota % (N_PAD - N_REAL)]).reshape(NW, NBX, EB)
    xdst_flat = xdst.reshape(NW, NBX * EB)
    zeros_tile = jnp.zeros((ROWS_PER_TILE, D), jnp.float32)

    b1r = b1.reshape(1, D)
    b2r = b2.reshape(1, D)

    deg_parts = _deg_kernel(dst_main_flat, xdst_flat)
    h1raw, g1, dinv = _first(x, W1, deg_parts.T)
    acc1 = _scatter_kernel(g1, src_main, dst_main, xsrc, xdst, zeros_tile)
    h2raw, g2 = _mid(h1raw, acc1, dinv, b1r, W2)
    acc2 = _scatter_kernel(g2, src_main, dst_main, xsrc, xdst, zeros_tile)
    return _final(h2raw, acc2, dinv, b2r)

# --- scband reference (transcript-rebuilt; emitter-appended) ---
"""Pipeline reference for scband-gcn-91276644975066 (READ-ONLY COPY).

The authoritative reference and input builder live on the scoring server;
editing this copy changes nothing except your own understanding.
"""

import jax, jax.numpy as jnp
import numpy as np

N_NODES = 10000


def gcn_conv(x, edge_index, W, b):
    n = x.shape[0]
    src = edge_index[0]
    dst = edge_index[1]
    loop = jnp.arange(n, dtype=edge_index.dtype)
    src = jnp.concatenate([src, loop])
    dst = jnp.concatenate([dst, loop])
    # symmetric normalization as in PyG GCNConv (degree from dst/col after self-loops)
    deg = jnp.zeros((n,), dtype=x.dtype).at[dst].add(1.0)
    deg_inv_sqrt = jnp.where(deg > 0, jax.lax.rsqrt(deg), 0.0)
    norm = deg_inv_sqrt[src] * deg_inv_sqrt[dst]
    h = x @ W
    msg = h[src] * norm[:, None]
    out = jnp.zeros((n, W.shape[1]), dtype=x.dtype).at[dst].add(msg)
    return out + b


def setup_inputs(seed: int = 0) -> dict:
    key = jax.random.key(seed)
    k1, k2, k3, k4 = jax.random.split(key, 4)
    d_in, d_hid = 128, 128
    x = jax.random.normal(k1, (N_NODES, d_in), dtype=jnp.float32)
    edge_index = jax.random.randint(k2, (2, 320000), 0, N_NODES, dtype=jnp.int64)
    W1 = jax.random.normal(k3, (d_in, d_hid), dtype=jnp.float32) / np.sqrt(d_in)
    b1 = jnp.zeros((d_hid,), dtype=jnp.float32)
    W2 = jax.random.normal(k4, (d_hid, d_hid), dtype=jnp.float32) / np.sqrt(d_hid)
    b2 = jnp.zeros((d_hid,), dtype=jnp.float32)
    return {"x": x, "edge_index": edge_index, "W1": W1, "b1": b1, "W2": W2, "b2": b2}


def reference(x, edge_index, W1, b1, W2, b2):
    h = gcn_conv(x, edge_index, W1, b1)
    h = jax.nn.relu(h)
    h = gcn_conv(h, edge_index, W2, b2)
    h = jax.nn.relu(h)
    return h

if __name__ == "__main__":
    import jax
    _d = setup_inputs()
    print(jax.jit(kernel)(*tuple(_d.values())))

</pallas_src>

<mosaic_0001>
#map = affine_map<(d0, d1) -> (0)>
#map1 = affine_map<(d0, d1) -> (0, 0)>
module attributes {stable_mosaic.version = 14 : i64} {
  func.func @_deg_kernel(%arg0: i32, %arg1: i32, %arg2: memref<294912xi32, #tpu.memory_space<hbm>>, %arg3: memref<32x1024xi32, #tpu.memory_space<hbm>>, %arg4: memref<32x10240xf32, #tpu.memory_space<hbm>>, %arg5: memref<10240xi32, #tpu.memory_space<vmem>>, %arg6: memref<10240xf32, #tpu.memory_space<vmem>>, %arg7: memref<!tpu.dma_semaphore, #tpu.memory_space<semaphore_mem>>) attributes {dimension_semantics = [#tpu.dimension_semantics<core_parallel>, #tpu.dimension_semantics<subcore_parallel>], iteration_bounds = array<i64: 2, 16>, scalar_prefetch = 0 : i64, scratch_operands = 3 : i64, tpu.core_type = #tpu.core_type<sc_vector_subcore>, window_params = [{transform_indices = #map}, {transform_indices = #map1}, {transform_indices = #map1}]} {
    %mul3A = arith.constant 16 : i32
    %mul3A_0 = arith.muli %arg0, %mul3A : i32
    %add3A = arith.addi %mul3A_0, %arg1 : i32
    %mul3A_1 = arith.constant 9216 : i32
    %mul3A_2 = arith.muli %add3A, %mul3A_1 : i32
    %dma_start3A = arith.constant 0 : i32
    %dma_start3A_3 = tpu.memref_slice %arg5[%dma_start3A] : memref<10240xi32, #tpu.memory_space<vmem>> -> memref<9216xi32, #tpu.memory_space<vmem>>
    %dma_start3A_4 = tpu.memref_slice %arg2[%mul3A_2] : memref<294912xi32, #tpu.memory_space<hbm>> -> memref<9216xi32, #tpu.memory_space<hbm>>
    %dma_start3A_5 = arith.constant 0 : i32
    %dma_start3A_6 = tpu.memref_slice %arg5[%dma_start3A_5] : memref<10240xi32, #tpu.memory_space<vmem>> -> memref<9216xi32, #tpu.memory_space<vmem>>
    %dma_start3A_7 = tpu.memref_slice %arg2[%mul3A_2] : memref<294912xi32, #tpu.memory_space<hbm>> -> memref<9216xi32, #tpu.memory_space<hbm>>
    tpu.enqueue_dma source(%dma_start3A_7 : memref<9216xi32, #tpu.memory_space<hbm>>) target(%dma_start3A_6 : memref<9216xi32, #tpu.memory_space<vmem>>) target_semaphore(%arg7 : memref<!tpu.dma_semaphore, #tpu.memory_space<semaphore_mem>>)
    %dma_start3A_8 = arith.constant 9216 : i32
    %dma_start3A_9 = tpu.memref_slice %arg5[%dma_start3A_8] : memref<10240xi32, #tpu.memory_space<vmem>> -> memref<1024xi32, #tpu.memory_space<vmem>>
    %dma_start3A_10 = arith.constant 0 : i32
    %dma_start3A_11 = tpu.memref_slice %arg3[%add3A, %dma_start3A_10] : memref<32x1024xi32, #tpu.memory_space<hbm>> -> memref<1x1024xi32, #tpu.memory_space<hbm>>
    %dma_start3A_12 = tpu.memref_squeeze %dma_start3A_11 : memref<1x1024xi32, #tpu.memory_space<hbm>> -> memref<1024xi32, #tpu.memory_space<hbm>>
    %dma_start3A_13 = arith.constant 9216 : i32
    %dma_start3A_14 = tpu.memref_slice %arg5[%dma_start3A_13] : memref<10240xi32, #tpu.memory_space<vmem>> -> memref<1024xi32, #tpu.memory_space<vmem>>
    %dma_start3A_15 = arith.constant 0 : i32
    %dma_start3A_16 = tpu.memref_slice %arg3[%add3A, %dma_start3A_15] : memref<32x1024xi32, #tpu.memory_space<hbm>> -> memref<1x1024xi32, #tpu.memory_space<hbm>>
    %dma_start3A_17 = tpu.memref_squeeze %dma_start3A_16 : memref<1x1024xi32, #tpu.memory_space<hbm>> -> memref<1024xi32, #tpu.memory_space<hbm>>
    tpu.enqueue_dma source(%dma_start3A_17 : memref<1024xi32, #tpu.memory_space<hbm>>) target(%dma_start3A_14 : memref<1024xi32, #tpu.memory_space<vmem>>) target_semaphore(%arg7 : memref<!tpu.dma_semaphore, #tpu.memory_space<semaphore_mem>>)
    %broadcast_in_dim3A = arith.constant 0.000000e+00 : f32
    %broadcast_in_dim3A_18 = vector.broadcast %broadcast_in_dim3A : f32 to vector<16xf32>
    %scan3A = arith.constant 0 : i32
    %scan3A_19 = arith.constant 640 : i32
    %scan3A_20 = arith.addi %scan3A, %scan3A_19 : i32
    %scan3A_21 = arith.constant 1 : i32
    scf.for %scan3A_45 = %scan3A to %scan3A_20 step %scan3A_21  : i32 {
      %mul3A_46 = arith.constant 1 : i32
      %mul3A_47 = arith.muli %scan3A_45, %mul3A_46 : i32
      %add3A_48 = arith.constant 0 : i32
      %add3A_49 = arith.addi %add3A_48, %mul3A_47 : i32
      %mul3A_50 = arith.constant 16 : i32
      %mul3A_51 = arith.muli %add3A_49, %mul3A_50 : i32
      %swap3A = arith.index_cast %mul3A_51 : i32 to index
      %swap3A_52 = tpu.vector_load %arg6[%swap3A] {strides = array<i32>} : memref<10240xf32, #tpu.memory_space<vmem>>, vector<16xf32>,
      tpu.vector_store %arg6[%swap3A], %broadcast_in_dim3A_18 {strides = array<i32>} : memref<10240xf32, #tpu.memory_space<vmem>>, vector<16xf32>,
    }
    %scan3A_22 = arith.constant 640 : i32
    %dma_wait3A = arith.constant 0 : i32
    %dma_wait3A_23 = tpu.memref_slice %arg5[%dma_wait3A] : memref<10240xi32, #tpu.memory_space<vmem>> -> memref<9216xi32, #tpu.memory_space<vmem>>
    %dma_wait3A_24 = tpu.memref_slice %arg2[%mul3A_2] : memref<294912xi32, #tpu.memory_space<hbm>> -> memref<9216xi32, #tpu.memory_space<hbm>>
    %dma_wait3A_25 = arith.constant 0 : i32
    %dma_wait3A_26 = tpu.memref_slice %arg5[%dma_wait3A_25] : memref<10240xi32, #tpu.memory_space<vmem>> -> memref<9216xi32, #tpu.memory_space<vmem>>
    %dma_wait3A_27 = tpu.memref_slice %arg2[%mul3A_2] : memref<294912xi32, #tpu.memory_space<hbm>> -> memref<9216xi32, #tpu.memory_space<hbm>>
    tpu.wait_dma2 semaphore(%arg7 : memref<!tpu.dma_semaphore, #tpu.memory_space<semaphore_mem>>) src(%dma_wait3A_27 : memref<9216xi32, #tpu.memory_space<hbm>>) dst(%dma_wait3A_26 : memref<9216xi32, #tpu.memory_space<vmem>>)
    %dma_wait3A_28 = arith.constant 9216 : i32
    %dma_wait3A_29 = tpu.memref_slice %arg5[%dma_wait3A_28] : memref<10240xi32, #tpu.memory_space<vmem>> -> memref<1024xi32, #tpu.memory_space<vmem>>
    %dma_wait3A_30 = arith.constant 0 : i32
    %dma_wait3A_31 = tpu.memref_slice %arg3[%add3A, %dma_wait3A_30] : memref<32x1024xi32, #tpu.memory_space<hbm>> -> memref<1x1024xi32, #tpu.memory_space<hbm>>
    %dma_wait3A_32 = tpu.memref_squeeze %dma_wait3A_31 : memref<1x1024xi32, #tpu.memory_space<hbm>> -> memref<1024xi32, #tpu.memory_space<hbm>>
    %dma_wait3A_33 = arith.constant 9216 : i32
    %dma_wait3A_34 = tpu.memref_slice %arg5[%dma_wait3A_33] : memref<10240xi32, #tpu.memory_space<vmem>> -> memref<1024xi32, #tpu.memory_space<vmem>>
    %dma_wait3A_35 = arith.constant 0 : i32
    %dma_wait3A_36 = tpu.memref_slice %arg3[%add3A, %dma_wait3A_35] : memref<32x1024xi32, #tpu.memory_space<hbm>> -> memref<1x1024xi32, #tpu.memory_space<hbm>>
    %dma_wait3A_37 = tpu.memref_squeeze %dma_wait3A_36 : memref<1x1024xi32, #tpu.memory_space<hbm>> -> memref<1024xi32, #tpu.memory_space<hbm>>
    tpu.wait_dma2 semaphore(%arg7 : memref<!tpu.dma_semaphore, #tpu.memory_space<semaphore_mem>>) src(%dma_wait3A_37 : memref<1024xi32, #tpu.memory_space<hbm>>) dst(%dma_wait3A_34 : memref<1024xi32, #tpu.memory_space<vmem>>)
    %broadcast_in_dim3A_38 = arith.constant 1.000000e+00 : f32
    %broadcast_in_dim3A_39 = vector.broadcast %broadcast_in_dim3A_38 : f32 to vector<16xf32>
    %scan3A_40 = arith.constant 0 : i32
    %scan3A_41 = arith.constant 640 : i32
    %scan3A_42 = arith.addi %scan3A_40, %scan3A_41 : i32
    %scan3A_43 = arith.constant 1 : i32
    scf.for %scan3A_45 = %scan3A_40 to %scan3A_42 step %scan3A_43  : i32 {
      %mul3A_46 = arith.constant 1 : i32
      %mul3A_47 = arith.muli %scan3A_45, %mul3A_46 : i32
      %add3A_48 = arith.constant 0 : i32
      %add3A_49 = arith.addi %add3A_48, %mul3A_47 : i32
      %mul3A_50 = arith.constant 16 : i32
      %mul3A_51 = arith.muli %add3A_49, %mul3A_50 : i32
      %get3A = arith.index_cast %mul3A_51 : i32 to index
      %get3A_52 = tpu.vector_load %arg5[%get3A] {strides = array<i32>} : memref<10240xi32, #tpu.memory_space<vmem>>, vector<16xi32>,
      tpu.vector_store_idx %arg6[%get3A_52], %broadcast_in_dim3A_39 {add = true} : memref<10240xf32, #tpu.memory_space<vmem>>[vector<16xi32>], vector<16xf32>,
    }
    %scan3A_44 = arith.constant 640 : i32
    "tpu.region"() ({
      %run_scoped3A = tpu.sem_alloc : memref<!tpu.dma_semaphore, #tpu.memory_space<semaphore_mem>>
      %dma_start3A_45 = arith.constant 0 : i32
      %dma_start3A_46 = tpu.memref_slice %arg4[%add3A, %dma_start3A_45] : memref<32x10240xf32, #tpu.memory_space<hbm>> -> memref<1x10240xf32, #tpu.memory_space<hbm>>
      %dma_start3A_47 = tpu.memref_squeeze %dma_start3A_46 : memref<1x10240xf32, #tpu.memory_space<hbm>> -> memref<10240xf32, #tpu.memory_space<hbm>>
      %dma_start3A_48 = arith.constant 0 : i32
      %dma_start3A_49 = tpu.memref_slice %arg4[%add3A, %dma_start3A_48] : memref<32x10240xf32, #tpu.memory_space<hbm>> -> memref<1x10240xf32, #tpu.memory_space<hbm>>
      %dma_start3A_50 = tpu.memref_squeeze %dma_start3A_49 : memref<1x10240xf32, #tpu.memory_space<hbm>> -> memref<10240xf32, #tpu.memory_space<hbm>>
      tpu.enqueue_dma source(%arg6 : memref<10240xf32, #tpu.memory_space<vmem>>) target(%dma_start3A_50 : memref<10240xf32, #tpu.memory_space<hbm>>) target_semaphore(%run_scoped3A : memref<!tpu.dma_semaphore, #tpu.memory_space<semaphore_mem>>)
      %dma_wait3A_51 = arith.constant 0 : i32
      %dma_wait3A_52 = tpu.memref_slice %arg4[%add3A, %dma_wait3A_51] : memref<32x10240xf32, #tpu.memory_space<hbm>> -> memref<1x10240xf32, #tpu.memory_space<hbm>>
      %dma_wait3A_53 = tpu.memref_squeeze %dma_wait3A_52 : memref<1x10240xf32, #tpu.memory_space<hbm>> -> memref<10240xf32, #tpu.memory_space<hbm>>
      %dma_wait3A_54 = arith.constant 0 : i32
      %dma_wait3A_55 = tpu.memref_slice %arg4[%add3A, %dma_wait3A_54] : memref<32x10240xf32, #tpu.memory_space<hbm>> -> memref<1x10240xf32, #tpu.memory_space<hbm>>
      %dma_wait3A_56 = tpu.memref_squeeze %dma_wait3A_55 : memref<1x10240xf32, #tpu.memory_space<hbm>> -> memref<10240xf32, #tpu.memory_space<hbm>>
      tpu.wait_dma2 semaphore(%run_scoped3A : memref<!tpu.dma_semaphore, #tpu.memory_space<semaphore_mem>>) src(%arg6 : memref<10240xf32, #tpu.memory_space<vmem>>) dst(%dma_wait3A_56 : memref<10240xf32, #tpu.memory_space<hbm>>)
      tpu.yield
    }) : () -> ()
    return
  }
}

#map = affine_map<(d0, d1) -> (0, 0)>
#map1 = affine_map<(d0, d1) -> (0, 0, 0)>
module attributes {stable_mosaic.version = 14 : i64} {
  func.func @_scatter_kernel(%arg0: i32, %arg1: i32, %arg2: memref<10000x128xf32, #tpu.memory_space<hbm>>, %arg3: memref<2304x128xi32, #tpu.memory_space<hbm>>, %arg4: memref<2304x128xi32, #tpu.memory_space<hbm>>, %arg5: memref<32x8x128xi32, #tpu.memory_space<hbm>>, %arg6: memref<32x8x128xi32, #tpu.memory_space<hbm>>, %arg7: memref<640x128xf32, #tpu.memory_space<hbm>>, %arg8: memref<2x10240x128xf32, #tpu.memory_space<hbm>>, %arg9: memref<40x128xi32, #tpu.memory_space<vmem>>, %arg10: memref<40x128xi32, #tpu.memory_space<vmem>>, %arg11: memref<128x128xf32, #tpu.memory_space<vmem>>, %arg12: memref<128x128xf32, #tpu.memory_space<vmem>>, %arg13: memref<10240x128xf32, #tpu.memory_space<vmem_shared>>, %arg14: memref<!tpu.dma_semaphore, #tpu.memory_space<semaphore_mem>>, %arg15: memref<!tpu.dma_semaphore, #tpu.memory_space<semaphore_mem>>, %arg16: memref<!tpu.dma_semaphore, #tpu.memory_space<semaphore_mem>>) attributes {dimension_semantics = [#tpu.dimension_semantics<core_parallel>, #tpu.dimension_semantics<subcore_parallel>], iteration_bounds = array<i64: 2, 16>, scalar_prefetch = 0 : i64, scratch_operands = 8 : i64, tpu.core_type = #tpu.core_type<sc_vector_subcore>, window_params = [{transform_indices = #map}, {transform_indices = #map}, {transform_indices = #map}, {transform_indices = #map1}, {transform_indices = #map1}, {transform_indices = #map}, {transform_indices = #map1}]} {
    %mul3A = arith.constant 16 : i32
    %mul3A_0 = arith.muli %arg0, %mul3A : i32
    %add3A = arith.addi %mul3A_0, %arg1 : i32
    %mul3A_1 = arith.constant 72 : i32
    %mul3A_2 = arith.muli %add3A, %mul3A_1 : i32
    %add3A_3 = arith.constant 0 : i32
    %add3A_4 = arith.addi %mul3A_2, %add3A_3 : i32
    %dma_start3A = arith.constant 0 : i32
    %dma_start3A_5 = arith.constant 0 : i32
    %dma_start3A_6 = tpu.memref_slice %arg9[%dma_start3A, %dma_start3A_5] : memref<40x128xi32, #tpu.memory_space<vmem>> -> memref<40x128xi32, #tpu.memory_space<vmem>>
    %dma_start3A_7 = arith.constant 0 : i32
    %dma_start3A_8 = tpu.memref_slice %arg3[%add3A_4, %dma_start3A_7] : memref<2304x128xi32, #tpu.memory_space<hbm>> -> memref<40x128xi32, #tpu.memory_space<hbm>>
    %dma_start3A_9 = arith.constant 0 : i32
    %dma_start3A_10 = arith.constant 0 : i32
    %dma_start3A_11 = tpu.memref_slice %arg9[%dma_start3A_9, %dma_start3A_10] : memref<40x128xi32, #tpu.memory_space<vmem>> -> memref<40x128xi32, #tpu.memory_space<vmem>>
    %dma_start3A_12 = arith.constant 0 : i32
    %dma_start3A_13 = tpu.memref_slice %arg3[%add3A_4, %dma_start3A_12] : memref<2304x128xi32, #tpu.memory_space<hbm>> -> memref<40x128xi32, #tpu.memory_space<hbm>>
    tpu.enqueue_dma source(%dma_start3A_13 : memref<40x128xi32, #tpu.memory_space<hbm>>) target(%dma_start3A_11 : memref<40x128xi32, #tpu.memory_space<vmem>>) target_semaphore(%arg14 : memref<!tpu.dma_semaphore, #tpu.memory_space<semaphore_mem>>)
    %add3A_14 = arith.constant 0 : i32
    %add3A_15 = arith.addi %mul3A_2, %add3A_14 : i32
    %dma_start3A_16 = arith.constant 0 : i32
    %dma_start3A_17 = arith.constant 0 : i32
    %dma_start3A_18 = tpu.memref_slice %arg10[%dma_start3A_16, %dma_start3A_17] : memref<40x128xi32, #tpu.memory_space<vmem>> -> memref<40x128xi32, #tpu.memory_space<vmem>>
    %dma_start3A_19 = arith.constant 0 : i32
    %dma_start3A_20 = tpu.memref_slice %arg4[%add3A_15, %dma_start3A_19] : memref<2304x128xi32, #tpu.memory_space<hbm>> -> memref<40x128xi32, #tpu.memory_space<hbm>>
    %dma_start3A_21 = arith.constant 0 : i32
    %dma_start3A_22 = arith.constant 0 : i32
    %dma_start3A_23 = tpu.memref_slice %arg10[%dma_start3A_21, %dma_start3A_22] : memref<40x128xi32, #tpu.memory_space<vmem>> -> memref<40x128xi32, #tpu.memory_space<vmem>>
    %dma_start3A_24 = arith.constant 0 : i32
    %dma_start3A_25 = tpu.memref_slice %arg4[%add3A_15, %dma_start3A_24] : memref<2304x128xi32, #tpu.memory_space<hbm>> -> memref<40x128xi32, #tpu.memory_space<hbm>>
    tpu.enqueue_dma source(%dma_start3A_25 : memref<40x128xi32, #tpu.memory_space<hbm>>) target(%dma_start3A_23 : memref<40x128xi32, #tpu.memory_space<vmem>>) target_semaphore(%arg14 : memref<!tpu.dma_semaphore, #tpu.memory_space<semaphore_mem>>)
    %mul3A_26 = arith.constant 640 : i32
    %mul3A_27 = arith.muli %arg1, %mul3A_26 : i32
    "tpu.region"() ({
      %run_scoped3A_255 = tpu.sem_alloc : memref<!tpu.dma_semaphore, #tpu.memory_space<semaphore_mem>>
      %dma_start3A_256 = arith.constant 0 : i32
      %dma_start3A_257 = tpu.memref_slice %arg13[%mul3A_27, %dma_start3A_256] : memref<10240x128xf32, #tpu.memory_space<vmem_shared>> -> memref<640x128xf32, #tpu.memory_space<vmem_shared>>
      tpu.enqueue_dma source(%arg7 : memref<640x128xf32, #tpu.memory_space<hbm>>) target(%dma_start3A_257 : memref<640x128xf32, #tpu.memory_space<vmem_shared>>) target_semaphore(%run_scoped3A_255 : memref<!tpu.dma_semaphore, #tpu.memory_space<semaphore_mem>>)
      %dma_wait3A_258 = arith.constant 0 : i32
      %dma_wait3A_259 = tpu.memref_slice %arg13[%mul3A_27, %dma_wait3A_258] : memref<10240x128xf32, #tpu.memory_space<vmem_shared>> -> memref<640x128xf32, #tpu.memory_space<vmem_shared>>
      tpu.wait_dma2 semaphore(%run_scoped3A_255 : memref<!tpu.dma_semaphore, #tpu.memory_space<semaphore_mem>>) src(%arg7 : memref<640x128xf32, #tpu.memory_space<hbm>>) dst(%dma_wait3A_259 : memref<640x128xf32, #tpu.memory_space<vmem_shared>>)
      tpu.yield
    }) : () -> ()
    %barrier3A = arith.constant 0 : index
    tpu.barrier barrier_id(%barrier3A)
    %dma_wait3A = arith.constant 0 : i32
    %dma_wait3A_28 = arith.constant 0 : i32
    %dma_wait3A_29 = tpu.memref_slice %arg9[%dma_wait3A, %dma_wait3A_28] : memref<40x128xi32, #tpu.memory_space<vmem>> -> memref<40x128xi32, #tpu.memory_space<vmem>>
    %dma_wait3A_30 = arith.constant 0 : i32
    %dma_wait3A_31 = tpu.memref_slice %arg3[%add3A_4, %dma_wait3A_30] : memref<2304x128xi32, #tpu.memory_space<hbm>> -> memref<40x128xi32, #tpu.memory_space<hbm>>
    %dma_wait3A_32 = arith.constant 0 : i32
    %dma_wait3A_33 = arith.constant 0 : i32
    %dma_wait3A_34 = tpu.memref_slice %arg9[%dma_wait3A_32, %dma_wait3A_33] : memref<40x128xi32, #tpu.memory_space<vmem>> -> memref<40x128xi32, #tpu.memory_space<vmem>>
    %dma_wait3A_35 = arith.constant 0 : i32
    %dma_wait3A_36 = tpu.memref_slice %arg3[%add3A_4, %dma_wait3A_35] : memref<2304x128xi32, #tpu.memory_space<hbm>> -> memref<40x128xi32, #tpu.memory_space<hbm>>
    tpu.wait_dma2 semaphore(%arg14 : memref<!tpu.dma_semaphore, #tpu.memory_space<semaphore_mem>>) src(%dma_wait3A_36 : memref<40x128xi32, #tpu.memory_space<hbm>>) dst(%dma_wait3A_34 : memref<40x128xi32, #tpu.memory_space<vmem>>)
    %dma_wait3A_37 = arith.constant 0 : i32
    %dma_wait3A_38 = arith.constant 0 : i32
    %dma_wait3A_39 = tpu.memref_slice %arg10[%dma_wait3A_37, %dma_wait3A_38] : memref<40x128xi32, #tpu.memory_space<vmem>> -> memref<40x128xi32, #tpu.memory_space<vmem>>
    %dma_wait3A_40 = arith.constant 0 : i32
    %dma_wait3A_41 = tpu.memref_slice %arg4[%add3A_15, %dma_wait3A_40] : memref<2304x128xi32, #tpu.memory_space<hbm>> -> memref<40x128xi32, #tpu.memory_space<hbm>>
    %dma_wait3A_42 = arith.constant 0 : i32
    %dma_wait3A_43 = arith.constant 0 : i32
    %dma_wait3A_44 = tpu.memref_slice %arg10[%dma_wait3A_42, %dma_wait3A_43] : memref<40x128xi32, #tpu.memory_space<vmem>> -> memref<40x128xi32, #tpu.memory_space<vmem>>
    %dma_wait3A_45 = arith.constant 0 : i32
    %dma_wait3A_46 = tpu.memref_slice %arg4[%add3A_15, %dma_wait3A_45] : memref<2304x128xi32, #tpu.memory_space<hbm>> -> memref<40x128xi32, #tpu.memory_space<hbm>>
    tpu.wait_dma2 semaphore(%arg14 : memref<!tpu.dma_semaphore, #tpu.memory_space<semaphore_mem>>) src(%dma_wait3A_46 : memref<40x128xi32, #tpu.memory_space<hbm>>) dst(%dma_wait3A_44 : memref<40x128xi32, #tpu.memory_space<vmem>>)
    %run_scoped3A = arith.constant 0 : i32
    "tpu.region"() ({
      %run_scoped3A_255 = tpu.sem_alloc : memref<!tpu.dma_semaphore, #tpu.memory_space<semaphore_mem>>
      %dma_start3A_256 = arith.constant 0 : i32
      %dma_start3A_257 = tpu.memref_slice %arg9[%run_scoped3A, %dma_start3A_256] : memref<40x128xi32, #tpu.memory_space<vmem>> -> memref<1x128xi32, #tpu.memory_space<vmem>>
      %dma_start3A_258 = tpu.memref_squeeze %dma_start3A_257 : memref<1x128xi32, #tpu.memory_space<vmem>> -> memref<128xi32, #tpu.memory_space<vmem>>
      %dma_start3A_259 = arith.constant 0 : i32
      %dma_start3A_260 = arith.constant 0 : i32
      %dma_start3A_261 = tpu.memref_slice %arg2[%dma_start3A_259, %dma_start3A_260] : memref<10000x128xf32, #tpu.memory_space<hbm>> -> memref<10000x128xf32, #tpu.memory_space<hbm>>
      tpu.enqueue_indirect_dma source(%dma_start3A_261 : memref<10000x128xf32, #tpu.memory_space<hbm>>) target(%arg11 : memref<128x128xf32, #tpu.memory_space<vmem>>) offsets(%dma_start3A_258 : memref<128xi32, #tpu.memory_space<vmem>>) semaphore(%run_scoped3A_255 : memref<!tpu.dma_semaphore, #tpu.memory_space<semaphore_mem>>)
      %dma_wait3A_262 = arith.constant 0 : i32
      %dma_wait3A_263 = tpu.memref_slice %arg9[%run_scoped3A, %dma_wait3A_262] : memref<40x128xi32, #tpu.memory_space<vmem>> -> memref<1x128xi32, #tpu.memory_space<vmem>>
      %dma_wait3A_264 = tpu.memref_squeeze %dma_wait3A_263 : memref<1x128xi32, #tpu.memory_space<vmem>> -> memref<128xi32, #tpu.memory_space<vmem>>
      %dma_wait3A_265 = arith.constant 0 : i32
      %dma_wait3A_266 = arith.constant 0 : i32
      %dma_wait3A_267 = tpu.memref_slice %arg2[%dma_wait3A_265, %dma_wait3A_266] : memref<10000x128xf32, #tpu.memory_space<hbm>> -> memref<10000x128xf32, #tpu.memory_space<hbm>>
      tpu.wait_indirect_dma semaphore(%run_scoped3A_255 : memref<!tpu.dma_semaphore, #tpu.memory_space<semaphore_mem>>) src(%dma_wait3A_267 : memref<10000x128xf32, #tpu.memory_space<hbm>>) dst(%arg11 : memref<128x128xf32, #tpu.memory_space<vmem>>)
      tpu.yield
    }) : () -> ()
    %dma_start3A_47 = arith.constant 0 : i32
    %dma_start3A_48 = arith.constant 0 : i32
    %dma_start3A_49 = tpu.memref_slice %arg10[%dma_start3A_47, %dma_start3A_48] : memref<40x128xi32, #tpu.memory_space<vmem>> -> memref<1x128xi32, #tpu.memory_space<vmem>>
    %dma_start3A_50 = tpu.memref_squeeze %dma_start3A_49 : memref<1x128xi32, #tpu.memory_space<vmem>> -> memref<128xi32, #tpu.memory_space<vmem>>
    %dma_start3A_51 = arith.constant 0 : i32
    %dma_start3A_52 = arith.constant 0 : i32
    %dma_start3A_53 = tpu.memref_slice %arg13[%dma_start3A_51, %dma_start3A_52] : memref<10240x128xf32, #tpu.memory_space<vmem_shared>> -> memref<10240x128xf32, #tpu.memory_space<vmem_shared>>
    tpu.enqueue_indirect_dma source(%arg11 : memref<128x128xf32, #tpu.memory_space<vmem>>) target(%dma_start3A_53 : memref<10240x128xf32, #tpu.memory_space<vmem_shared>>) offsets(%dma_start3A_50 : memref<128xi32, #tpu.memory_space<vmem>>) semaphore(%arg15 : memref<!tpu.dma_semaphore, #tpu.memory_space<semaphore_mem>>) {add = true}
    %scan3A = arith.constant 0 : i32
    %scan3A_54 = arith.constant 19 : i32
    %scan3A_55 = arith.addi %scan3A, %scan3A_54 : i32
    %scan3A_56 = arith.constant 1 : i32
    scf.for %scan3A_255 = %scan3A to %scan3A_55 step %scan3A_56  : i32 {
      %mul3A_256 = arith.constant 1 : i32
      %mul3A_257 = arith.muli %scan3A_255, %mul3A_256 : i32
      %add3A_258 = arith.constant 0 : i32
      %add3A_259 = arith.addi %add3A_258, %mul3A_257 : i32
      %mul3A_260 = arith.constant 2 : i32
      %mul3A_261 = arith.muli %mul3A_260, %add3A_259 : i32
      %add3A_262 = arith.constant 1 : i32
      %add3A_263 = arith.addi %mul3A_261, %add3A_262 : i32
      "tpu.region"() ({
        %run_scoped3A_306 = tpu.sem_alloc : memref<!tpu.dma_semaphore, #tpu.memory_space<semaphore_mem>>
        %dma_start3A_307 = arith.constant 0 : i32
        %dma_start3A_308 = tpu.memref_slice %arg9[%add3A_263, %dma_start3A_307] : memref<40x128xi32, #tpu.memory_space<vmem>> -> memref<1x128xi32, #tpu.memory_space<vmem>>
        %dma_start3A_309 = tpu.memref_squeeze %dma_start3A_308 : memref<1x128xi32, #tpu.memory_space<vmem>> -> memref<128xi32, #tpu.memory_space<vmem>>
        %dma_start3A_310 = arith.constant 0 : i32
        %dma_start3A_311 = arith.constant 0 : i32
        %dma_start3A_312 = tpu.memref_slice %arg2[%dma_start3A_310, %dma_start3A_311] : memref<10000x128xf32, #tpu.memory_space<hbm>> -> memref<10000x128xf32, #tpu.memory_space<hbm>>
        tpu.enqueue_indirect_dma source(%dma_start3A_312 : memref<10000x128xf32, #tpu.memory_space<hbm>>) target(%arg12 : memref<128x128xf32, #tpu.memory_space<vmem>>) offsets(%dma_start3A_309 : memref<128xi32, #tpu.memory_space<vmem>>) semaphore(%run_scoped3A_306 : memref<!tpu.dma_semaphore, #tpu.memory_space<semaphore_mem>>)
        %dma_wait3A_313 = arith.constant 0 : i32
        %dma_wait3A_314 = tpu.memref_slice %arg9[%add3A_263, %dma_wait3A_313] : memref<40x128xi32, #tpu.memory_space<vmem>> -> memref<1x128xi32, #tpu.memory_space<vmem>>
        %dma_wait3A_315 = tpu.memref_squeeze %dma_wait3A_314 : memref<1x128xi32, #tpu.memory_space<vmem>> -> memref<128xi32, #tpu.memory_space<vmem>>
        %dma_wait3A_316 = arith.constant 0 : i32
        %dma_wait3A_317 = arith.constant 0 : i32
        %dma_wait3A_318 = tpu.memref_slice %arg2[%dma_wait3A_316, %dma_wait3A_317] : memref<10000x128xf32, #tpu.memory_space<hbm>> -> memref<10000x128xf32, #tpu.memory_space<hbm>>
        tpu.wait_indirect_dma semaphore(%run_scoped3A_306 : memref<!tpu.dma_semaphore, #tpu.memory_space<semaphore_mem>>) src(%dma_wait3A_318 : memref<10000x128xf32, #tpu.memory_space<hbm>>) dst(%arg12 : memref<128x128xf32, #tpu.memory_space<vmem>>)
        tpu.yield
      }) : () -> ()
      %mul3A_264 = arith.constant 2 : i32
      %mul3A_265 = arith.muli %mul3A_264, %add3A_259 : i32
      %dma_wait3A_266 = arith.constant 0 : i32
      %dma_wait3A_267 = tpu.memref_slice %arg10[%mul3A_265, %dma_wait3A_266] : memref<40x128xi32, #tpu.memory_space<vmem>> -> memref<1x128xi32, #tpu.memory_space<vmem>>
      %dma_wait3A_268 = tpu.memref_squeeze %dma_wait3A_267 : memref<1x128xi32, #tpu.memory_space<vmem>> -> memref<128xi32, #tpu.memory_space<vmem>>
      %dma_wait3A_269 = arith.constant 0 : i32
      %dma_wait3A_270 = arith.constant 0 : i32
      %dma_wait3A_271 = tpu.memref_slice %arg13[%dma_wait3A_269, %dma_wait3A_270] : memref<10240x128xf32, #tpu.memory_space<vmem_shared>> -> memref<10240x128xf32, #tpu.memory_space<vmem_shared>>
      tpu.wait_indirect_dma semaphore(%arg15 : memref<!tpu.dma_semaphore, #tpu.memory_space<semaphore_mem>>) src(%arg11 : memref<128x128xf32, #tpu.memory_space<vmem>>) dst(%dma_wait3A_271 : memref<10240x128xf32, #tpu.memory_space<vmem_shared>>)
      %mul3A_272 = arith.constant 2 : i32
      %mul3A_273 = arith.muli %mul3A_272, %add3A_259 : i32
      %add3A_274 = arith.constant 1 : i32
      %add3A_275 = arith.addi %mul3A_273, %add3A_274 : i32
      %dma_start3A_276 = arith.constant 0 : i32
      %dma_start3A_277 = tpu.memref_slice %arg10[%add3A_275, %dma_start3A_276] : memref<40x128xi32, #tpu.memory_space<vmem>> -> memref<1x128xi32, #tpu.memory_space<vmem>>
      %dma_start3A_278 = tpu.memref_squeeze %dma_start3A_277 : memref<1x128xi32, #tpu.memory_space<vmem>> -> memref<128xi32, #tpu.memory_space<vmem>>
      %dma_start3A_279 = arith.constant 0 : i32
      %dma_start3A_280 = arith.constant 0 : i32
      %dma_start3A_281 = tpu.memref_slice %arg13[%dma_start3A_279, %dma_start3A_280] : memref<10240x128xf32, #tpu.memory_space<vmem_shared>> -> memref<10240x128xf32, #tpu.memory_space<vmem_shared>>
      tpu.enqueue_indirect_dma source(%arg12 : memref<128x128xf32, #tpu.memory_space<vmem>>) target(%dma_start3A_281 : memref<10240x128xf32, #tpu.memory_space<vmem_shared>>) offsets(%dma_start3A_278 : memref<128xi32, #tpu.memory_space<vmem>>) semaphore(%arg16 : memref<!tpu.dma_semaphore, #tpu.memory_space<semaphore_mem>>) {add = true}
      %mul3A_282 = arith.constant 2 : i32
      %mul3A_283 = arith.muli %mul3A_282, %add3A_259 : i32
      %add3A_284 = arith.constant 2 : i32
      %add3A_285 = arith.addi %mul3A_283, %add3A_284 : i32
      "tpu.region"() ({
        %run_scoped3A_306 = tpu.sem_alloc : memref<!tpu.dma_semaphore, #tpu.memory_space<semaphore_mem>>
        %dma_start3A_307 = arith.constant 0 : i32
        %dma_start3A_308 = tpu.memref_slice %arg9[%add3A_285, %dma_start3A_307] : memref<40x128xi32, #tpu.memory_space<vmem>> -> memref<1x128xi32, #tpu.memory_space<vmem>>
        %dma_start3A_309 = tpu.memref_squeeze %dma_start3A_308 : memref<1x128xi32, #tpu.memory_space<vmem>> -> memref<128xi32, #tpu.memory_space<vmem>>
        %dma_start3A_310 = arith.constant 0 : i32
        %dma_start3A_311 = arith.constant 0 : i32
        %dma_start3A_312 = tpu.memref_slice %arg2[%dma_start3A_310, %dma_start3A_311] : memref<10000x128xf32, #tpu.memory_space<hbm>> -> memref<10000x128xf32, #tpu.memory_space<hbm>>
        tpu.enqueue_indirect_dma source(%dma_start3A_312 : memref<10000x128xf32, #tpu.memory_space<hbm>>) target(%arg11 : memref<128x128xf32, #tpu.memory_space<vmem>>) offsets(%dma_start3A_309 : memref<128xi32, #tpu.memory_space<vmem>>) semaphore(%run_scoped3A_306 : memref<!tpu.dma_semaphore, #tpu.memory_space<semaphore_mem>>)
        %dma_wait3A_313 = arith.constant 0 : i32
        %dma_wait3A_314 = tpu.memref_slice %arg9[%add3A_285, %dma_wait3A_313] : memref<40x128xi32, #tpu.memory_space<vmem>> -> memref<1x128xi32, #tpu.memory_space<vmem>>
        %dma_wait3A_315 = tpu.memref_squeeze %dma_wait3A_314 : memref<1x128xi32, #tpu.memory_space<vmem>> -> memref<128xi32, #tpu.memory_space<vmem>>
        %dma_wait3A_316 = arith.constant 0 : i32
        %dma_wait3A_317 = arith.constant 0 : i32
        %dma_wait3A_318 = tpu.memref_slice %arg2[%dma_wait3A_316, %dma_wait3A_317] : memref<10000x128xf32, #tpu.memory_space<hbm>> -> memref<10000x128xf32, #tpu.memory_space<hbm>>
        tpu.wait_indirect_dma semaphore(%run_scoped3A_306 : memref<!tpu.dma_semaphore, #tpu.memory_space<semaphore_mem>>) src(%dma_wait3A_318 : memref<10000x128xf32, #tpu.memory_space<hbm>>) dst(%arg11 : memref<128x128xf32, #tpu.memory_space<vmem>>)
        tpu.yield
      }) : () -> ()
      %mul3A_286 = arith.constant 2 : i32
      %mul3A_287 = arith.muli %mul3A_286, %add3A_259 : i32
      %add3A_288 = arith.constant 1 : i32
      %add3A_289 = arith.addi %mul3A_287, %add3A_288 : i32
      %dma_wait3A_290 = arith.constant 0 : i32
      %dma_wait3A_291 = tpu.memref_slice %arg10[%add3A_289, %dma_wait3A_290] : memref<40x128xi32, #tpu.memory_space<vmem>> -> memref<1x128xi32, #tpu.memory_space<vmem>>
      %dma_wait3A_292 = tpu.memref_squeeze %dma_wait3A_291 : memref<1x128xi32, #tpu.memory_space<vmem>> -> memref<128xi32, #tpu.memory_space<vmem>>
      %dma_wait3A_293 = arith.constant 0 : i32
      %dma_wait3A_294 = arith.constant 0 : i32
      %dma_wait3A_295 = tpu.memref_slice %arg13[%dma_wait3A_293, %dma_wait3A_294] : memref<10240x128xf32, #tpu.memory_space<vmem_shared>> -> memref<10240x128xf32, #tpu.memory_space<vmem_shared>>
      tpu.wait_indirect_dma semaphore(%arg16 : memref<!tpu.dma_semaphore, #tpu.memory_space<semaphore_mem>>) src(%arg12 : memref<128x128xf32, #tpu.memory_space<vmem>>) dst(%dma_wait3A_295 : memref<10240x128xf32, #tpu.memory_space<vmem_shared>>)
      %mul3A_296 = arith.constant 2 : i32
      %mul3A_297 = arith.muli %mul3A_296, %add3A_259 : i32
      %add3A_298 = arith.constant 2 : i32
      %add3A_299 = arith.addi %mul3A_297, %add3A_298 : i32
      %dma_start3A_300 = arith.constant 0 : i32
      %dma_start3A_301 = tpu.memref_slice %arg10[%add3A_299, %dma_start3A_300] : memref<40x128xi32, #tpu.memory_space<vmem>> -> memref<1x128xi32, #tpu.memory_space<vmem>>
      %dma_start3A_302 = tpu.memref_squeeze %dma_start3A_301 : memref<1x128xi32, #tpu.memory_space<vmem>> -> memref<128xi32, #tpu.memory_space<vmem>>
      %dma_start3A_303 = arith.constant 0 : i32
      %dma_start3A_304 = arith.constant 0 : i32
      %dma_start3A_305 = tpu.memref_slice %arg13[%dma_start3A_303, %dma_start3A_304] : memref<10240x128xf32, #tpu.memory_space<vmem_shared>> -> memref<10240x128xf32, #tpu.memory_space<vmem_shared>>
      tpu.enqueue_indirect_dma source(%arg11 : memref<128x128xf32, #tpu.memory_space<vmem>>) target(%dma_start3A_305 : memref<10240x128xf32, #tpu.memory_space<vmem_shared>>) offsets(%dma_start3A_302 : memref<128xi32, #tpu.memory_space<vmem>>) semaphore(%arg15 : memref<!tpu.dma_semaphore, #tpu.memory_space<semaphore_mem>>) {add = true}
    }
    %scan3A_57 = arith.constant 19 : i32
    %run_scoped3A_58 = arith.constant 39 : i32
    "tpu.region"() ({
      %run_scoped3A_255 = tpu.sem_alloc : memref<!tpu.dma_semaphore, #tpu.memory_space<semaphore_mem>>
      %dma_start3A_256 = arith.constant 0 : i32
      %dma_start3A_257 = tpu.memref_slice %arg9[%run_scoped3A_58, %dma_start3A_256] : memref<40x128xi32, #tpu.memory_space<vmem>> -> memref<1x128xi32, #tpu.memory_space<vmem>>
      %dma_start3A_258 = tpu.memref_squeeze %dma_start3A_257 : memref<1x128xi32, #tpu.memory_space<vmem>> -> memref<128xi32, #tpu.memory_space<vmem>>
      %dma_start3A_259 = arith.constant 0 : i32
      %dma_start3A_260 = arith.constant 0 : i32
      %dma_start3A_261 = tpu.memref_slice %arg2[%dma_start3A_259, %dma_start3A_260] : memref<10000x128xf32, #tpu.memory_space<hbm>> -> memref<10000x128xf32, #tpu.memory_space<hbm>>
      tpu.enqueue_indirect_dma source(%dma_start3A_261 : memref<10000x128xf32, #tpu.memory_space<hbm>>) target(%arg12 : memref<128x128xf32, #tpu.memory_space<vmem>>) offsets(%dma_start3A_258 : memref<128xi32, #tpu.memory_space<vmem>>) semaphore(%run_scoped3A_255 : memref<!tpu.dma_semaphore, #tpu.memory_space<semaphore_mem>>)
      %dma_wait3A_262 = arith.constant 0 : i32
      %dma_wait3A_263 = tpu.memref_slice %arg9[%run_scoped3A_58, %dma_wait3A_262] : memref<40x128xi32, #tpu.memory_space<vmem>> -> memref<1x128xi32, #tpu.memory_space<vmem>>
      %dma_wait3A_264 = tpu.memref_squeeze %dma_wait3A_263 : memref<1x128xi32, #tpu.memory_space<vmem>> -> memref<128xi32, #tpu.memory_space<vmem>>
      %dma_wait3A_265 = arith.constant 0 : i32
      %dma_wait3A_266 = arith.constant 0 : i32
      %dma_wait3A_267 = tpu.memref_slice %arg2[%dma_wait3A_265, %dma_wait3A_266] : memref<10000x128xf32, #tpu.memory_space<hbm>> -> memref<10000x128xf32, #tpu.memory_space<hbm>>
      tpu.wait_indirect_dma semaphore(%run_scoped3A_255 : memref<!tpu.dma_semaphore, #tpu.memory_space<semaphore_mem>>) src(%dma_wait3A_267 : memref<10000x128xf32, #tpu.memory_space<hbm>>) dst(%arg12 : memref<128x128xf32, #tpu.memory_space<vmem>>)
      tpu.yield
    }) : () -> ()
    %dma_wait3A_59 = arith.constant 38 : i32
    %dma_wait3A_60 = arith.constant 0 : i32
    %dma_wait3A_61 = tpu.memref_slice %arg10[%dma_wait3A_59, %dma_wait3A_60] : memref<40x128xi32, #tpu.memory_space<vmem>> -> memref<1x128xi32, #tpu.memory_space<vmem>>
    %dma_wait3A_62 = tpu.memref_squeeze %dma_wait3A_61 : memref<1x128xi32, #tpu.memory_space<vmem>> -> memref<128xi32, #tpu.memory_space<vmem>>
    %dma_wait3A_63 = arith.constant 0 : i32
    %dma_wait3A_64 = arith.constant 0 : i32
    %dma_wait3A_65 = tpu.memref_slice %arg13[%dma_wait3A_63, %dma_wait3A_64] : memref<10240x128xf32, #tpu.memory_space<vmem_shared>> -> memref<10240x128xf32, #tpu.memory_space<vmem_shared>>
    tpu.wait_indirect_dma semaphore(%arg15 : memref<!tpu.dma_semaphore, #tpu.memory_space<semaphore_mem>>) src(%arg11 : memref<128x128xf32, #tpu.memory_space<vmem>>) dst(%dma_wait3A_65 : memref<10240x128xf32, #tpu.memory_space<vmem_shared>>)
    %dma_start3A_66 = arith.constant 39 : i32
    %dma_start3A_67 = arith.constant 0 : i32
    %dma_start3A_68 = tpu.memref_slice %arg10[%dma_start3A_66, %dma_start3A_67] : memref<40x128xi32, #tpu.memory_space<vmem>> -> memref<1x128xi32, #tpu.memory_space<vmem>>
    %dma_start3A_69 = tpu.memref_squeeze %dma_start3A_68 : memref<1x128xi32, #tpu.memory_space<vmem>> -> memref<128xi32, #tpu.memory_space<vmem>>
    %dma_start3A_70 = arith.constant 0 : i32
    %dma_start3A_71 = arith.constant 0 : i32
    %dma_start3A_72 = tpu.memref_slice %arg13[%dma_start3A_70, %dma_start3A_71] : memref<10240x128xf32, #tpu.memory_space<vmem_shared>> -> memref<10240x128xf32, #tpu.memory_space<vmem_shared>>
    tpu.enqueue_indirect_dma source(%arg12 : memref<128x128xf32, #tpu.memory_space<vmem>>) target(%dma_start3A_72 : memref<10240x128xf32, #tpu.memory_space<vmem_shared>>) offsets(%dma_start3A_69 : memref<128xi32, #tpu.memory_space<vmem>>) semaphore(%arg16 : memref<!tpu.dma_semaphore, #tpu.memory_space<semaphore_mem>>) {add = true}
    %dma_wait3A_73 = arith.constant 39 : i32
    %dma_wait3A_74 = arith.constant 0 : i32
    %dma_wait3A_75 = tpu.memref_slice %arg10[%dma_wait3A_73, %dma_wait3A_74] : memref<40x128xi32, #tpu.memory_space<vmem>> -> memref<1x128xi32, #tpu.memory_space<vmem>>
    %dma_wait3A_76 = tpu.memref_squeeze %dma_wait3A_75 : memref<1x128xi32, #tpu.memory_space<vmem>> -> memref<128xi32, #tpu.memory_space<vmem>>
    %dma_wait3A_77 = arith.constant 0 : i32
    %dma_wait3A_78 = arith.constant 0 : i32
    %dma_wait3A_79 = tpu.memref_slice %arg13[%dma_wait3A_77, %dma_wait3A_78] : memref<10240x128xf32, #tpu.memory_space<vmem_shared>> -> memref<10240x128xf32, #tpu.memory_space<vmem_shared>>
    tpu.wait_indirect_dma semaphore(%arg16 : memref<!tpu.dma_semaphore, #tpu.memory_space<semaphore_mem>>) src(%arg12 : memref<128x128xf32, #tpu.memory_space<vmem>>) dst(%dma_wait3A_79 : memref<10240x128xf32, #tpu.memory_space<vmem_shared>>)
    %add3A_80 = arith.constant 40 : i32
    %add3A_81 = arith.addi %mul3A_2, %add3A_80 : i32
    %dma_start3A_82 = arith.constant 0 : i32
    %dma_start3A_83 = arith.constant 0 : i32
    %dma_start3A_84 = tpu.memref_slice %arg9[%dma_start3A_82, %dma_start3A_83] : memref<40x128xi32, #tpu.memory_space<vmem>> -> memref<32x128xi32, #tpu.memory_space<vmem>>
    %dma_start3A_85 = arith.constant 0 : i32
    %dma_start3A_86 = tpu.memref_slice %arg3[%add3A_81, %dma_start3A_85] : memref<2304x128xi32, #tpu.memory_space<hbm>> -> memref<32x128xi32, #tpu.memory_space<hbm>>
    %dma_start3A_87 = arith.constant 0 : i32
    %dma_start3A_88 = arith.constant 0 : i32
    %dma_start3A_89 = tpu.memref_slice %arg9[%dma_start3A_87, %dma_start3A_88] : memref<40x128xi32, #tpu.memory_space<vmem>> -> memref<32x128xi32, #tpu.memory_space<vmem>>
    %dma_start3A_90 = arith.constant 0 : i32
    %dma_start3A_91 = tpu.memref_slice %arg3[%add3A_81, %dma_start3A_90] : memref<2304x128xi32, #tpu.memory_space<hbm>> -> memref<32x128xi32, #tpu.memory_space<hbm>>
    tpu.enqueue_dma source(%dma_start3A_91 : memref<32x128xi32, #tpu.memory_space<hbm>>) target(%dma_start3A_89 : memref<32x128xi32, #tpu.memory_space<vmem>>) target_semaphore(%arg14 : memref<!tpu.dma_semaphore, #tpu.memory_space<semaphore_mem>>)
    %add3A_92 = arith.constant 40 : i32
    %add3A_93 = arith.addi %mul3A_2, %add3A_92 : i32
    %dma_start3A_94 = arith.constant 0 : i32
    %dma_start3A_95 = arith.constant 0 : i32
    %dma_start3A_96 = tpu.memref_slice %arg10[%dma_start3A_94, %dma_start3A_95] : memref<40x128xi32, #tpu.memory_space<vmem>> -> memref<32x128xi32, #tpu.memory_space<vmem>>
    %dma_start3A_97 = arith.constant 0 : i32
    %dma_start3A_98 = tpu.memref_slice %arg4[%add3A_93, %dma_start3A_97] : memref<2304x128xi32, #tpu.memory_space<hbm>> -> memref<32x128xi32, #tpu.memory_space<hbm>>
    %dma_start3A_99 = arith.constant 0 : i32
    %dma_start3A_100 = arith.constant 0 : i32
    %dma_start3A_101 = tpu.memref_slice %arg10[%dma_start3A_99, %dma_start3A_100] : memref<40x128xi32, #tpu.memory_space<vmem>> -> memref<32x128xi32, #tpu.memory_space<vmem>>
    %dma_start3A_102 = arith.constant 0 : i32
    %dma_start3A_103 = tpu.memref_slice %arg4[%add3A_93, %dma_start3A_102] : memref<2304x128xi32, #tpu.memory_space<hbm>> -> memref<32x128xi32, #tpu.memory_space<hbm>>
    tpu.enqueue_dma source(%dma_start3A_103 : memref<32x128xi32, #tpu.memory_space<hbm>>) target(%dma_start3A_101 : memref<32x128xi32, #tpu.memory_space<vmem>>) target_semaphore(%arg14 : memref<!tpu.dma_semaphore, #tpu.memory_space<semaphore_mem>>)
    %dma_wait3A_104 = arith.constant 0 : i32
    %dma_wait3A_105 = arith.constant 0 : i32
    %dma_wait3A_106 = tpu.memref_slice %arg9[%dma_wait3A_104, %dma_wait3A_105] : memref<40x128xi32, #tpu.memory_space<vmem>> -> memref<32x128xi32, #tpu.memory_space<vmem>>
    %dma_wait3A_107 = arith.constant 0 : i32
    %dma_wait3A_108 = tpu.memref_slice %arg3[%add3A_81, %dma_wait3A_107] : memref<2304x128xi32, #tpu.memory_space<hbm>> -> memref<32x128xi32, #tpu.memory_space<hbm>>
    %dma_wait3A_109 = arith.constant 0 : i32
    %dma_wait3A_110 = arith.constant 0 : i32
    %dma_wait3A_111 = tpu.memref_slice %arg9[%dma_wait3A_109, %dma_wait3A_110] : memref<40x128xi32, #tpu.memory_space<vmem>> -> memref<32x128xi32, #tpu.memory_space<vmem>>
    %dma_wait3A_112 = arith.constant 0 : i32
    %dma_wait3A_113 = tpu.memref_slice %arg3[%add3A_81, %dma_wait3A_112] : memref<2304x128xi32, #tpu.memory_space<hbm>> -> memref<32x128xi32, #tpu.memory_space<hbm>>
    tpu.wait_dma2 semaphore(%arg14 : memref<!tpu.dma_semaphore, #tpu.memory_space<semaphore_mem>>) src(%dma_wait3A_113 : memref<32x128xi32, #tpu.memory_space<hbm>>) dst(%dma_wait3A_111 : memref<32x128xi32, #tpu.memory_space<vmem>>)
    %dma_wait3A_114 = arith.constant 0 : i32
    %dma_wait3A_115 = arith.constant 0 : i32
    %dma_wait3A_116 = tpu.memref_slice %arg10[%dma_wait3A_114, %dma_wait3A_115] : memref<40x128xi32, #tpu.memory_space<vmem>> -> memref<32x128xi32, #tpu.memory_space<vmem>>
    %dma_wait3A_117 = arith.constant 0 : i32
    %dma_wait3A_118 = tpu.memref_slice %arg4[%add3A_93, %dma_wait3A_117] : memref<2304x128xi32, #tpu.memory_space<hbm>> -> memref<32x128xi32, #tpu.memory_space<hbm>>
    %dma_wait3A_119 = arith.constant 0 : i32
    %dma_wait3A_120 = arith.constant 0 : i32
    %dma_wait3A_121 = tpu.memref_slice %arg10[%dma_wait3A_119, %dma_wait3A_120] : memref<40x128xi32, #tpu.memory_space<vmem>> -> memref<32x128xi32, #tpu.memory_space<vmem>>
    %dma_wait3A_122 = arith.constant 0 : i32
    %dma_wait3A_123 = tpu.memref_slice %arg4[%add3A_93, %dma_wait3A_122] : memref<2304x128xi32, #tpu.memory_space<hbm>> -> memref<32x128xi32, #tpu.memory_space<hbm>>
    tpu.wait_dma2 semaphore(%arg14 : memref<!tpu.dma_semaphore, #tpu.memory_space<semaphore_mem>>) src(%dma_wait3A_123 : memref<32x128xi32, #tpu.memory_space<hbm>>) dst(%dma_wait3A_121 : memref<32x128xi32, #tpu.memory_space<vmem>>)
    %run_scoped3A_124 = arith.constant 0 : i32
    "tpu.region"() ({
      %run_scoped3A_255 = tpu.sem_alloc : memref<!tpu.dma_semaphore, #tpu.memory_space<semaphore_mem>>
      %dma_start3A_256 = arith.constant 0 : i32
      %dma_start3A_257 = tpu.memref_slice %arg9[%run_scoped3A_124, %dma_start3A_256] : memref<40x128xi32, #tpu.memory_space<vmem>> -> memref<1x128xi32, #tpu.memory_space<vmem>>
      %dma_start3A_258 = tpu.memref_squeeze %dma_start3A_257 : memref<1x128xi32, #tpu.memory_space<vmem>> -> memref<128xi32, #tpu.memory_space<vmem>>
      %dma_start3A_259 = arith.constant 0 : i32
      %dma_start3A_260 = arith.constant 0 : i32
      %dma_start3A_261 = tpu.memref_slice %arg2[%dma_start3A_259, %dma_start3A_260] : memref<10000x128xf32, #tpu.memory_space<hbm>> -> memref<10000x128xf32, #tpu.memory_space<hbm>>
      tpu.enqueue_indirect_dma source(%dma_start3A_261 : memref<10000x128xf32, #tpu.memory_space<hbm>>) target(%arg11 : memref<128x128xf32, #tpu.memory_space<vmem>>) offsets(%dma_start3A_258 : memref<128xi32, #tpu.memory_space<vmem>>) semaphore(%run_scoped3A_255 : memref<!tpu.dma_semaphore, #tpu.memory_space<semaphore_mem>>)
      %dma_wait3A_262 = arith.constant 0 : i32
      %dma_wait3A_263 = tpu.memref_slice %arg9[%run_scoped3A_124, %dma_wait3A_262] : memref<40x128xi32, #tpu.memory_space<vmem>> -> memref<1x128xi32, #tpu.memory_space<vmem>>
      %dma_wait3A_264 = tpu.memref_squeeze %dma_wait3A_263 : memref<1x128xi32, #tpu.memory_space<vmem>> -> memref<128xi32, #tpu.memory_space<vmem>>
      %dma_wait3A_265 = arith.constant 0 : i32
      %dma_wait3A_266 = arith.constant 0 : i32
      %dma_wait3A_267 = tpu.memref_slice %arg2[%dma_wait3A_265, %dma_wait3A_266] : memref<10000x128xf32, #tpu.memory_space<hbm>> -> memref<10000x128xf32, #tpu.memory_space<hbm>>
      tpu.wait_indirect_dma semaphore(%run_scoped3A_255 : memref<!tpu.dma_semaphore, #tpu.memory_space<semaphore_mem>>) src(%dma_wait3A_267 : memref<10000x128xf32, #tpu.memory_space<hbm>>) dst(%arg11 : memref<128x128xf32, #tpu.memory_space<vmem>>)
      tpu.yield
    }) : () -> ()
    %dma_start3A_125 = arith.constant 0 : i32
    %dma_start3A_126 = arith.constant 0 : i32
    %dma_start3A_127 = tpu.memref_slice %arg10[%dma_start3A_125, %dma_start3A_126] : memref<40x128xi32, #tpu.memory_space<vmem>> -> memref<1x128xi32, #tpu.memory_space<vmem>>
    %dma_start3A_128 = tpu.memref_squeeze %dma_start3A_127 : memref<1x128xi32, #tpu.memory_space<vmem>> -> memref<128xi32, #tpu.memory_space<vmem>>
    %dma_start3A_129 = arith.constant 0 : i32
    %dma_start3A_130 = arith.constant 0 : i32
    %dma_start3A_131 = tpu.memref_slice %arg13[%dma_start3A_129, %dma_start3A_130] : memref<10240x128xf32, #tpu.memory_space<vmem_shared>> -> memref<10240x128xf32, #tpu.memory_space<vmem_shared>>
    tpu.enqueue_indirect_dma source(%arg11 : memref<128x128xf32, #tpu.memory_space<vmem>>) target(%dma_start3A_131 : memref<10240x128xf32, #tpu.memory_space<vmem_shared>>) offsets(%dma_start3A_128 : memref<128xi32, #tpu.memory_space<vmem>>) semaphore(%arg15 : memref<!tpu.dma_semaphore, #tpu.memory_space<semaphore_mem>>) {add = true}
    %scan3A_132 = arith.constant 0 : i32
    %scan3A_133 = arith.constant 15 : i32
    %scan3A_134 = arith.addi %scan3A_132, %scan3A_133 : i32
    %scan3A_135 = arith.constant 1 : i32
    scf.for %scan3A_255 = %scan3A_132 to %scan3A_134 step %scan3A_135  : i32 {
      %mul3A_256 = arith.constant 1 : i32
      %mul3A_257 = arith.muli %scan3A_255, %mul3A_256 : i32
      %add3A_258 = arith.constant 0 : i32
      %add3A_259 = arith.addi %add3A_258, %mul3A_257 : i32
      %mul3A_260 = arith.constant 2 : i32
      %mul3A_261 = arith.muli %mul3A_260, %add3A_259 : i32
      %add3A_262 = arith.constant 1 : i32
      %add3A_263 = arith.addi %mul3A_261, %add3A_262 : i32
      "tpu.region"() ({
        %run_scoped3A_306 = tpu.sem_alloc : memref<!tpu.dma_semaphore, #tpu.memory_space<semaphore_mem>>
        %dma_start3A_307 = arith.constant 0 : i32
        %dma_start3A_308 = tpu.memref_slice %arg9[%add3A_263, %dma_start3A_307] : memref<40x128xi32, #tpu.memory_space<vmem>> -> memref<1x128xi32, #tpu.memory_space<vmem>>
        %dma_start3A_309 = tpu.memref_squeeze %dma_start3A_308 : memref<1x128xi32, #tpu.memory_space<vmem>> -> memref<128xi32, #tpu.memory_space<vmem>>
        %dma_start3A_310 = arith.constant 0 : i32
        %dma_start3A_311 = arith.constant 0 : i32
        %dma_start3A_312 = tpu.memref_slice %arg2[%dma_start3A_310, %dma_start3A_311] : memref<10000x128xf32, #tpu.memory_space<hbm>> -> memref<10000x128xf32, #tpu.memory_space<hbm>>
        tpu.enqueue_indirect_dma source(%dma_start3A_312 : memref<10000x128xf32, #tpu.memory_space<hbm>>) target(%arg12 : memref<128x128xf32, #tpu.memory_space<vmem>>) offsets(%dma_start3A_309 : memref<128xi32, #tpu.memory_space<vmem>>) semaphore(%run_scoped3A_306 : memref<!tpu.dma_semaphore, #tpu.memory_space<semaphore_mem>>)
        %dma_wait3A_313 = arith.constant 0 : i32
        %dma_wait3A_314 = tpu.memref_slice %arg9[%add3A_263, %dma_wait3A_313] : memref<40x128xi32, #tpu.memory_space<vmem>> -> memref<1x128xi32, #tpu.memory_space<vmem>>
        %dma_wait3A_315 = tpu.memref_squeeze %dma_wait3A_314 : memref<1x128xi32, #tpu.memory_space<vmem>> -> memref<128xi32, #tpu.memory_space<vmem>>
        %dma_wait3A_316 = arith.constant 0 : i32
        %dma_wait3A_317 = arith.constant 0 : i32
        %dma_wait3A_318 = tpu.memref_slice %arg2[%dma_wait3A_316, %dma_wait3A_317] : memref<10000x128xf32, #tpu.memory_space<hbm>> -> memref<10000x128xf32, #tpu.memory_space<hbm>>
        tpu.wait_indirect_dma semaphore(%run_scoped3A_306 : memref<!tpu.dma_semaphore, #tpu.memory_space<semaphore_mem>>) src(%dma_wait3A_318 : memref<10000x128xf32, #tpu.memory_space<hbm>>) dst(%arg12 : memref<128x128xf32, #tpu.memory_space<vmem>>)
        tpu.yield
      }) : () -> ()
      %mul3A_264 = arith.constant 2 : i32
      %mul3A_265 = arith.muli %mul3A_264, %add3A_259 : i32
      %dma_wait3A_266 = arith.constant 0 : i32
      %dma_wait3A_267 = tpu.memref_slice %arg10[%mul3A_265, %dma_wait3A_266] : memref<40x128xi32, #tpu.memory_space<vmem>> -> memref<1x128xi32, #tpu.memory_space<vmem>>
      %dma_wait3A_268 = tpu.memref_squeeze %dma_wait3A_267 : memref<1x128xi32, #tpu.memory_space<vmem>> -> memref<128xi32, #tpu.memory_space<vmem>>
      %dma_wait3A_269 = arith.constant 0 : i32
      %dma_wait3A_270 = arith.constant 0 : i32
      %dma_wait3A_271 = tpu.memref_slice %arg13[%dma_wait3A_269, %dma_wait3A_270] : memref<10240x128xf32, #tpu.memory_space<vmem_shared>> -> memref<10240x128xf32, #tpu.memory_space<vmem_shared>>
      tpu.wait_indirect_dma semaphore(%arg15 : memref<!tpu.dma_semaphore, #tpu.memory_space<semaphore_mem>>) src(%arg11 : memref<128x128xf32, #tpu.memory_space<vmem>>) dst(%dma_wait3A_271 : memref<10240x128xf32, #tpu.memory_space<vmem_shared>>)
      %mul3A_272 = arith.constant 2 : i32
      %mul3A_273 = arith.muli %mul3A_272, %add3A_259 : i32
      %add3A_274 = arith.constant 1 : i32
      %add3A_275 = arith.addi %mul3A_273, %add3A_274 : i32
      %dma_start3A_276 = arith.constant 0 : i32
      %dma_start3A_277 = tpu.memref_slice %arg10[%add3A_275, %dma_start3A_276] : memref<40x128xi32, #tpu.memory_space<vmem>> -> memref<1x128xi32, #tpu.memory_space<vmem>>
      %dma_start3A_278 = tpu.memref_squeeze %dma_start3A_277 : memref<1x128xi32, #tpu.memory_space<vmem>> -> memref<128xi32, #tpu.memory_space<vmem>>
      %dma_start3A_279 = arith.constant 0 : i32
      %dma_start3A_280 = arith.constant 0 : i32
      %dma_start3A_281 = tpu.memref_slice %arg13[%dma_start3A_279, %dma_start3A_280] : memref<10240x128xf32, #tpu.memory_space<vmem_shared>> -> memref<10240x128xf32, #tpu.memory_space<vmem_shared>>
      tpu.enqueue_indirect_dma source(%arg12 : memref<128x128xf32, #tpu.memory_space<vmem>>) target(%dma_start3A_281 : memref<10240x128xf32, #tpu.memory_space<vmem_shared>>) offsets(%dma_start3A_278 : memref<128xi32, #tpu.memory_space<vmem>>) semaphore(%arg16 : memref<!tpu.dma_semaphore, #tpu.memory_space<semaphore_mem>>) {add = true}
      %mul3A_282 = arith.constant 2 : i32
      %mul3A_283 = arith.muli %mul3A_282, %add3A_259 : i32
      %add3A_284 = arith.constant 2 : i32
      %add3A_285 = arith.addi %mul3A_283, %add3A_284 : i32
      "tpu.region"() ({
        %run_scoped3A_306 = tpu.sem_alloc : memref<!tpu.dma_semaphore, #tpu.memory_space<semaphore_mem>>
        %dma_start3A_307 = arith.constant 0 : i32
        %dma_start3A_308 = tpu.memref_slice %arg9[%add3A_285, %dma_start3A_307] : memref<40x128xi32, #tpu.memory_space<vmem>> -> memref<1x128xi32, #tpu.memory_space<vmem>>
        %dma_start3A_309 = tpu.memref_squeeze %dma_start3A_308 : memref<1x128xi32, #tpu.memory_space<vmem>> -> memref<128xi32, #tpu.memory_space<vmem>>
        %dma_start3A_310 = arith.constant 0 : i32
        %dma_start3A_311 = arith.constant 0 : i32
        %dma_start3A_312 = tpu.memref_slice %arg2[%dma_start3A_310, %dma_start3A_311] : memref<10000x128xf32, #tpu.memory_space<hbm>> -> memref<10000x128xf32, #tpu.memory_space<hbm>>
        tpu.enqueue_indirect_dma source(%dma_start3A_312 : memref<10000x128xf32, #tpu.memory_space<hbm>>) target(%arg11 : memref<128x128xf32, #tpu.memory_space<vmem>>) offsets(%dma_start3A_309 : memref<128xi32, #tpu.memory_space<vmem>>) semaphore(%run_scoped3A_306 : memref<!tpu.dma_semaphore, #tpu.memory_space<semaphore_mem>>)
        %dma_wait3A_313 = arith.constant 0 : i32
        %dma_wait3A_314 = tpu.memref_slice %arg9[%add3A_285, %dma_wait3A_313] : memref<40x128xi32, #tpu.memory_space<vmem>> -> memref<1x128xi32, #tpu.memory_space<vmem>>
        %dma_wait3A_315 = tpu.memref_squeeze %dma_wait3A_314 : memref<1x128xi32, #tpu.memory_space<vmem>> -> memref<128xi32, #tpu.memory_space<vmem>>
        %dma_wait3A_316 = arith.constant 0 : i32
        %dma_wait3A_317 = arith.constant 0 : i32
        %dma_wait3A_318 = tpu.memref_slice %arg2[%dma_wait3A_316, %dma_wait3A_317] : memref<10000x128xf32, #tpu.memory_space<hbm>> -> memref<10000x128xf32, #tpu.memory_space<hbm>>
        tpu.wait_indirect_dma semaphore(%run_scoped3A_306 : memref<!tpu.dma_semaphore, #tpu.memory_space<semaphore_mem>>) src(%dma_wait3A_318 : memref<10000x128xf32, #tpu.memory_space<hbm>>) dst(%arg11 : memref<128x128xf32, #tpu.memory_space<vmem>>)
        tpu.yield
      }) : () -> ()
      %mul3A_286 = arith.constant 2 : i32
      %mul3A_287 = arith.muli %mul3A_286, %add3A_259 : i32
      %add3A_288 = arith.constant 1 : i32
      %add3A_289 = arith.addi %mul3A_287, %add3A_288 : i32
      %dma_wait3A_290 = arith.constant 0 : i32
      %dma_wait3A_291 = tpu.memref_slice %arg10[%add3A_289, %dma_wait3A_290] : memref<40x128xi32, #tpu.memory_space<vmem>> -> memref<1x128xi32, #tpu.memory_space<vmem>>
      %dma_wait3A_292 = tpu.memref_squeeze %dma_wait3A_291 : memref<1x128xi32, #tpu.memory_space<vmem>> -> memref<128xi32, #tpu.memory_space<vmem>>
      %dma_wait3A_293 = arith.constant 0 : i32
      %dma_wait3A_294 = arith.constant 0 : i32
      %dma_wait3A_295 = tpu.memref_slice %arg13[%dma_wait3A_293, %dma_wait3A_294] : memref<10240x128xf32, #tpu.memory_space<vmem_shared>> -> memref<10240x128xf32, #tpu.memory_space<vmem_shared>>
      tpu.wait_indirect_dma semaphore(%arg16 : memref<!tpu.dma_semaphore, #tpu.memory_space<semaphore_mem>>) src(%arg12 : memref<128x128xf32, #tpu.memory_space<vmem>>) dst(%dma_wait3A_295 : memref<10240x128xf32, #tpu.memory_space<vmem_shared>>)
      %mul3A_296 = arith.constant 2 : i32
      %mul3A_297 = arith.muli %mul3A_296, %add3A_259 : i32
      %add3A_298 = arith.constant 2 : i32
      %add3A_299 = arith.addi %mul3A_297, %add3A_298 : i32
      %dma_start3A_300 = arith.constant 0 : i32
      %dma_start3A_301 = tpu.memref_slice %arg10[%add3A_299, %dma_start3A_300] : memref<40x128xi32, #tpu.memory_space<vmem>> -> memref<1x128xi32, #tpu.memory_space<vmem>>
      %dma_start3A_302 = tpu.memref_squeeze %dma_start3A_301 : memref<1x128xi32, #tpu.memory_space<vmem>> -> memref<128xi32, #tpu.memory_space<vmem>>
      %dma_start3A_303 = arith.constant 0 : i32
      %dma_start3A_304 = arith.constant 0 : i32
      %dma_start3A_305 = tpu.memref_slice %arg13[%dma_start3A_303, %dma_start3A_304] : memref<10240x128xf32, #tpu.memory_space<vmem_shared>> -> memref<10240x128xf32, #tpu.memory_space<vmem_shared>>
      tpu.enqueue_indirect_dma source(%arg11 : memref<128x128xf32, #tpu.memory_space<vmem>>) target(%dma_start3A_305 : memref<10240x128xf32, #tpu.memory_space<vmem_shared>>) offsets(%dma_start3A_302 : memref<128xi32, #tpu.memory_space<vmem>>) semaphore(%arg15 : memref<!tpu.dma_semaphore, #tpu.memory_space<semaphore_mem>>) {add = true}
    }
    %scan3A_136 = arith.constant 15 : i32
    %run_scoped3A_137 = arith.constant 31 : i32
    "tpu.region"() ({
      %run_scoped3A_255 = tpu.sem_alloc : memref<!tpu.dma_semaphore, #tpu.memory_space<semaphore_mem>>
      %dma_start3A_256 = arith.constant 0 : i32
      %dma_start3A_257 = tpu.memref_slice %arg9[%run_scoped3A_137, %dma_start3A_256] : memref<40x128xi32, #tpu.memory_space<vmem>> -> memref<1x128xi32, #tpu.memory_space<vmem>>
      %dma_start3A_258 = tpu.memref_squeeze %dma_start3A_257 : memref<1x128xi32, #tpu.memory_space<vmem>> -> memref<128xi32, #tpu.memory_space<vmem>>
      %dma_start3A_259 = arith.constant 0 : i32
      %dma_start3A_260 = arith.constant 0 : i32
      %dma_start3A_261 = tpu.memref_slice %arg2[%dma_start3A_259, %dma_start3A_260] : memref<10000x128xf32, #tpu.memory_space<hbm>> -> memref<10000x128xf32, #tpu.memory_space<hbm>>
      tpu.enqueue_indirect_dma source(%dma_start3A_261 : memref<10000x128xf32, #tpu.memory_space<hbm>>) target(%arg12 : memref<128x128xf32, #tpu.memory_space<vmem>>) offsets(%dma_start3A_258 : memref<128xi32, #tpu.memory_space<vmem>>) semaphore(%run_scoped3A_255 : memref<!tpu.dma_semaphore, #tpu.memory_space<semaphore_mem>>)
      %dma_wait3A_262 = arith.constant 0 : i32
      %dma_wait3A_263 = tpu.memref_slice %arg9[%run_scoped3A_137, %dma_wait3A_262] : memref<40x128xi32, #tpu.memory_space<vmem>> -> memref<1x128xi32, #tpu.memory_space<vmem>>
      %dma_wait3A_264 = tpu.memref_squeeze %dma_wait3A_263 : memref<1x128xi32, #tpu.memory_space<vmem>> -> memref<128xi32, #tpu.memory_space<vmem>>
      %dma_wait3A_265 = arith.constant 0 : i32
      %dma_wait3A_266 = arith.constant 0 : i32
      %dma_wait3A_267 = tpu.memref_slice %arg2[%dma_wait3A_265, %dma_wait3A_266] : memref<10000x128xf32, #tpu.memory_space<hbm>> -> memref<10000x128xf32, #tpu.memory_space<hbm>>
      tpu.wait_indirect_dma semaphore(%run_scoped3A_255 : memref<!tpu.dma_semaphore, #tpu.memory_space<semaphore_mem>>) src(%dma_wait3A_267 : memref<10000x128xf32, #tpu.memory_space<hbm>>) dst(%arg12 : memref<128x128xf32, #tpu.memory_space<vmem>>)
      tpu.yield
    }) : () -> ()
    %dma_wait3A_138 = arith.constant 30 : i32
    %dma_wait3A_139 = arith.constant 0 : i32
    %dma_wait3A_140 = tpu.memref_slice %arg10[%dma_wait3A_138, %dma_wait3A_139] : memref<40x128xi32, #tpu.memory_space<vmem>> -> memref<1x128xi32, #tpu.memory_space<vmem>>
    %dma_wait3A_141 = tpu.memref_squeeze %dma_wait3A_140 : memref<1x128xi32, #tpu.memory_space<vmem>> -> memref<128xi32, #tpu.memory_space<vmem>>
    %dma_wait3A_142 = arith.constant 0 : i32
    %dma_wait3A_143 = arith.constant 0 : i32
    %dma_wait3A_144 = tpu.memref_slice %arg13[%dma_wait3A_142, %dma_wait3A_143] : memref<10240x128xf32, #tpu.memory_space<vmem_shared>> -> memref<10240x128xf32, #tpu.memory_space<vmem_shared>>
    tpu.wait_indirect_dma semaphore(%arg15 : memref<!tpu.dma_semaphore, #tpu.memory_space<semaphore_mem>>) src(%arg11 : memref<128x128xf32, #tpu.memory_space<vmem>>) dst(%dma_wait3A_144 : memref<10240x128xf32, #tpu.memory_space<vmem_shared>>)
    %dma_start3A_145 = arith.constant 31 : i32
    %dma_start3A_146 = arith.constant 0 : i32
    %dma_start3A_147 = tpu.memref_slice %arg10[%dma_start3A_145, %dma_start3A_146] : memref<40x128xi32, #tpu.memory_space<vmem>> -> memref<1x128xi32, #tpu.memory_space<vmem>>
    %dma_start3A_148 = tpu.memref_squeeze %dma_start3A_147 : memref<1x128xi32, #tpu.memory_space<vmem>> -> memref<128xi32, #tpu.memory_space<vmem>>
    %dma_start3A_149 = arith.constant 0 : i32
    %dma_start3A_150 = arith.constant 0 : i32
    %dma_start3A_151 = tpu.memref_slice %arg13[%dma_start3A_149, %dma_start3A_150] : memref<10240x128xf32, #tpu.memory_space<vmem_shared>> -> memref<10240x128xf32, #tpu.memory_space<vmem_shared>>
    tpu.enqueue_indirect_dma source(%arg12 : memref<128x128xf32, #tpu.memory_space<vmem>>) target(%dma_start3A_151 : memref<10240x128xf32, #tpu.memory_space<vmem_shared>>) offsets(%dma_start3A_148 : memref<128xi32, #tpu.memory_space<vmem>>) semaphore(%arg16 : memref<!tpu.dma_semaphore, #tpu.memory_space<semaphore_mem>>) {add = true}
    %dma_wait3A_152 = arith.constant 31 : i32
    %dma_wait3A_153 = arith.constant 0 : i32
    %dma_wait3A_154 = tpu.memref_slice %arg10[%dma_wait3A_152, %dma_wait3A_153] : memref<40x128xi32, #tpu.memory_space<vmem>> -> memref<1x128xi32, #tpu.memory_space<vmem>>
    %dma_wait3A_155 = tpu.memref_squeeze %dma_wait3A_154 : memref<1x128xi32, #tpu.memory_space<vmem>> -> memref<128xi32, #tpu.memory_space<vmem>>
    %dma_wait3A_156 = arith.constant 0 : i32
    %dma_wait3A_157 = arith.constant 0 : i32
    %dma_wait3A_158 = tpu.memref_slice %arg13[%dma_wait3A_156, %dma_wait3A_157] : memref<10240x128xf32, #tpu.memory_space<vmem_shared>> -> memref<10240x128xf32, #tpu.memory_space<vmem_shared>>
    tpu.wait_indirect_dma semaphore(%arg16 : memref<!tpu.dma_semaphore, #tpu.memory_space<semaphore_mem>>) src(%arg12 : memref<128x128xf32, #tpu.memory_space<vmem>>) dst(%dma_wait3A_158 : memref<10240x128xf32, #tpu.memory_space<vmem_shared>>)
    %dma_start3A_159 = arith.constant 0 : i32
    %dma_start3A_160 = arith.constant 0 : i32
    %dma_start3A_161 = tpu.memref_slice %arg9[%dma_start3A_159, %dma_start3A_160] : memref<40x128xi32, #tpu.memory_space<vmem>> -> memref<8x128xi32, #tpu.memory_space<vmem>>
    %dma_start3A_162 = arith.constant 0 : i32
    %dma_start3A_163 = arith.constant 0 : i32
    %dma_start3A_164 = tpu.memref_slice %arg5[%add3A, %dma_start3A_162, %dma_start3A_163] : memref<32x8x128xi32, #tpu.memory_space<hbm>> -> memref<1x8x128xi32, #tpu.memory_space<hbm>>
    %dma_start3A_165 = tpu.memref_squeeze %dma_start3A_164 : memref<1x8x128xi32, #tpu.memory_space<hbm>> -> memref<8x128xi32, #tpu.memory_space<hbm>>
    %dma_start3A_166 = arith.constant 0 : i32
    %dma_start3A_167 = arith.constant 0 : i32
    %dma_start3A_168 = tpu.memref_slice %arg9[%dma_start3A_166, %dma_start3A_167] : memref<40x128xi32, #tpu.memory_space<vmem>> -> memref<8x128xi32, #tpu.memory_space<vmem>>
    %dma_start3A_169 = arith.constant 0 : i32
    %dma_start3A_170 = arith.constant 0 : i32
    %dma_start3A_171 = tpu.memref_slice %arg5[%add3A, %dma_start3A_169, %dma_start3A_170] : memref<32x8x128xi32, #tpu.memory_space<hbm>> -> memref<1x8x128xi32, #tpu.memory_space<hbm>>
    %dma_start3A_172 = tpu.memref_squeeze %dma_start3A_171 : memref<1x8x128xi32, #tpu.memory_space<hbm>> -> memref<8x128xi32, #tpu.memory_space<hbm>>
    tpu.enqueue_dma source(%dma_start3A_172 : memref<8x128xi32, #tpu.memory_space<hbm>>) target(%dma_start3A_168 : memref<8x128xi32, #tpu.memory_space<vmem>>) target_semaphore(%arg14 : memref<!tpu.dma_semaphore, #tpu.memory_space<semaphore_mem>>)
    %dma_start3A_173 = arith.constant 0 : i32
    %dma_start3A_174 = arith.constant 0 : i32
    %dma_start3A_175 = tpu.memref_slice %arg10[%dma_start3A_173, %dma_start3A_174] : memref<40x128xi32, #tpu.memory_space<vmem>> -> memref<8x128xi32, #tpu.memory_space<vmem>>
    %dma_start3A_176 = arith.constant 0 : i32
    %dma_start3A_177 = arith.constant 0 : i32
    %dma_start3A_178 = tpu.memref_slice %arg6[%add3A, %dma_start3A_176, %dma_start3A_177] : memref<32x8x128xi32, #tpu.memory_space<hbm>> -> memref<1x8x128xi32, #tpu.memory_space<hbm>>
    %dma_start3A_179 = tpu.memref_squeeze %dma_start3A_178 : memref<1x8x128xi32, #tpu.memory_space<hbm>> -> memref<8x128xi32, #tpu.memory_space<hbm>>
    %dma_start3A_180 = arith.constant 0 : i32
    %dma_start3A_181 = arith.constant 0 : i32
    %dma_start3A_182 = tpu.memref_slice %arg10[%dma_start3A_180, %dma_start3A_181] : memref<40x128xi32, #tpu.memory_space<vmem>> -> memref<8x128xi32, #tpu.memory_space<vmem>>
    %dma_start3A_183 = arith.constant 0 : i32
    %dma_start3A_184 = arith.constant 0 : i32
    %dma_start3A_185 = tpu.memref_slice %arg6[%add3A, %dma_start3A_183, %dma_start3A_184] : memref<32x8x128xi32, #tpu.memory_space<hbm>> -> memref<1x8x128xi32, #tpu.memory_space<hbm>>
    %dma_start3A_186 = tpu.memref_squeeze %dma_start3A_185 : memref<1x8x128xi32, #tpu.memory_space<hbm>> -> memref<8x128xi32, #tpu.memory_space<hbm>>
    tpu.enqueue_dma source(%dma_start3A_186 : memref<8x128xi32, #tpu.memory_space<hbm>>) target(%dma_start3A_182 : memref<8x128xi32, #tpu.memory_space<vmem>>) target_semaphore(%arg14 : memref<!tpu.dma_semaphore, #tpu.memory_space<semaphore_mem>>)
    %dma_wait3A_187 = arith.constant 0 : i32
    %dma_wait3A_188 = arith.constant 0 : i32
    %dma_wait3A_189 = tpu.memref_slice %arg9[%dma_wait3A_187, %dma_wait3A_188] : memref<40x128xi32, #tpu.memory_space<vmem>> -> memref<8x128xi32, #tpu.memory_space<vmem>>
    %dma_wait3A_190 = arith.constant 0 : i32
    %dma_wait3A_191 = arith.constant 0 : i32
    %dma_wait3A_192 = tpu.memref_slice %arg5[%add3A, %dma_wait3A_190, %dma_wait3A_191] : memref<32x8x128xi32, #tpu.memory_space<hbm>> -> memref<1x8x128xi32, #tpu.memory_space<hbm>>
    %dma_wait3A_193 = tpu.memref_squeeze %dma_wait3A_192 : memref<1x8x128xi32, #tpu.memory_space<hbm>> -> memref<8x128xi32, #tpu.memory_space<hbm>>
    %dma_wait3A_194 = arith.constant 0 : i32
    %dma_wait3A_195 = arith.constant 0 : i32
    %dma_wait3A_196 = tpu.memref_slice %arg9[%dma_wait3A_194, %dma_wait3A_195] : memref<40x128xi32, #tpu.memory_space<vmem>> -> memref<8x128xi32, #tpu.memory_space<vmem>>
    %dma_wait3A_197 = arith.constant 0 : i32
    %dma_wait3A_198 = arith.constant 0 : i32
    %dma_wait3A_199 = tpu.memref_slice %arg5[%add3A, %dma_wait3A_197, %dma_wait3A_198] : memref<32x8x128xi32, #tpu.memory_space<hbm>> -> memref<1x8x128xi32, #tpu.memory_space<hbm>>
    %dma_wait3A_200 = tpu.memref_squeeze %dma_wait3A_199 : memref<1x8x128xi32, #tpu.memory_space<hbm>> -> memref<8x128xi32, #tpu.memory_space<hbm>>
    tpu.wait_dma2 semaphore(%arg14 : memref<!tpu.dma_semaphore, #tpu.memory_space<semaphore_mem>>) src(%dma_wait3A_200 : memref<8x128xi32, #tpu.memory_space<hbm>>) dst(%dma_wait3A_196 : memref<8x128xi32, #tpu.memory_space<vmem>>)
    %dma_wait3A_201 = arith.constant 0 : i32
    %dma_wait3A_202 = arith.constant 0 : i32
    %dma_wait3A_203 = tpu.memref_slice %arg10[%dma_wait3A_201, %dma_wait3A_202] : memref<40x128xi32, #tpu.memory_space<vmem>> -> memref<8x128xi32, #tpu.memory_space<vmem>>
    %dma_wait3A_204 = arith.constant 0 : i32
    %dma_wait3A_205 = arith.constant 0 : i32
    %dma_wait3A_206 = tpu.memref_slice %arg6[%add3A, %dma_wait3A_204, %dma_wait3A_205] : memref<32x8x128xi32, #tpu.memory_space<hbm>> -> memref<1x8x128xi32, #tpu.memory_space<hbm>>
    %dma_wait3A_207 = tpu.memref_squeeze %dma_wait3A_206 : memref<1x8x128xi32, #tpu.memory_space<hbm>> -> memref<8x128xi32, #tpu.memory_space<hbm>>
    %dma_wait3A_208 = arith.constant 0 : i32
    %dma_wait3A_209 = arith.constant 0 : i32
    %dma_wait3A_210 = tpu.memref_slice %arg10[%dma_wait3A_208, %dma_wait3A_209] : memref<40x128xi32, #tpu.memory_space<vmem>> -> memref<8x128xi32, #tpu.memory_space<vmem>>
    %dma_wait3A_211 = arith.constant 0 : i32
    %dma_wait3A_212 = arith.constant 0 : i32
    %dma_wait3A_213 = tpu.memref_slice %arg6[%add3A, %dma_wait3A_211, %dma_wait3A_212] : memref<32x8x128xi32, #tpu.memory_space<hbm>> -> memref<1x8x128xi32, #tpu.memory_space<hbm>>
    %dma_wait3A_214 = tpu.memref_squeeze %dma_wait3A_213 : memref<1x8x128xi32, #tpu.memory_space<hbm>> -> memref<8x128xi32, #tpu.memory_space<hbm>>
    tpu.wait_dma2 semaphore(%arg14 : memref<!tpu.dma_semaphore, #tpu.memory_space<semaphore_mem>>) src(%dma_wait3A_214 : memref<8x128xi32, #tpu.memory_space<hbm>>) dst(%dma_wait3A_210 : memref<8x128xi32, #tpu.memory_space<vmem>>)
    %run_scoped3A_215 = arith.constant 0 : i32
    "tpu.region"() ({
      %run_scoped3A_255 = tpu.sem_alloc : memref<!tpu.dma_semaphore, #tpu.memory_space<semaphore_mem>>
      %dma_start3A_256 = arith.constant 0 : i32
      %dma_start3A_257 = tpu.memref_slice %arg9[%run_scoped3A_215, %dma_start3A_256] : memref<40x128xi32, #tpu.memory_space<vmem>> -> memref<1x128xi32, #tpu.memory_space<vmem>>
      %dma_start3A_258 = tpu.memref_squeeze %dma_start3A_257 : memref<1x128xi32, #tpu.memory_space<vmem>> -> memref<128xi32, #tpu.memory_space<vmem>>
      %dma_start3A_259 = arith.constant 0 : i32
      %dma_start3A_260 = arith.constant 0 : i32
      %dma_start3A_261 = tpu.memref_slice %arg2[%dma_start3A_259, %dma_start3A_260] : memref<10000x128xf32, #tpu.memory_space<hbm>> -> memref<10000x128xf32, #tpu.memory_space<hbm>>
      tpu.enqueue_indirect_dma source(%dma_start3A_261 : memref<10000x128xf32, #tpu.memory_space<hbm>>) target(%arg11 : memref<128x128xf32, #tpu.memory_space<vmem>>) offsets(%dma_start3A_258 : memref<128xi32, #tpu.memory_space<vmem>>) semaphore(%run_scoped3A_255 : memref<!tpu.dma_semaphore, #tpu.memory_space<semaphore_mem>>)
      %dma_wait3A_262 = arith.constant 0 : i32
      %dma_wait3A_263 = tpu.memref_slice %arg9[%run_scoped3A_215, %dma_wait3A_262] : memref<40x128xi32, #tpu.memory_space<vmem>> -> memref<1x128xi32, #tpu.memory_space<vmem>>
      %dma_wait3A_264 = tpu.memref_squeeze %dma_wait3A_263 : memref<1x128xi32, #tpu.memory_space<vmem>> -> memref<128xi32, #tpu.memory_space<vmem>>
      %dma_wait3A_265 = arith.constant 0 : i32
      %dma_wait3A_266 = arith.constant 0 : i32
      %dma_wait3A_267 = tpu.memref_slice %arg2[%dma_wait3A_265, %dma_wait3A_266] : memref<10000x128xf32, #tpu.memory_space<hbm>> -> memref<10000x128xf32, #tpu.memory_space<hbm>>
      tpu.wait_indirect_dma semaphore(%run_scoped3A_255 : memref<!tpu.dma_semaphore, #tpu.memory_space<semaphore_mem>>) src(%dma_wait3A_267 : memref<10000x128xf32, #tpu.memory_space<hbm>>) dst(%arg11 : memref<128x128xf32, #tpu.memory_space<vmem>>)
      tpu.yield
    }) : () -> ()
    %dma_start3A_216 = arith.constant 0 : i32
    %dma_start3A_217 = arith.constant 0 : i32
    %dma_start3A_218 = tpu.memref_slice %arg10[%dma_start3A_216, %dma_start3A_217] : memref<40x128xi32, #tpu.memory_space<vmem>> -> memref<1x128xi32, #tpu.memory_space<vmem>>
    %dma_start3A_219 = tpu.memref_squeeze %dma_start3A_218 : memref<1x128xi32, #tpu.memory_space<vmem>> -> memref<128xi32, #tpu.memory_space<vmem>>
    %dma_start3A_220 = arith.constant 0 : i32
    %dma_start3A_221 = arith.constant 0 : i32
    %dma_start3A_222 = tpu.memref_slice %arg13[%dma_start3A_220, %dma_start3A_221] : memref<10240x128xf32, #tpu.memory_space<vmem_shared>> -> memref<10240x128xf32, #tpu.memory_space<vmem_shared>>
    tpu.enqueue_indirect_dma source(%arg11 : memref<128x128xf32, #tpu.memory_space<vmem>>) target(%dma_start3A_222 : memref<10240x128xf32, #tpu.memory_space<vmem_shared>>) offsets(%dma_start3A_219 : memref<128xi32, #tpu.memory_space<vmem>>) semaphore(%arg15 : memref<!tpu.dma_semaphore, #tpu.memory_space<semaphore_mem>>) {add = true}
    %scan3A_223 = arith.constant 0 : i32
    %scan3A_224 = arith.constant 3 : i32
    %scan3A_225 = arith.addi %scan3A_223, %scan3A_224 : i32
    %scan3A_226 = arith.constant 1 : i32
    scf.for %scan3A_255 = %scan3A_223 to %scan3A_225 step %scan3A_226  : i32 {
      %mul3A_256 = arith.constant 1 : i32
      %mul3A_257 = arith.muli %scan3A_255, %mul3A_256 : i32
      %add3A_258 = arith.constant 0 : i32
      %add3A_259 = arith.addi %add3A_258, %mul3A_257 : i32
      %mul3A_260 = arith.constant 2 : i32
      %mul3A_261 = arith.muli %mul3A_260, %add3A_259 : i32
      %add3A_262 = arith.constant 1 : i32
      %add3A_263 = arith.addi %mul3A_261, %add3A_262 : i32
      "tpu.region"() ({
        %run_scoped3A_306 = tpu.sem_alloc : memref<!tpu.dma_semaphore, #tpu.memory_space<semaphore_mem>>
        %dma_start3A_307 = arith.constant 0 : i32
        %dma_start3A_308 = tpu.memref_slice %arg9[%add3A_263, %dma_start3A_307] : memref<40x128xi32, #tpu.memory_space<vmem>> -> memref<1x128xi32, #tpu.memory_space<vmem>>
        %dma_start3A_309 = tpu.memref_squeeze %dma_start3A_308 : memref<1x128xi32, #tpu.memory_space<vmem>> -> memref<128xi32, #tpu.memory_space<vmem>>
        %dma_start3A_310 = arith.constant 0 : i32
        %dma_start3A_311 = arith.constant 0 : i32
        %dma_start3A_312 = tpu.memref_slice %arg2[%dma_start3A_310, %dma_start3A_311] : memref<10000x128xf32, #tpu.memory_space<hbm>> -> memref<10000x128xf32, #tpu.memory_space<hbm>>
        tpu.enqueue_indirect_dma source(%dma_start3A_312 : memref<10000x128xf32, #tpu.memory_space<hbm>>) target(%arg12 : memref<128x128xf32, #tpu.memory_space<vmem>>) offsets(%dma_start3A_309 : memref<128xi32, #tpu.memory_space<vmem>>) semaphore(%run_scoped3A_306 : memref<!tpu.dma_semaphore, #tpu.memory_space<semaphore_mem>>)
        %dma_wait3A_313 = arith.constant 0 : i32
        %dma_wait3A_314 = tpu.memref_slice %arg9[%add3A_263, %dma_wait3A_313] : memref<40x128xi32, #tpu.memory_space<vmem>> -> memref<1x128xi32, #tpu.memory_space<vmem>>
        %dma_wait3A_315 = tpu.memref_squeeze %dma_wait3A_314 : memref<1x128xi32, #tpu.memory_space<vmem>> -> memref<128xi32, #tpu.memory_space<vmem>>
        %dma_wait3A_316 = arith.constant 0 : i32
        %dma_wait3A_317 = arith.constant 0 : i32
        %dma_wait3A_318 = tpu.memref_slice %arg2[%dma_wait3A_316, %dma_wait3A_317] : memref<10000x128xf32, #tpu.memory_space<hbm>> -> memref<10000x128xf32, #tpu.memory_space<hbm>>
        tpu.wait_indirect_dma semaphore(%run_scoped3A_306 : memref<!tpu.dma_semaphore, #tpu.memory_space<semaphore_mem>>) src(%dma_wait3A_318 : memref<10000x128xf32, #tpu.memory_space<hbm>>) dst(%arg12 : memref<128x128xf32, #tpu.memory_space<vmem>>)
        tpu.yield
      }) : () -> ()
      %mul3A_264 = arith.constant 2 : i32
      %mul3A_265 = arith.muli %mul3A_264, %add3A_259 : i32
      %dma_wait3A_266 = arith.constant 0 : i32
      %dma_wait3A_267 = tpu.memref_slice %arg10[%mul3A_265, %dma_wait3A_266] : memref<40x128xi32, #tpu.memory_space<vmem>> -> memref<1x128xi32, #tpu.memory_space<vmem>>
      %dma_wait3A_268 = tpu.memref_squeeze %dma_wait3A_267 : memref<1x128xi32, #tpu.memory_space<vmem>> -> memref<128xi32, #tpu.memory_space<vmem>>
      %dma_wait3A_269 = arith.constant 0 : i32
      %dma_wait3A_270 = arith.constant 0 : i32
      %dma_wait3A_271 = tpu.memref_slice %arg13[%dma_wait3A_269, %dma_wait3A_270] : memref<10240x128xf32, #tpu.memory_space<vmem_shared>> -> memref<10240x128xf32, #tpu.memory_space<vmem_shared>>
      tpu.wait_indirect_dma semaphore(%arg15 : memref<!tpu.dma_semaphore, #tpu.memory_space<semaphore_mem>>) src(%arg11 : memref<128x128xf32, #tpu.memory_space<vmem>>) dst(%dma_wait3A_271 : memref<10240x128xf32, #tpu.memory_space<vmem_shared>>)
      %mul3A_272 = arith.constant 2 : i32
      %mul3A_273 = arith.muli %mul3A_272, %add3A_259 : i32
      %add3A_274 = arith.constant 1 : i32
      %add3A_275 = arith.addi %mul3A_273, %add3A_274 : i32
      %dma_start3A_276 = arith.constant 0 : i32
      %dma_start3A_277 = tpu.memref_slice %arg10[%add3A_275, %dma_start3A_276] : memref<40x128xi32, #tpu.memory_space<vmem>> -> memref<1x128xi32, #tpu.memory_space<vmem>>
      %dma_start3A_278 = tpu.memref_squeeze %dma_start3A_277 : memref<1x128xi32, #tpu.memory_space<vmem>> -> memref<128xi32, #tpu.memory_space<vmem>>
      %dma_start3A_279 = arith.constant 0 : i32
      %dma_start3A_280 = arith.constant 0 : i32
      %dma_start3A_281 = tpu.memref_slice %arg13[%dma_start3A_279, %dma_start3A_280] : memref<10240x128xf32, #tpu.memory_space<vmem_shared>> -> memref<10240x128xf32, #tpu.memory_space<vmem_shared>>
      tpu.enqueue_indirect_dma source(%arg12 : memref<128x128xf32, #tpu.memory_space<vmem>>) target(%dma_start3A_281 : memref<10240x128xf32, #tpu.memory_space<vmem_shared>>) offsets(%dma_start3A_278 : memref<128xi32, #tpu.memory_space<vmem>>) semaphore(%arg16 : memref<!tpu.dma_semaphore, #tpu.memory_space<semaphore_mem>>) {add = true}
      %mul3A_282 = arith.constant 2 : i32
      %mul3A_283 = arith.muli %mul3A_282, %add3A_259 : i32
      %add3A_284 = arith.constant 2 : i32
      %add3A_285 = arith.addi %mul3A_283, %add3A_284 : i32
      "tpu.region"() ({
        %run_scoped3A_306 = tpu.sem_alloc : memref<!tpu.dma_semaphore, #tpu.memory_space<semaphore_mem>>
        %dma_start3A_307 = arith.constant 0 : i32
        %dma_start3A_308 = tpu.memref_slice %arg9[%add3A_285, %dma_start3A_307] : memref<40x128xi32, #tpu.memory_space<vmem>> -> memref<1x128xi32, #tpu.memory_space<vmem>>
        %dma_start3A_309 = tpu.memref_squeeze %dma_start3A_308 : memref<1x128xi32, #tpu.memory_space<vmem>> -> memref<128xi32, #tpu.memory_space<vmem>>
        %dma_start3A_310 = arith.constant 0 : i32
        %dma_start3A_311 = arith.constant 0 : i32
        %dma_start3A_312 = tpu.memref_slice %arg2[%dma_start3A_310, %dma_start3A_311] : memref<10000x128xf32, #tpu.memory_space<hbm>> -> memref<10000x128xf32, #tpu.memory_space<hbm>>
        tpu.enqueue_indirect_dma source(%dma_start3A_312 : memref<10000x128xf32, #tpu.memory_space<hbm>>) target(%arg11 : memref<128x128xf32, #tpu.memory_space<vmem>>) offsets(%dma_start3A_309 : memref<128xi32, #tpu.memory_space<vmem>>) semaphore(%run_scoped3A_306 : memref<!tpu.dma_semaphore, #tpu.memory_space<semaphore_mem>>)
        %dma_wait3A_313 = arith.constant 0 : i32
        %dma_wait3A_314 = tpu.memref_slice %arg9[%add3A_285, %dma_wait3A_313] : memref<40x128xi32, #tpu.memory_space<vmem>> -> memref<1x128xi32, #tpu.memory_space<vmem>>
        %dma_wait3A_315 = tpu.memref_squeeze %dma_wait3A_314 : memref<1x128xi32, #tpu.memory_space<vmem>> -> memref<128xi32, #tpu.memory_space<vmem>>
        %dma_wait3A_316 = arith.constant 0 : i32
        %dma_wait3A_317 = arith.constant 0 : i32
        %dma_wait3A_318 = tpu.memref_slice %arg2[%dma_wait3A_316, %dma_wait3A_317] : memref<10000x128xf32, #tpu.memory_space<hbm>> -> memref<10000x128xf32, #tpu.memory_space<hbm>>
        tpu.wait_indirect_dma semaphore(%run_scoped3A_306 : memref<!tpu.dma_semaphore, #tpu.memory_space<semaphore_mem>>) src(%dma_wait3A_318 : memref<10000x128xf32, #tpu.memory_space<hbm>>) dst(%arg11 : memref<128x128xf32, #tpu.memory_space<vmem>>)
        tpu.yield
      }) : () -> ()
      %mul3A_286 = arith.constant 2 : i32
      %mul3A_287 = arith.muli %mul3A_286, %add3A_259 : i32
      %add3A_288 = arith.constant 1 : i32
      %add3A_289 = arith.addi %mul3A_287, %add3A_288 : i32
      %dma_wait3A_290 = arith.constant 0 : i32
      %dma_wait3A_291 = tpu.memref_slice %arg10[%add3A_289, %dma_wait3A_290] : memref<40x128xi32, #tpu.memory_space<vmem>> -> memref<1x128xi32, #tpu.memory_space<vmem>>
      %dma_wait3A_292 = tpu.memref_squeeze %dma_wait3A_291 : memref<1x128xi32, #tpu.memory_space<vmem>> -> memref<128xi32, #tpu.memory_space<vmem>>
      %dma_wait3A_293 = arith.constant 0 : i32
      %dma_wait3A_294 = arith.constant 0 : i32
      %dma_wait3A_295 = tpu.memref_slice %arg13[%dma_wait3A_293, %dma_wait3A_294] : memref<10240x128xf32, #tpu.memory_space<vmem_shared>> -> memref<10240x128xf32, #tpu.memory_space<vmem_shared>>
      tpu.wait_indirect_dma semaphore(%arg16 : memref<!tpu.dma_semaphore, #tpu.memory_space<semaphore_mem>>) src(%arg12 : memref<128x128xf32, #tpu.memory_space<vmem>>) dst(%dma_wait3A_295 : memref<10240x128xf32, #tpu.memory_space<vmem_shared>>)
      %mul3A_296 = arith.constant 2 : i32
      %mul3A_297 = arith.muli %mul3A_296, %add3A_259 : i32
      %add3A_298 = arith.constant 2 : i32
      %add3A_299 = arith.addi %mul3A_297, %add3A_298 : i32
      %dma_start3A_300 = arith.constant 0 : i32
      %dma_start3A_301 = tpu.memref_slice %arg10[%add3A_299, %dma_start3A_300] : memref<40x128xi32, #tpu.memory_space<vmem>> -> memref<1x128xi32, #tpu.memory_space<vmem>>
      %dma_start3A_302 = tpu.memref_squeeze %dma_start3A_301 : memref<1x128xi32, #tpu.memory_space<vmem>> -> memref<128xi32, #tpu.memory_space<vmem>>
      %dma_start3A_303 = arith.constant 0 : i32
      %dma_start3A_304 = arith.constant 0 : i32
      %dma_start3A_305 = tpu.memref_slice %arg13[%dma_start3A_303, %dma_start3A_304] : memref<10240x128xf32, #tpu.memory_space<vmem_shared>> -> memref<10240x128xf32, #tpu.memory_space<vmem_shared>>
      tpu.enqueue_indirect_dma source(%arg11 : memref<128x128xf32, #tpu.memory_space<vmem>>) target(%dma_start3A_305 : memref<10240x128xf32, #tpu.memory_space<vmem_shared>>) offsets(%dma_start3A_302 : memref<128xi32, #tpu.memory_space<vmem>>) semaphore(%arg15 : memref<!tpu.dma_semaphore, #tpu.memory_space<semaphore_mem>>) {add = true}
    }
    %scan3A_227 = arith.constant 3 : i32
    %run_scoped3A_228 = arith.constant 7 : i32
    "tpu.region"() ({
      %run_scoped3A_255 = tpu.sem_alloc : memref<!tpu.dma_semaphore, #tpu.memory_space<semaphore_mem>>
      %dma_start3A_256 = arith.constant 0 : i32
      %dma_start3A_257 = tpu.memref_slice %arg9[%run_scoped3A_228, %dma_start3A_256] : memref<40x128xi32, #tpu.memory_space<vmem>> -> memref<1x128xi32, #tpu.memory_space<vmem>>
      %dma_start3A_258 = tpu.memref_squeeze %dma_start3A_257 : memref<1x128xi32, #tpu.memory_space<vmem>> -> memref<128xi32, #tpu.memory_space<vmem>>
      %dma_start3A_259 = arith.constant 0 : i32
      %dma_start3A_260 = arith.constant 0 : i32
      %dma_start3A_261 = tpu.memref_slice %arg2[%dma_start3A_259, %dma_start3A_260] : memref<10000x128xf32, #tpu.memory_space<hbm>> -> memref<10000x128xf32, #tpu.memory_space<hbm>>
      tpu.enqueue_indirect_dma source(%dma_start3A_261 : memref<10000x128xf32, #tpu.memory_space<hbm>>) target(%arg12 : memref<128x128xf32, #tpu.memory_space<vmem>>) offsets(%dma_start3A_258 : memref<128xi32, #tpu.memory_space<vmem>>) semaphore(%run_scoped3A_255 : memref<!tpu.dma_semaphore, #tpu.memory_space<semaphore_mem>>)
      %dma_wait3A_262 = arith.constant 0 : i32
      %dma_wait3A_263 = tpu.memref_slice %arg9[%run_scoped3A_228, %dma_wait3A_262] : memref<40x128xi32, #tpu.memory_space<vmem>> -> memref<1x128xi32, #tpu.memory_space<vmem>>
      %dma_wait3A_264 = tpu.memref_squeeze %dma_wait3A_263 : memref<1x128xi32, #tpu.memory_space<vmem>> -> memref<128xi32, #tpu.memory_space<vmem>>
      %dma_wait3A_265 = arith.constant 0 : i32
      %dma_wait3A_266 = arith.constant 0 : i32
      %dma_wait3A_267 = tpu.memref_slice %arg2[%dma_wait3A_265, %dma_wait3A_266] : memref<10000x128xf32, #tpu.memory_space<hbm>> -> memref<10000x128xf32, #tpu.memory_space<hbm>>
      tpu.wait_indirect_dma semaphore(%run_scoped3A_255 : memref<!tpu.dma_semaphore, #tpu.memory_space<semaphore_mem>>) src(%dma_wait3A_267 : memref<10000x128xf32, #tpu.memory_space<hbm>>) dst(%arg12 : memref<128x128xf32, #tpu.memory_space<vmem>>)
      tpu.yield
    }) : () -> ()
    %dma_wait3A_229 = arith.constant 6 : i32
    %dma_wait3A_230 = arith.constant 0 : i32
    %dma_wait3A_231 = tpu.memref_slice %arg10[%dma_wait3A_229, %dma_wait3A_230] : memref<40x128xi32, #tpu.memory_space<vmem>> -> memref<1x128xi32, #tpu.memory_space<vmem>>
    %dma_wait3A_232 = tpu.memref_squeeze %dma_wait3A_231 : memref<1x128xi32, #tpu.memory_space<vmem>> -> memref<128xi32, #tpu.memory_space<vmem>>
    %dma_wait3A_233 = arith.constant 0 : i32
    %dma_wait3A_234 = arith.constant 0 : i32
    %dma_wait3A_235 = tpu.memref_slice %arg13[%dma_wait3A_233, %dma_wait3A_234] : memref<10240x128xf32, #tpu.memory_space<vmem_shared>> -> memref<10240x128xf32, #tpu.memory_space<vmem_shared>>
    tpu.wait_indirect_dma semaphore(%arg15 : memref<!tpu.dma_semaphore, #tpu.memory_space<semaphore_mem>>) src(%arg11 : memref<128x128xf32, #tpu.memory_space<vmem>>) dst(%dma_wait3A_235 : memref<10240x128xf32, #tpu.memory_space<vmem_shared>>)
    %dma_start3A_236 = arith.constant 7 : i32
    %dma_start3A_237 = arith.constant 0 : i32
    %dma_start3A_238 = tpu.memref_slice %arg10[%dma_start3A_236, %dma_start3A_237] : memref<40x128xi32, #tpu.memory_space<vmem>> -> memref<1x128xi32, #tpu.memory_space<vmem>>
    %dma_start3A_239 = tpu.memref_squeeze %dma_start3A_238 : memref<1x128xi32, #tpu.memory_space<vmem>> -> memref<128xi32, #tpu.memory_space<vmem>>
    %dma_start3A_240 = arith.constant 0 : i32
    %dma_start3A_241 = arith.constant 0 : i32
    %dma_start3A_242 = tpu.memref_slice %arg13[%dma_start3A_240, %dma_start3A_241] : memref<10240x128xf32, #tpu.memory_space<vmem_shared>> -> memref<10240x128xf32, #tpu.memory_space<vmem_shared>>
    tpu.enqueue_indirect_dma source(%arg12 : memref<128x128xf32, #tpu.memory_space<vmem>>) target(%dma_start3A_242 : memref<10240x128xf32, #tpu.memory_space<vmem_shared>>) offsets(%dma_start3A_239 : memref<128xi32, #tpu.memory_space<vmem>>) semaphore(%arg16 : memref<!tpu.dma_semaphore, #tpu.memory_space<semaphore_mem>>) {add = true}
    %dma_wait3A_243 = arith.constant 7 : i32
    %dma_wait3A_244 = arith.constant 0 : i32
    %dma_wait3A_245 = tpu.memref_slice %arg10[%dma_wait3A_243, %dma_wait3A_244] : memref<40x128xi32, #tpu.memory_space<vmem>> -> memref<1x128xi32, #tpu.memory_space<vmem>>
    %dma_wait3A_246 = tpu.memref_squeeze %dma_wait3A_245 : memref<1x128xi32, #tpu.memory_space<vmem>> -> memref<128xi32, #tpu.memory_space<vmem>>
    %dma_wait3A_247 = arith.constant 0 : i32
    %dma_wait3A_248 = arith.constant 0 : i32
    %dma_wait3A_249 = tpu.memref_slice %arg13[%dma_wait3A_247, %dma_wait3A_248] : memref<10240x128xf32, #tpu.memory_space<vmem_shared>> -> memref<10240x128xf32, #tpu.memory_space<vmem_shared>>
    tpu.wait_indirect_dma semaphore(%arg16 : memref<!tpu.dma_semaphore, #tpu.memory_space<semaphore_mem>>) src(%arg12 : memref<128x128xf32, #tpu.memory_space<vmem>>) dst(%dma_wait3A_249 : memref<10240x128xf32, #tpu.memory_space<vmem_shared>>)
    %barrier3A_250 = arith.constant 0 : index
    tpu.barrier barrier_id(%barrier3A_250)
    %mul3A_251 = arith.constant 640 : i32
    %mul3A_252 = arith.muli %arg1, %mul3A_251 : i32
    %mul3A_253 = arith.constant 640 : i32
    %mul3A_254 = arith.muli %arg1, %mul3A_253 : i32
    "tpu.region"() ({
      %run_scoped3A_255 = tpu.sem_alloc : memref<!tpu.dma_semaphore, #tpu.memory_space<semaphore_mem>>
      %dma_start3A_256 = arith.constant 0 : i32
      %dma_start3A_257 = tpu.memref_slice %arg8[%arg0, %mul3A_254, %dma_start3A_256] : memref<2x10240x128xf32, #tpu.memory_space<hbm>> -> memref<1x640x128xf32, #tpu.memory_space<hbm>>
      %dma_start3A_258 = tpu.memref_squeeze %dma_start3A_257 : memref<1x640x128xf32, #tpu.memory_space<hbm>> -> memref<640x128xf32, #tpu.memory_space<hbm>>
      %dma_start3A_259 = arith.constant 0 : i32
      %dma_start3A_260 = tpu.memref_slice %arg13[%mul3A_252, %dma_start3A_259] : memref<10240x128xf32, #tpu.memory_space<vmem_shared>> -> memref<640x128xf32, #tpu.memory_space<vmem_shared>>
      tpu.enqueue_dma source(%dma_start3A_260 : memref<640x128xf32, #tpu.memory_space<vmem_shared>>) target(%dma_start3A_258 : memref<640x128xf32, #tpu.memory_space<hbm>>) target_semaphore(%run_scoped3A_255 : memref<!tpu.dma_semaphore, #tpu.memory_space<semaphore_mem>>)
      %dma_wait3A_261 = arith.constant 0 : i32
      %dma_wait3A_262 = tpu.memref_slice %arg8[%arg0, %mul3A_254, %dma_wait3A_261] : memref<2x10240x128xf32, #tpu.memory_space<hbm>> -> memref<1x640x128xf32, #tpu.memory_space<hbm>>
      %dma_wait3A_263 = tpu.memref_squeeze %dma_wait3A_262 : memref<1x640x128xf32, #tpu.memory_space<hbm>> -> memref<640x128xf32, #tpu.memory_space<hbm>>
      %dma_wait3A_264 = arith.constant 0 : i32
      %dma_wait3A_265 = tpu.memref_slice %arg13[%mul3A_252, %dma_wait3A_264] : memref<10240x128xf32, #tpu.memory_space<vmem_shared>> -> memref<640x128xf32, #tpu.memory_space<vmem_shared>>
      tpu.wait_dma2 semaphore(%run_scoped3A_255 : memref<!tpu.dma_semaphore, #tpu.memory_space<semaphore_mem>>) src(%dma_wait3A_265 : memref<640x128xf32, #tpu.memory_space<vmem_shared>>) dst(%dma_wait3A_263 : memref<640x128xf32, #tpu.memory_space<hbm>>)
      tpu.yield
    }) : () -> ()
    return
  }
}

#map = affine_map<(d0, d1) -> (0, 0)>
#map1 = affine_map<(d0, d1) -> (0, 0, 0)>
module attributes {stable_mosaic.version = 14 : i64} {
  func.func @_scatter_kernel(%arg0: i32, %arg1: i32, %arg2: memref<10000x128xf32, #tpu.memory_space<hbm>>, %arg3: memref<2304x128xi32, #tpu.memory_space<hbm>>, %arg4: memref<2304x128xi32, #tpu.memory_space<hbm>>, %arg5: memref<32x8x128xi32, #tpu.memory_space<hbm>>, %arg6: memref<32x8x128xi32, #tpu.memory_space<hbm>>, %arg7: memref<640x128xf32, #tpu.memory_space<hbm>>, %arg8: memref<2x10240x128xf32, #tpu.memory_space<hbm>>, %arg9: memref<40x128xi32, #tpu.memory_space<vmem>>, %arg10: memref<40x128xi32, #tpu.memory_space<vmem>>, %arg11: memref<128x128xf32, #tpu.memory_space<vmem>>, %arg12: memref<128x128xf32, #tpu.memory_space<vmem>>, %arg13: memref<10240x128xf32, #tpu.memory_space<vmem_shared>>, %arg14: memref<!tpu.dma_semaphore, #tpu.memory_space<semaphore_mem>>, %arg15: memref<!tpu.dma_semaphore, #tpu.memory_space<semaphore_mem>>, %arg16: memref<!tpu.dma_semaphore, #tpu.memory_space<semaphore_mem>>) attributes {dimension_semantics = [#tpu.dimension_semantics<core_parallel>, #tpu.dimension_semantics<subcore_parallel>], iteration_bounds = array<i64: 2, 16>, scalar_prefetch = 0 : i64, scratch_operands = 8 : i64, tpu.core_type = #tpu.core_type<sc_vector_subcore>, window_params = [{transform_indices = #map}, {transform_indices = #map}, {transform_indices = #map}, {transform_indices = #map1}, {transform_indices = #map1}, {transform_indices = #map}, {transform_indices = #map1}]} {
    %mul3A = arith.constant 16 : i32
    %mul3A_0 = arith.muli %arg0, %mul3A : i32
    %add3A = arith.addi %mul3A_0, %arg1 : i32
    %mul3A_1 = arith.constant 72 : i32
    %mul3A_2 = arith.muli %add3A, %mul3A_1 : i32
    %add3A_3 = arith.constant 0 : i32
    %add3A_4 = arith.addi %mul3A_2, %add3A_3 : i32
    %dma_start3A = arith.constant 0 : i32
    %dma_start3A_5 = arith.constant 0 : i32
    %dma_start3A_6 = tpu.memref_slice %arg9[%dma_start3A, %dma_start3A_5] : memref<40x128xi32, #tpu.memory_space<vmem>> -> memref<40x128xi32, #tpu.memory_space<vmem>>
    %dma_start3A_7 = arith.constant 0 : i32
    %dma_start3A_8 = tpu.memref_slice %arg3[%add3A_4, %dma_start3A_7] : memref<2304x128xi32, #tpu.memory_space<hbm>> -> memref<40x128xi32, #tpu.memory_space<hbm>>
    %dma_start3A_9 = arith.constant 0 : i32
    %dma_start3A_10 = arith.constant 0 : i32
    %dma_start3A_11 = tpu.memref_slice %arg9[%dma_start3A_9, %dma_start3A_10] : memref<40x128xi32, #tpu.memory_space<vmem>> -> memref<40x128xi32, #tpu.memory_space<vmem>>
    %dma_start3A_12 = arith.constant 0 : i32
    %dma_start3A_13 = tpu.memref_slice %arg3[%add3A_4, %dma_start3A_12] : memref<2304x128xi32, #tpu.memory_space<hbm>> -> memref<40x128xi32, #tpu.memory_space<hbm>>
    tpu.enqueue_dma source(%dma_start3A_13 : memref<40x128xi32, #tpu.memory_space<hbm>>) target(%dma_start3A_11 : memref<40x128xi32, #tpu.memory_space<vmem>>) target_semaphore(%arg14 : memref<!tpu.dma_semaphore, #tpu.memory_space<semaphore_mem>>)
    %add3A_14 = arith.constant 0 : i32
    %add3A_15 = arith.addi %mul3A_2, %add3A_14 : i32
    %dma_start3A_16 = arith.constant 0 : i32
    %dma_start3A_17 = arith.constant 0 : i32
    %dma_start3A_18 = tpu.memref_slice %arg10[%dma_start3A_16, %dma_start3A_17] : memref<40x128xi32, #tpu.memory_space<vmem>> -> memref<40x128xi32, #tpu.memory_space<vmem>>
    %dma_start3A_19 = arith.constant 0 : i32
    %dma_start3A_20 = tpu.memref_slice %arg4[%add3A_15, %dma_start3A_19] : memref<2304x128xi32, #tpu.memory_space<hbm>> -> memref<40x128xi32, #tpu.memory_space<hbm>>
    %dma_start3A_21 = arith.constant 0 : i32
    %dma_start3A_22 = arith.constant 0 : i32
    %dma_start3A_23 = tpu.memref_slice %arg10[%dma_start3A_21, %dma_start3A_22] : memref<40x128xi32, #tpu.memory_space<vmem>> -> memref<40x128xi32, #tpu.memory_space<vmem>>
    %dma_start3A_24 = arith.constant 0 : i32
    %dma_start3A_25 = tpu.memref_slice %arg4[%add3A_15, %dma_start3A_24] : memref<2304x128xi32, #tpu.memory_space<hbm>> -> memref<40x128xi32, #tpu.memory_space<hbm>>
    tpu.enqueue_dma source(%dma_start3A_25 : memref<40x128xi32, #tpu.memory_space<hbm>>) target(%dma_start3A_23 : memref<40x128xi32, #tpu.memory_space<vmem>>) target_semaphore(%arg14 : memref<!tpu.dma_semaphore, #tpu.memory_space<semaphore_mem>>)
    %mul3A_26 = arith.constant 640 : i32
    %mul3A_27 = arith.muli %arg1, %mul3A_26 : i32
    "tpu.region"() ({
      %run_scoped3A_255 = tpu.sem_alloc : memref<!tpu.dma_semaphore, #tpu.memory_space<semaphore_mem>>
      %dma_start3A_256 = arith.constant 0 : i32
      %dma_start3A_257 = tpu.memref_slice %arg13[%mul3A_27, %dma_start3A_256] : memref<10240x128xf32, #tpu.memory_space<vmem_shared>> -> memref<640x128xf32, #tpu.memory_space<vmem_shared>>
      tpu.enqueue_dma source(%arg7 : memref<640x128xf32, #tpu.memory_space<hbm>>) target(%dma_start3A_257 : memref<640x128xf32, #tpu.memory_space<vmem_shared>>) target_semaphore(%run_scoped3A_255 : memref<!tpu.dma_semaphore, #tpu.memory_space<semaphore_mem>>)
      %dma_wait3A_258 = arith.constant 0 : i32
      %dma_wait3A_259 = tpu.memref_slice %arg13[%mul3A_27, %dma_wait3A_258] : memref<10240x128xf32, #tpu.memory_space<vmem_shared>> -> memref<640x128xf32, #tpu.memory_space<vmem_shared>>
      tpu.wait_dma2 semaphore(%run_scoped3A_255 : memref<!tpu.dma_semaphore, #tpu.memory_space<semaphore_mem>>) src(%arg7 : memref<640x128xf32, #tpu.memory_space<hbm>>) dst(%dma_wait3A_259 : memref<640x128xf32, #tpu.memory_space<vmem_shared>>)
      tpu.yield
    }) : () -> ()
    %barrier3A = arith.constant 0 : index
    tpu.barrier barrier_id(%barrier3A)
    %dma_wait3A = arith.constant 0 : i32
    %dma_wait3A_28 = arith.constant 0 : i32
    %dma_wait3A_29 = tpu.memref_slice %arg9[%dma_wait3A, %dma_wait3A_28] : memref<40x128xi32, #tpu.memory_space<vmem>> -> memref<40x128xi32, #tpu.memory_space<vmem>>
    %dma_wait3A_30 = arith.constant 0 : i32
    %dma_wait3A_31 = tpu.memref_slice %arg3[%add3A_4, %dma_wait3A_30] : memref<2304x128xi32, #tpu.memory_space<hbm>> -> memref<40x128xi32, #tpu.memory_space<hbm>>
    %dma_wait3A_32 = arith.constant 0 : i32
    %dma_wait3A_33 = arith.constant 0 : i32
    %dma_wait3A_34 = tpu.memref_slice %arg9[%dma_wait3A_32, %dma_wait3A_33] : memref<40x128xi32, #tpu.memory_space<vmem>> -> memref<40x128xi32, #tpu.memory_space<vmem>>
    %dma_wait3A_35 = arith.constant 0 : i32
    %dma_wait3A_36 = tpu.memref_slice %arg3[%add3A_4, %dma_wait3A_35] : memref<2304x128xi32, #tpu.memory_space<hbm>> -> memref<40x128xi32, #tpu.memory_space<hbm>>
    tpu.wait_dma2 semaphore(%arg14 : memref<!tpu.dma_semaphore, #tpu.memory_space<semaphore_mem>>) src(%dma_wait3A_36 : memref<40x128xi32, #tpu.memory_space<hbm>>) dst(%dma_wait3A_34 : memref<40x128xi32, #tpu.memory_space<vmem>>)
    %dma_wait3A_37 = arith.constant 0 : i32
    %dma_wait3A_38 = arith.constant 0 : i32
    %dma_wait3A_39 = tpu.memref_slice %arg10[%dma_wait3A_37, %dma_wait3A_38] : memref<40x128xi32, #tpu.memory_space<vmem>> -> memref<40x128xi32, #tpu.memory_space<vmem>>
    %dma_wait3A_40 = arith.constant 0 : i32
    %dma_wait3A_41 = tpu.memref_slice %arg4[%add3A_15, %dma_wait3A_40] : memref<2304x128xi32, #tpu.memory_space<hbm>> -> memref<40x128xi32, #tpu.memory_space<hbm>>
    %dma_wait3A_42 = arith.constant 0 : i32
    %dma_wait3A_43 = arith.constant 0 : i32
    %dma_wait3A_44 = tpu.memref_slice %arg10[%dma_wait3A_42, %dma_wait3A_43] : memref<40x128xi32, #tpu.memory_space<vmem>> -> memref<40x128xi32, #tpu.memory_space<vmem>>
    %dma_wait3A_45 = arith.constant 0 : i32
    %dma_wait3A_46 = tpu.memref_slice %arg4[%add3A_15, %dma_wait3A_45] : memref<2304x128xi32, #tpu.memory_space<hbm>> -> memref<40x128xi32, #tpu.memory_space<hbm>>
    tpu.wait_dma2 semaphore(%arg14 : memref<!tpu.dma_semaphore, #tpu.memory_space<semaphore_mem>>) src(%dma_wait3A_46 : memref<40x128xi32, #tpu.memory_space<hbm>>) dst(%dma_wait3A_44 : memref<40x128xi32, #tpu.memory_space<vmem>>)
    %run_scoped3A = arith.constant 0 : i32
    "tpu.region"() ({
      %run_scoped3A_255 = tpu.sem_alloc : memref<!tpu.dma_semaphore, #tpu.memory_space<semaphore_mem>>
      %dma_start3A_256 = arith.constant 0 : i32
      %dma_start3A_257 = tpu.memref_slice %arg9[%run_scoped3A, %dma_start3A_256] : memref<40x128xi32, #tpu.memory_space<vmem>> -> memref<1x128xi32, #tpu.memory_space<vmem>>
      %dma_start3A_258 = tpu.memref_squeeze %dma_start3A_257 : memref<1x128xi32, #tpu.memory_space<vmem>> -> memref<128xi32, #tpu.memory_space<vmem>>
      %dma_start3A_259 = arith.constant 0 : i32
      %dma_start3A_260 = arith.constant 0 : i32
      %dma_start3A_261 = tpu.memref_slice %arg2[%dma_start3A_259, %dma_start3A_260] : memref<10000x128xf32, #tpu.memory_space<hbm>> -> memref<10000x128xf32, #tpu.memory_space<hbm>>
      tpu.enqueue_indirect_dma source(%dma_start3A_261 : memref<10000x128xf32, #tpu.memory_space<hbm>>) target(%arg11 : memref<128x128xf32, #tpu.memory_space<vmem>>) offsets(%dma_start3A_258 : memref<128xi32, #tpu.memory_space<vmem>>) semaphore(%run_scoped3A_255 : memref<!tpu.dma_semaphore, #tpu.memory_space<semaphore_mem>>)
      %dma_wait3A_262 = arith.constant 0 : i32
      %dma_wait3A_263 = tpu.memref_slice %arg9[%run_scoped3A, %dma_wait3A_262] : memref<40x128xi32, #tpu.memory_space<vmem>> -> memref<1x128xi32, #tpu.memory_space<vmem>>
      %dma_wait3A_264 = tpu.memref_squeeze %dma_wait3A_263 : memref<1x128xi32, #tpu.memory_space<vmem>> -> memref<128xi32, #tpu.memory_space<vmem>>
      %dma_wait3A_265 = arith.constant 0 : i32
      %dma_wait3A_266 = arith.constant 0 : i32
      %dma_wait3A_267 = tpu.memref_slice %arg2[%dma_wait3A_265, %dma_wait3A_266] : memref<10000x128xf32, #tpu.memory_space<hbm>> -> memref<10000x128xf32, #tpu.memory_space<hbm>>
      tpu.wait_indirect_dma semaphore(%run_scoped3A_255 : memref<!tpu.dma_semaphore, #tpu.memory_space<semaphore_mem>>) src(%dma_wait3A_267 : memref<10000x128xf32, #tpu.memory_space<hbm>>) dst(%arg11 : memref<128x128xf32, #tpu.memory_space<vmem>>)
      tpu.yield
    }) : () -> ()
    %dma_start3A_47 = arith.constant 0 : i32
    %dma_start3A_48 = arith.constant 0 : i32
    %dma_start3A_49 = tpu.memref_slice %arg10[%dma_start3A_47, %dma_start3A_48] : memref<40x128xi32, #tpu.memory_space<vmem>> -> memref<1x128xi32, #tpu.memory_space<vmem>>
    %dma_start3A_50 = tpu.memref_squeeze %dma_start3A_49 : memref<1x128xi32, #tpu.memory_space<vmem>> -> memref<128xi32, #tpu.memory_space<vmem>>
    %dma_start3A_51 = arith.constant 0 : i32
    %dma_start3A_52 = arith.constant 0 : i32
    %dma_start3A_53 = tpu.memref_slice %arg13[%dma_start3A_51, %dma_start3A_52] : memref<10240x128xf32, #tpu.memory_space<vmem_shared>> -> memref<10240x128xf32, #tpu.memory_space<vmem_shared>>
    tpu.enqueue_indirect_dma source(%arg11 : memref<128x128xf32, #tpu.memory_space<vmem>>) target(%dma_start3A_53 : memref<10240x128xf32, #tpu.memory_space<vmem_shared>>) offsets(%dma_start3A_50 : memref<128xi32, #tpu.memory_space<vmem>>) semaphore(%arg15 : memref<!tpu.dma_semaphore, #tpu.memory_space<semaphore_mem>>) {add = true}
    %scan3A = arith.constant 0 : i32
    %scan3A_54 = arith.constant 19 : i32
    %scan3A_55 = arith.addi %scan3A, %scan3A_54 : i32
    %scan3A_56 = arith.constant 1 : i32
    scf.for %scan3A_255 = %scan3A to %scan3A_55 step %scan3A_56  : i32 {
      %mul3A_256 = arith.constant 1 : i32
      %mul3A_257 = arith.muli %scan3A_255, %mul3A_256 : i32
      %add3A_258 = arith.constant 0 : i32
      %add3A_259 = arith.addi %add3A_258, %mul3A_257 : i32
      %mul3A_260 = arith.constant 2 : i32
      %mul3A_261 = arith.muli %mul3A_260, %add3A_259 : i32
      %add3A_262 = arith.constant 1 : i32
      %add3A_263 = arith.addi %mul3A_261, %add3A_262 : i32
      "tpu.region"() ({
        %run_scoped3A_306 = tpu.sem_alloc : memref<!tpu.dma_semaphore, #tpu.memory_space<semaphore_mem>>
        %dma_start3A_307 = arith.constant 0 : i32
        %dma_start3A_308 = tpu.memref_slice %arg9[%add3A_263, %dma_start3A_307] : memref<40x128xi32, #tpu.memory_space<vmem>> -> memref<1x128xi32, #tpu.memory_space<vmem>>
        %dma_start3A_309 = tpu.memref_squeeze %dma_start3A_308 : memref<1x128xi32, #tpu.memory_space<vmem>> -> memref<128xi32, #tpu.memory_space<vmem>>
        %dma_start3A_310 = arith.constant 0 : i32
        %dma_start3A_311 = arith.constant 0 : i32
        %dma_start3A_312 = tpu.memref_slice %arg2[%dma_start3A_310, %dma_start3A_311] : memref<10000x128xf32, #tpu.memory_space<hbm>> -> memref<10000x128xf32, #tpu.memory_space<hbm>>
        tpu.enqueue_indirect_dma source(%dma_start3A_312 : memref<10000x128xf32, #tpu.memory_space<hbm>>) target(%arg12 : memref<128x128xf32, #tpu.memory_space<vmem>>) offsets(%dma_start3A_309 : memref<128xi32, #tpu.memory_space<vmem>>) semaphore(%run_scoped3A_306 : memref<!tpu.dma_semaphore, #tpu.memory_space<semaphore_mem>>)
        %dma_wait3A_313 = arith.constant 0 : i32
        %dma_wait3A_314 = tpu.memref_slice %arg9[%add3A_263, %dma_wait3A_313] : memref<40x128xi32, #tpu.memory_space<vmem>> -> memref<1x128xi32, #tpu.memory_space<vmem>>
        %dma_wait3A_315 = tpu.memref_squeeze %dma_wait3A_314 : memref<1x128xi32, #tpu.memory_space<vmem>> -> memref<128xi32, #tpu.memory_space<vmem>>
        %dma_wait3A_316 = arith.constant 0 : i32
        %dma_wait3A_317 = arith.constant 0 : i32
        %dma_wait3A_318 = tpu.memref_slice %arg2[%dma_wait3A_316, %dma_wait3A_317] : memref<10000x128xf32, #tpu.memory_space<hbm>> -> memref<10000x128xf32, #tpu.memory_space<hbm>>
        tpu.wait_indirect_dma semaphore(%run_scoped3A_306 : memref<!tpu.dma_semaphore, #tpu.memory_space<semaphore_mem>>) src(%dma_wait3A_318 : memref<10000x128xf32, #tpu.memory_space<hbm>>) dst(%arg12 : memref<128x128xf32, #tpu.memory_space<vmem>>)
        tpu.yield
      }) : () -> ()
      %mul3A_264 = arith.constant 2 : i32
      %mul3A_265 = arith.muli %mul3A_264, %add3A_259 : i32
      %dma_wait3A_266 = arith.constant 0 : i32
      %dma_wait3A_267 = tpu.memref_slice %arg10[%mul3A_265, %dma_wait3A_266] : memref<40x128xi32, #tpu.memory_space<vmem>> -> memref<1x128xi32, #tpu.memory_space<vmem>>
      %dma_wait3A_268 = tpu.memref_squeeze %dma_wait3A_267 : memref<1x128xi32, #tpu.memory_space<vmem>> -> memref<128xi32, #tpu.memory_space<vmem>>
      %dma_wait3A_269 = arith.constant 0 : i32
      %dma_wait3A_270 = arith.constant 0 : i32
      %dma_wait3A_271 = tpu.memref_slice %arg13[%dma_wait3A_269, %dma_wait3A_270] : memref<10240x128xf32, #tpu.memory_space<vmem_shared>> -> memref<10240x128xf32, #tpu.memory_space<vmem_shared>>
      tpu.wait_indirect_dma semaphore(%arg15 : memref<!tpu.dma_semaphore, #tpu.memory_space<semaphore_mem>>) src(%arg11 : memref<128x128xf32, #tpu.memory_space<vmem>>) dst(%dma_wait3A_271 : memref<10240x128xf32, #tpu.memory_space<vmem_shared>>)
      %mul3A_272 = arith.constant 2 : i32
      %mul3A_273 = arith.muli %mul3A_272, %add3A_259 : i32
      %add3A_274 = arith.constant 1 : i32
      %add3A_275 = arith.addi %mul3A_273, %add3A_274 : i32
      %dma_start3A_276 = arith.constant 0 : i32
      %dma_start3A_277 = tpu.memref_slice %arg10[%add3A_275, %dma_start3A_276] : memref<40x128xi32, #tpu.memory_space<vmem>> -> memref<1x128xi32, #tpu.memory_space<vmem>>
      %dma_start3A_278 = tpu.memref_squeeze %dma_start3A_277 : memref<1x128xi32, #tpu.memory_space<vmem>> -> memref<128xi32, #tpu.memory_space<vmem>>
      %dma_start3A_279 = arith.constant 0 : i32
      %dma_start3A_280 = arith.constant 0 : i32
      %dma_start3A_281 = tpu.memref_slice %arg13[%dma_start3A_279, %dma_start3A_280] : memref<10240x128xf32, #tpu.memory_space<vmem_shared>> -> memref<10240x128xf32, #tpu.memory_space<vmem_shared>>
      tpu.enqueue_indirect_dma source(%arg12 : memref<128x128xf32, #tpu.memory_space<vmem>>) target(%dma_start3A_281 : memref<10240x128xf32, #tpu.memory_space<vmem_shared>>) offsets(%dma_start3A_278 : memref<128xi32, #tpu.memory_space<vmem>>) semaphore(%arg16 : memref<!tpu.dma_semaphore, #tpu.memory_space<semaphore_mem>>) {add = true}
      %mul3A_282 = arith.constant 2 : i32
      %mul3A_283 = arith.muli %mul3A_282, %add3A_259 : i32
      %add3A_284 = arith.constant 2 : i32
      %add3A_285 = arith.addi %mul3A_283, %add3A_284 : i32
      "tpu.region"() ({
        %run_scoped3A_306 = tpu.sem_alloc : memref<!tpu.dma_semaphore, #tpu.memory_space<semaphore_mem>>
        %dma_start3A_307 = arith.constant 0 : i32
        %dma_start3A_308 = tpu.memref_slice %arg9[%add3A_285, %dma_start3A_307] : memref<40x128xi32, #tpu.memory_space<vmem>> -> memref<1x128xi32, #tpu.memory_space<vmem>>
        %dma_start3A_309 = tpu.memref_squeeze %dma_start3A_308 : memref<1x128xi32, #tpu.memory_space<vmem>> -> memref<128xi32, #tpu.memory_space<vmem>>
        %dma_start3A_310 = arith.constant 0 : i32
        %dma_start3A_311 = arith.constant 0 : i32
        %dma_start3A_312 = tpu.memref_slice %arg2[%dma_start3A_310, %dma_start3A_311] : memref<10000x128xf32, #tpu.memory_space<hbm>> -> memref<10000x128xf32, #tpu.memory_space<hbm>>
        tpu.enqueue_indirect_dma source(%dma_start3A_312 : memref<10000x128xf32, #tpu.memory_space<hbm>>) target(%arg11 : memref<128x128xf32, #tpu.memory_space<vmem>>) offsets(%dma_start3A_309 : memref<128xi32, #tpu.memory_space<vmem>>) semaphore(%run_scoped3A_306 : memref<!tpu.dma_semaphore, #tpu.memory_space<semaphore_mem>>)
        %dma_wait3A_313 = arith.constant 0 : i32
        %dma_wait3A_314 = tpu.memref_slice %arg9[%add3A_285, %dma_wait3A_313] : memref<40x128xi32, #tpu.memory_space<vmem>> -> memref<1x128xi32, #tpu.memory_space<vmem>>
        %dma_wait3A_315 = tpu.memref_squeeze %dma_wait3A_314 : memref<1x128xi32, #tpu.memory_space<vmem>> -> memref<128xi32, #tpu.memory_space<vmem>>
        %dma_wait3A_316 = arith.constant 0 : i32
        %dma_wait3A_317 = arith.constant 0 : i32
        %dma_wait3A_318 = tpu.memref_slice %arg2[%dma_wait3A_316, %dma_wait3A_317] : memref<10000x128xf32, #tpu.memory_space<hbm>> -> memref<10000x128xf32, #tpu.memory_space<hbm>>
        tpu.wait_indirect_dma semaphore(%run_scoped3A_306 : memref<!tpu.dma_semaphore, #tpu.memory_space<semaphore_mem>>) src(%dma_wait3A_318 : memref<10000x128xf32, #tpu.memory_space<hbm>>) dst(%arg11 : memref<128x128xf32, #tpu.memory_space<vmem>>)
        tpu.yield
      }) : () -> ()
      %mul3A_286 = arith.constant 2 : i32
      %mul3A_287 = arith.muli %mul3A_286, %add3A_259 : i32
      %add3A_288 = arith.constant 1 : i32
      %add3A_289 = arith.addi %mul3A_287, %add3A_288 : i32
      %dma_wait3A_290 = arith.constant 0 : i32
      %dma_wait3A_291 = tpu.memref_slice %arg10[%add3A_289, %dma_wait3A_290] : memref<40x128xi32, #tpu.memory_space<vmem>> -> memref<1x128xi32, #tpu.memory_space<vmem>>
      %dma_wait3A_292 = tpu.memref_squeeze %dma_wait3A_291 : memref<1x128xi32, #tpu.memory_space<vmem>> -> memref<128xi32, #tpu.memory_space<vmem>>
      %dma_wait3A_293 = arith.constant 0 : i32
      %dma_wait3A_294 = arith.constant 0 : i32
      %dma_wait3A_295 = tpu.memref_slice %arg13[%dma_wait3A_293, %dma_wait3A_294] : memref<10240x128xf32, #tpu.memory_space<vmem_shared>> -> memref<10240x128xf32, #tpu.memory_space<vmem_shared>>
      tpu.wait_indirect_dma semaphore(%arg16 : memref<!tpu.dma_semaphore, #tpu.memory_space<semaphore_mem>>) src(%arg12 : memref<128x128xf32, #tpu.memory_space<vmem>>) dst(%dma_wait3A_295 : memref<10240x128xf32, #tpu.memory_space<vmem_shared>>)
      %mul3A_296 = arith.constant 2 : i32
      %mul3A_297 = arith.muli %mul3A_296, %add3A_259 : i32
      %add3A_298 = arith.constant 2 : i32
      %add3A_299 = arith.addi %mul3A_297, %add3A_298 : i32
      %dma_start3A_300 = arith.constant 0 : i32
      %dma_start3A_301 = tpu.memref_slice %arg10[%add3A_299, %dma_start3A_300] : memref<40x128xi32, #tpu.memory_space<vmem>> -> memref<1x128xi32, #tpu.memory_space<vmem>>
      %dma_start3A_302 = tpu.memref_squeeze %dma_start3A_301 : memref<1x128xi32, #tpu.memory_space<vmem>> -> memref<128xi32, #tpu.memory_space<vmem>>
      %dma_start3A_303 = arith.constant 0 : i32
      %dma_start3A_304 = arith.constant 0 : i32
      %dma_start3A_305 = tpu.memref_slice %arg13[%dma_start3A_303, %dma_start3A_304] : memref<10240x128xf32, #tpu.memory_space<vmem_shared>> -> memref<10240x128xf32, #tpu.memory_space<vmem_shared>>
      tpu.enqueue_indirect_dma source(%arg11 : memref<128x128xf32, #tpu.memory_space<vmem>>) target(%dma_start3A_305 : memref<10240x128xf32, #tpu.memory_space<vmem_shared>>) offsets(%dma_start3A_302 : memref<128xi32, #tpu.memory_space<vmem>>) semaphore(%arg15 : memref<!tpu.dma_semaphore, #tpu.memory_space<semaphore_mem>>) {add = true}
    }
    %scan3A_57 = arith.constant 19 : i32
    %run_scoped3A_58 = arith.constant 39 : i32
    "tpu.region"() ({
      %run_scoped3A_255 = tpu.sem_alloc : memref<!tpu.dma_semaphore, #tpu.memory_space<semaphore_mem>>
      %dma_start3A_256 = arith.constant 0 : i32
      %dma_start3A_257 = tpu.memref_slice %arg9[%run_scoped3A_58, %dma_start3A_256] : memref<40x128xi32, #tpu.memory_space<vmem>> -> memref<1x128xi32, #tpu.memory_space<vmem>>
      %dma_start3A_258 = tpu.memref_squeeze %dma_start3A_257 : memref<1x128xi32, #tpu.memory_space<vmem>> -> memref<128xi32, #tpu.memory_space<vmem>>
      %dma_start3A_259 = arith.constant 0 : i32
      %dma_start3A_260 = arith.constant 0 : i32
      %dma_start3A_261 = tpu.memref_slice %arg2[%dma_start3A_259, %dma_start3A_260] : memref<10000x128xf32, #tpu.memory_space<hbm>> -> memref<10000x128xf32, #tpu.memory_space<hbm>>
      tpu.enqueue_indirect_dma source(%dma_start3A_261 : memref<10000x128xf32, #tpu.memory_space<hbm>>) target(%arg12 : memref<128x128xf32, #tpu.memory_space<vmem>>) offsets(%dma_start3A_258 : memref<128xi32, #tpu.memory_space<vmem>>) semaphore(%run_scoped3A_255 : memref<!tpu.dma_semaphore, #tpu.memory_space<semaphore_mem>>)
      %dma_wait3A_262 = arith.constant 0 : i32
      %dma_wait3A_263 = tpu.memref_slice %arg9[%run_scoped3A_58, %dma_wait3A_262] : memref<40x128xi32, #tpu.memory_space<vmem>> -> memref<1x128xi32, #tpu.memory_space<vmem>>
      %dma_wait3A_264 = tpu.memref_squeeze %dma_wait3A_263 : memref<1x128xi32, #tpu.memory_space<vmem>> -> memref<128xi32, #tpu.memory_space<vmem>>
      %dma_wait3A_265 = arith.constant 0 : i32
      %dma_wait3A_266 = arith.constant 0 : i32
      %dma_wait3A_267 = tpu.memref_slice %arg2[%dma_wait3A_265, %dma_wait3A_266] : memref<10000x128xf32, #tpu.memory_space<hbm>> -> memref<10000x128xf32, #tpu.memory_space<hbm>>
      tpu.wait_indirect_dma semaphore(%run_scoped3A_255 : memref<!tpu.dma_semaphore, #tpu.memory_space<semaphore_mem>>) src(%dma_wait3A_267 : memref<10000x128xf32, #tpu.memory_space<hbm>>) dst(%arg12 : memref<128x128xf32, #tpu.memory_space<vmem>>)
      tpu.yield
    }) : () -> ()
    %dma_wait3A_59 = arith.constant 38 : i32
    %dma_wait3A_60 = arith.constant 0 : i32
    %dma_wait3A_61 = tpu.memref_slice %arg10[%dma_wait3A_59, %dma_wait3A_60] : memref<40x128xi32, #tpu.memory_space<vmem>> -> memref<1x128xi32, #tpu.memory_space<vmem>>
    %dma_wait3A_62 = tpu.memref_squeeze %dma_wait3A_61 : memref<1x128xi32, #tpu.memory_space<vmem>> -> memref<128xi32, #tpu.memory_space<vmem>>
    %dma_wait3A_63 = arith.constant 0 : i32
    %dma_wait3A_64 = arith.constant 0 : i32
    %dma_wait3A_65 = tpu.memref_slice %arg13[%dma_wait3A_63, %dma_wait3A_64] : memref<10240x128xf32, #tpu.memory_space<vmem_shared>> -> memref<10240x128xf32, #tpu.memory_space<vmem_shared>>
    tpu.wait_indirect_dma semaphore(%arg15 : memref<!tpu.dma_semaphore, #tpu.memory_space<semaphore_mem>>) src(%arg11 : memref<128x128xf32, #tpu.memory_space<vmem>>) dst(%dma_wait3A_65 : memref<10240x128xf32, #tpu.memory_space<vmem_shared>>)
    %dma_start3A_66 = arith.constant 39 : i32
    %dma_start3A_67 = arith.constant 0 : i32
    %dma_start3A_68 = tpu.memref_slice %arg10[%dma_start3A_66, %dma_start3A_67] : memref<40x128xi32, #tpu.memory_space<vmem>> -> memref<1x128xi32, #tpu.memory_space<vmem>>
    %dma_start3A_69 = tpu.memref_squeeze %dma_start3A_68 : memref<1x128xi32, #tpu.memory_space<vmem>> -> memref<128xi32, #tpu.memory_space<vmem>>
    %dma_start3A_70 = arith.constant 0 : i32
    %dma_start3A_71 = arith.constant 0 : i32
    %dma_start3A_72 = tpu.memref_slice %arg13[%dma_start3A_70, %dma_start3A_71] : memref<10240x128xf32, #tpu.memory_space<vmem_shared>> -> memref<10240x128xf32, #tpu.memory_space<vmem_shared>>
    tpu.enqueue_indirect_dma source(%arg12 : memref<128x128xf32, #tpu.memory_space<vmem>>) target(%dma_start3A_72 : memref<10240x128xf32, #tpu.memory_space<vmem_shared>>) offsets(%dma_start3A_69 : memref<128xi32, #tpu.memory_space<vmem>>) semaphore(%arg16 : memref<!tpu.dma_semaphore, #tpu.memory_space<semaphore_mem>>) {add = true}
    %dma_wait3A_73 = arith.constant 39 : i32
    %dma_wait3A_74 = arith.constant 0 : i32
    %dma_wait3A_75 = tpu.memref_slice %arg10[%dma_wait3A_73, %dma_wait3A_74] : memref<40x128xi32, #tpu.memory_space<vmem>> -> memref<1x128xi32, #tpu.memory_space<vmem>>
    %dma_wait3A_76 = tpu.memref_squeeze %dma_wait3A_75 : memref<1x128xi32, #tpu.memory_space<vmem>> -> memref<128xi32, #tpu.memory_space<vmem>>
    %dma_wait3A_77 = arith.constant 0 : i32
    %dma_wait3A_78 = arith.constant 0 : i32
    %dma_wait3A_79 = tpu.memref_slice %arg13[%dma_wait3A_77, %dma_wait3A_78] : memref<10240x128xf32, #tpu.memory_space<vmem_shared>> -> memref<10240x128xf32, #tpu.memory_space<vmem_shared>>
    tpu.wait_indirect_dma semaphore(%arg16 : memref<!tpu.dma_semaphore, #tpu.memory_space<semaphore_mem>>) src(%arg12 : memref<128x128xf32, #tpu.memory_space<vmem>>) dst(%dma_wait3A_79 : memref<10240x128xf32, #tpu.memory_space<vmem_shared>>)
    %add3A_80 = arith.constant 40 : i32
    %add3A_81 = arith.addi %mul3A_2, %add3A_80 : i32
    %dma_start3A_82 = arith.constant 0 : i32
    %dma_start3A_83 = arith.constant 0 : i32
    %dma_start3A_84 = tpu.memref_slice %arg9[%dma_start3A_82, %dma_start3A_83] : memref<40x128xi32, #tpu.memory_space<vmem>> -> memref<32x128xi32, #tpu.memory_space<vmem>>
    %dma_start3A_85 = arith.constant 0 : i32
    %dma_start3A_86 = tpu.memref_slice %arg3[%add3A_81, %dma_start3A_85] : memref<2304x128xi32, #tpu.memory_space<hbm>> -> memref<32x128xi32, #tpu.memory_space<hbm>>
    %dma_start3A_87 = arith.constant 0 : i32
    %dma_start3A_88 = arith.constant 0 : i32
    %dma_start3A_89 = tpu.memref_slice %arg9[%dma_start3A_87, %dma_start3A_88] : memref<40x128xi32, #tpu.memory_space<vmem>> -> memref<32x128xi32, #tpu.memory_space<vmem>>
    %dma_start3A_90 = arith.constant 0 : i32
    %dma_start3A_91 = tpu.memref_slice %arg3[%add3A_81, %dma_start3A_90] : memref<2304x128xi32, #tpu.memory_space<hbm>> -> memref<32x128xi32, #tpu.memory_space<hbm>>
    tpu.enqueue_dma source(%dma_start3A_91 : memref<32x128xi32, #tpu.memory_space<hbm>>) target(%dma_start3A_89 : memref<32x128xi32, #tpu.memory_space<vmem>>) target_semaphore(%arg14 : memref<!tpu.dma_semaphore, #tpu.memory_space<semaphore_mem>>)
    %add3A_92 = arith.constant 40 : i32
    %add3A_93 = arith.addi %mul3A_2, %add3A_92 : i32
    %dma_start3A_94 = arith.constant 0 : i32
    %dma_start3A_95 = arith.constant 0 : i32
    %dma_start3A_96 = tpu.memref_slice %arg10[%dma_start3A_94, %dma_start3A_95] : memref<40x128xi32, #tpu.memory_space<vmem>> -> memref<32x128xi32, #tpu.memory_space<vmem>>
    %dma_start3A_97 = arith.constant 0 : i32
    %dma_start3A_98 = tpu.memref_slice %arg4[%add3A_93, %dma_start3A_97] : memref<2304x128xi32, #tpu.memory_space<hbm>> -> memref<32x128xi32, #tpu.memory_space<hbm>>
    %dma_start3A_99 = arith.constant 0 : i32
    %dma_start3A_100 = arith.constant 0 : i32
    %dma_start3A_101 = tpu.memref_slice %arg10[%dma_start3A_99, %dma_start3A_100] : memref<40x128xi32, #tpu.memory_space<vmem>> -> memref<32x128xi32, #tpu.memory_space<vmem>>
    %dma_start3A_102 = arith.constant 0 : i32
    %dma_start3A_103 = tpu.memref_slice %arg4[%add3A_93, %dma_start3A_102] : memref<2304x128xi32, #tpu.memory_space<hbm>> -> memref<32x128xi32, #tpu.memory_space<hbm>>
    tpu.enqueue_dma source(%dma_start3A_103 : memref<32x128xi32, #tpu.memory_space<hbm>>) target(%dma_start3A_101 : memref<32x128xi32, #tpu.memory_space<vmem>>) target_semaphore(%arg14 : memref<!tpu.dma_semaphore, #tpu.memory_space<semaphore_mem>>)
    %dma_wait3A_104 = arith.constant 0 : i32
    %dma_wait3A_105 = arith.constant 0 : i32
    %dma_wait3A_106 = tpu.memref_slice %arg9[%dma_wait3A_104, %dma_wait3A_105] : memref<40x128xi32, #tpu.memory_space<vmem>> -> memref<32x128xi32, #tpu.memory_space<vmem>>
    %dma_wait3A_107 = arith.constant 0 : i32
    %dma_wait3A_108 = tpu.memref_slice %arg3[%add3A_81, %dma_wait3A_107] : memref<2304x128xi32, #tpu.memory_space<hbm>> -> memref<32x128xi32, #tpu.memory_space<hbm>>
    %dma_wait3A_109 = arith.constant 0 : i32
    %dma_wait3A_110 = arith.constant 0 : i32
    %dma_wait3A_111 = tpu.memref_slice %arg9[%dma_wait3A_109, %dma_wait3A_110] : memref<40x128xi32, #tpu.memory_space<vmem>> -> memref<32x128xi32, #tpu.memory_space<vmem>>
    %dma_wait3A_112 = arith.constant 0 : i32
    %dma_wait3A_113 = tpu.memref_slice %arg3[%add3A_81, %dma_wait3A_112] : memref<2304x128xi32, #tpu.memory_space<hbm>> -> memref<32x128xi32, #tpu.memory_space<hbm>>
    tpu.wait_dma2 semaphore(%arg14 : memref<!tpu.dma_semaphore, #tpu.memory_space<semaphore_mem>>) src(%dma_wait3A_113 : memref<32x128xi32, #tpu.memory_space<hbm>>) dst(%dma_wait3A_111 : memref<32x128xi32, #tpu.memory_space<vmem>>)
    %dma_wait3A_114 = arith.constant 0 : i32
    %dma_wait3A_115 = arith.constant 0 : i32
    %dma_wait3A_116 = tpu.memref_slice %arg10[%dma_wait3A_114, %dma_wait3A_115] : memref<40x128xi32, #tpu.memory_space<vmem>> -> memref<32x128xi32, #tpu.memory_space<vmem>>
    %dma_wait3A_117 = arith.constant 0 : i32
    %dma_wait3A_118 = tpu.memref_slice %arg4[%add3A_93, %dma_wait3A_117] : memref<2304x128xi32, #tpu.memory_space<hbm>> -> memref<32x128xi32, #tpu.memory_space<hbm>>
    %dma_wait3A_119 = arith.constant 0 : i32
    %dma_wait3A_120 = arith.constant 0 : i32
    %dma_wait3A_121 = tpu.memref_slice %arg10[%dma_wait3A_119, %dma_wait3A_120] : memref<40x128xi32, #tpu.memory_space<vmem>> -> memref<32x128xi32, #tpu.memory_space<vmem>>
    %dma_wait3A_122 = arith.constant 0 : i32
    %dma_wait3A_123 = tpu.memref_slice %arg4[%add3A_93, %dma_wait3A_122] : memref<2304x128xi32, #tpu.memory_space<hbm>> -> memref<32x128xi32, #tpu.memory_space<hbm>>
    tpu.wait_dma2 semaphore(%arg14 : memref<!tpu.dma_semaphore, #tpu.memory_space<semaphore_mem>>) src(%dma_wait3A_123 : memref<32x128xi32, #tpu.memory_space<hbm>>) dst(%dma_wait3A_121 : memref<32x128xi32, #tpu.memory_space<vmem>>)
    %run_scoped3A_124 = arith.constant 0 : i32
    "tpu.region"() ({
      %run_scoped3A_255 = tpu.sem_alloc : memref<!tpu.dma_semaphore, #tpu.memory_space<semaphore_mem>>
      %dma_start3A_256 = arith.constant 0 : i32
      %dma_start3A_257 = tpu.memref_slice %arg9[%run_scoped3A_124, %dma_start3A_256] : memref<40x128xi32, #tpu.memory_space<vmem>> -> memref<1x128xi32, #tpu.memory_space<vmem>>
      %dma_start3A_258 = tpu.memref_squeeze %dma_start3A_257 : memref<1x128xi32, #tpu.memory_space<vmem>> -> memref<128xi32, #tpu.memory_space<vmem>>
      %dma_start3A_259 = arith.constant 0 : i32
      %dma_start3A_260 = arith.constant 0 : i32
      %dma_start3A_261 = tpu.memref_slice %arg2[%dma_start3A_259, %dma_start3A_260] : memref<10000x128xf32, #tpu.memory_space<hbm>> -> memref<10000x128xf32, #tpu.memory_space<hbm>>
      tpu.enqueue_indirect_dma source(%dma_start3A_261 : memref<10000x128xf32, #tpu.memory_space<hbm>>) target(%arg11 : memref<128x128xf32, #tpu.memory_space<vmem>>) offsets(%dma_start3A_258 : memref<128xi32, #tpu.memory_space<vmem>>) semaphore(%run_scoped3A_255 : memref<!tpu.dma_semaphore, #tpu.memory_space<semaphore_mem>>)
      %dma_wait3A_262 = arith.constant 0 : i32
      %dma_wait3A_263 = tpu.memref_slice %arg9[%run_scoped3A_124, %dma_wait3A_262] : memref<40x128xi32, #tpu.memory_space<vmem>> -> memref<1x128xi32, #tpu.memory_space<vmem>>
      %dma_wait3A_264 = tpu.memref_squeeze %dma_wait3A_263 : memref<1x128xi32, #tpu.memory_space<vmem>> -> memref<128xi32, #tpu.memory_space<vmem>>
      %dma_wait3A_265 = arith.constant 0 : i32
      %dma_wait3A_266 = arith.constant 0 : i32
      %dma_wait3A_267 = tpu.memref_slice %arg2[%dma_wait3A_265, %dma_wait3A_266] : memref<10000x128xf32, #tpu.memory_space<hbm>> -> memref<10000x128xf32, #tpu.memory_space<hbm>>
      tpu.wait_indirect_dma semaphore(%run_scoped3A_255 : memref<!tpu.dma_semaphore, #tpu.memory_space<semaphore_mem>>) src(%dma_wait3A_267 : memref<10000x128xf32, #tpu.memory_space<hbm>>) dst(%arg11 : memref<128x128xf32, #tpu.memory_space<vmem>>)
      tpu.yield
    }) : () -> ()
    %dma_start3A_125 = arith.constant 0 : i32
    %dma_start3A_126 = arith.constant 0 : i32
    %dma_start3A_127 = tpu.memref_slice %arg10[%dma_start3A_125, %dma_start3A_126] : memref<40x128xi32, #tpu.memory_space<vmem>> -> memref<1x128xi32, #tpu.memory_space<vmem>>
    %dma_start3A_128 = tpu.memref_squeeze %dma_start3A_127 : memref<1x128xi32, #tpu.memory_space<vmem>> -> memref<128xi32, #tpu.memory_space<vmem>>
    %dma_start3A_129 = arith.constant 0 : i32
    %dma_start3A_130 = arith.constant 0 : i32
    %dma_start3A_131 = tpu.memref_slice %arg13[%dma_start3A_129, %dma_start3A_130] : memref<10240x128xf32, #tpu.memory_space<vmem_shared>> -> memref<10240x128xf32, #tpu.memory_space<vmem_shared>>
    tpu.enqueue_indirect_dma source(%arg11 : memref<128x128xf32, #tpu.memory_space<vmem>>) target(%dma_start3A_131 : memref<10240x128xf32, #tpu.memory_space<vmem_shared>>) offsets(%dma_start3A_128 : memref<128xi32, #tpu.memory_space<vmem>>) semaphore(%arg15 : memref<!tpu.dma_semaphore, #tpu.memory_space<semaphore_mem>>) {add = true}
    %scan3A_132 = arith.constant 0 : i32
    %scan3A_133 = arith.constant 15 : i32
    %scan3A_134 = arith.addi %scan3A_132, %scan3A_133 : i32
    %scan3A_135 = arith.constant 1 : i32
    scf.for %scan3A_255 = %scan3A_132 to %scan3A_134 step %scan3A_135  : i32 {
      %mul3A_256 = arith.constant 1 : i32
      %mul3A_257 = arith.muli %scan3A_255, %mul3A_256 : i32
      %add3A_258 = arith.constant 0 : i32
      %add3A_259 = arith.addi %add3A_258, %mul3A_257 : i32
      %mul3A_260 = arith.constant 2 : i32
      %mul3A_261 = arith.muli %mul3A_260, %add3A_259 : i32
      %add3A_262 = arith.constant 1 : i32
      %add3A_263 = arith.addi %mul3A_261, %add3A_262 : i32
      "tpu.region"() ({
        %run_scoped3A_306 = tpu.sem_alloc : memref<!tpu.dma_semaphore, #tpu.memory_space<semaphore_mem>>
        %dma_start3A_307 = arith.constant 0 : i32
        %dma_start3A_308 = tpu.memref_slice %arg9[%add3A_263, %dma_start3A_307] : memref<40x128xi32, #tpu.memory_space<vmem>> -> memref<1x128xi32, #tpu.memory_space<vmem>>
        %dma_start3A_309 = tpu.memref_squeeze %dma_start3A_308 : memref<1x128xi32, #tpu.memory_space<vmem>> -> memref<128xi32, #tpu.memory_space<vmem>>
        %dma_start3A_310 = arith.constant 0 : i32
        %dma_start3A_311 = arith.constant 0 : i32
        %dma_start3A_312 = tpu.memref_slice %arg2[%dma_start3A_310, %dma_start3A_311] : memref<10000x128xf32, #tpu.memory_space<hbm>> -> memref<10000x128xf32, #tpu.memory_space<hbm>>
        tpu.enqueue_indirect_dma source(%dma_start3A_312 : memref<10000x128xf32, #tpu.memory_space<hbm>>) target(%arg12 : memref<128x128xf32, #tpu.memory_space<vmem>>) offsets(%dma_start3A_309 : memref<128xi32, #tpu.memory_space<vmem>>) semaphore(%run_scoped3A_306 : memref<!tpu.dma_semaphore, #tpu.memory_space<semaphore_mem>>)
        %dma_wait3A_313 = arith.constant 0 : i32
        %dma_wait3A_314 = tpu.memref_slice %arg9[%add3A_263, %dma_wait3A_313] : memref<40x128xi32, #tpu.memory_space<vmem>> -> memref<1x128xi32, #tpu.memory_space<vmem>>
        %dma_wait3A_315 = tpu.memref_squeeze %dma_wait3A_314 : memref<1x128xi32, #tpu.memory_space<vmem>> -> memref<128xi32, #tpu.memory_space<vmem>>
        %dma_wait3A_316 = arith.constant 0 : i32
        %dma_wait3A_317 = arith.constant 0 : i32
        %dma_wait3A_318 = tpu.memref_slice %arg2[%dma_wait3A_316, %dma_wait3A_317] : memref<10000x128xf32, #tpu.memory_space<hbm>> -> memref<10000x128xf32, #tpu.memory_space<hbm>>
        tpu.wait_indirect_dma semaphore(%run_scoped3A_306 : memref<!tpu.dma_semaphore, #tpu.memory_space<semaphore_mem>>) src(%dma_wait3A_318 : memref<10000x128xf32, #tpu.memory_space<hbm>>) dst(%arg12 : memref<128x128xf32, #tpu.memory_space<vmem>>)
        tpu.yield
      }) : () -> ()
      %mul3A_264 = arith.constant 2 : i32
      %mul3A_265 = arith.muli %mul3A_264, %add3A_259 : i32
      %dma_wait3A_266 = arith.constant 0 : i32
      %dma_wait3A_267 = tpu.memref_slice %arg10[%mul3A_265, %dma_wait3A_266] : memref<40x128xi32, #tpu.memory_space<vmem>> -> memref<1x128xi32, #tpu.memory_space<vmem>>
      %dma_wait3A_268 = tpu.memref_squeeze %dma_wait3A_267 : memref<1x128xi32, #tpu.memory_space<vmem>> -> memref<128xi32, #tpu.memory_space<vmem>>
      %dma_wait3A_269 = arith.constant 0 : i32
      %dma_wait3A_270 = arith.constant 0 : i32
      %dma_wait3A_271 = tpu.memref_slice %arg13[%dma_wait3A_269, %dma_wait3A_270] : memref<10240x128xf32, #tpu.memory_space<vmem_shared>> -> memref<10240x128xf32, #tpu.memory_space<vmem_shared>>
      tpu.wait_indirect_dma semaphore(%arg15 : memref<!tpu.dma_semaphore, #tpu.memory_space<semaphore_mem>>) src(%arg11 : memref<128x128xf32, #tpu.memory_space<vmem>>) dst(%dma_wait3A_271 : memref<10240x128xf32, #tpu.memory_space<vmem_shared>>)
      %mul3A_272 = arith.constant 2 : i32
      %mul3A_273 = arith.muli %mul3A_272, %add3A_259 : i32
      %add3A_274 = arith.constant 1 : i32
      %add3A_275 = arith.addi %mul3A_273, %add3A_274 : i32
      %dma_start3A_276 = arith.constant 0 : i32
      %dma_start3A_277 = tpu.memref_slice %arg10[%add3A_275, %dma_start3A_276] : memref<40x128xi32, #tpu.memory_space<vmem>> -> memref<1x128xi32, #tpu.memory_space<vmem>>
      %dma_start3A_278 = tpu.memref_squeeze %dma_start3A_277 : memref<1x128xi32, #tpu.memory_space<vmem>> -> memref<128xi32, #tpu.memory_space<vmem>>
      %dma_start3A_279 = arith.constant 0 : i32
      %dma_start3A_280 = arith.constant 0 : i32
      %dma_start3A_281 = tpu.memref_slice %arg13[%dma_start3A_279, %dma_start3A_280] : memref<10240x128xf32, #tpu.memory_space<vmem_shared>> -> memref<10240x128xf32, #tpu.memory_space<vmem_shared>>
      tpu.enqueue_indirect_dma source(%arg12 : memref<128x128xf32, #tpu.memory_space<vmem>>) target(%dma_start3A_281 : memref<10240x128xf32, #tpu.memory_space<vmem_shared>>) offsets(%dma_start3A_278 : memref<128xi32, #tpu.memory_space<vmem>>) semaphore(%arg16 : memref<!tpu.dma_semaphore, #tpu.memory_space<semaphore_mem>>) {add = true}
      %mul3A_282 = arith.constant 2 : i32
      %mul3A_283 = arith.muli %mul3A_282, %add3A_259 : i32
      %add3A_284 = arith.constant 2 : i32
      %add3A_285 = arith.addi %mul3A_283, %add3A_284 : i32
      "tpu.region"() ({
        %run_scoped3A_306 = tpu.sem_alloc : memref<!tpu.dma_semaphore, #tpu.memory_space<semaphore_mem>>
        %dma_start3A_307 = arith.constant 0 : i32
        %dma_start3A_308 = tpu.memref_slice %arg9[%add3A_285, %dma_start3A_307] : memref<40x128xi32, #tpu.memory_space<vmem>> -> memref<1x128xi32, #tpu.memory_space<vmem>>
        %dma_start3A_309 = tpu.memref_squeeze %dma_start3A_308 : memref<1x128xi32, #tpu.memory_space<vmem>> -> memref<128xi32, #tpu.memory_space<vmem>>
        %dma_start3A_310 = arith.constant 0 : i32
        %dma_start3A_311 = arith.constant 0 : i32
        %dma_start3A_312 = tpu.memref_slice %arg2[%dma_start3A_310, %dma_start3A_311] : memref<10000x128xf32, #tpu.memory_space<hbm>> -> memref<10000x128xf32, #tpu.memory_space<hbm>>
        tpu.enqueue_indirect_dma source(%dma_start3A_312 : memref<10000x128xf32, #tpu.memory_space<hbm>>) target(%arg11 : memref<128x128xf32, #tpu.memory_space<vmem>>) offsets(%dma_start3A_309 : memref<128xi32, #tpu.memory_space<vmem>>) semaphore(%run_scoped3A_306 : memref<!tpu.dma_semaphore, #tpu.memory_space<semaphore_mem>>)
        %dma_wait3A_313 = arith.constant 0 : i32
        %dma_wait3A_314 = tpu.memref_slice %arg9[%add3A_285, %dma_wait3A_313] : memref<40x128xi32, #tpu.memory_space<vmem>> -> memref<1x128xi32, #tpu.memory_space<vmem>>
        %dma_wait3A_315 = tpu.memref_squeeze %dma_wait3A_314 : memref<1x128xi32, #tpu.memory_space<vmem>> -> memref<128xi32, #tpu.memory_space<vmem>>
        %dma_wait3A_316 = arith.constant 0 : i32
        %dma_wait3A_317 = arith.constant 0 : i32
        %dma_wait3A_318 = tpu.memref_slice %arg2[%dma_wait3A_316, %dma_wait3A_317] : memref<10000x128xf32, #tpu.memory_space<hbm>> -> memref<10000x128xf32, #tpu.memory_space<hbm>>
        tpu.wait_indirect_dma semaphore(%run_scoped3A_306 : memref<!tpu.dma_semaphore, #tpu.memory_space<semaphore_mem>>) src(%dma_wait3A_318 : memref<10000x128xf32, #tpu.memory_space<hbm>>) dst(%arg11 : memref<128x128xf32, #tpu.memory_space<vmem>>)
        tpu.yield
      }) : () -> ()
      %mul3A_286 = arith.constant 2 : i32
      %mul3A_287 = arith.muli %mul3A_286, %add3A_259 : i32
      %add3A_288 = arith.constant 1 : i32
      %add3A_289 = arith.addi %mul3A_287, %add3A_288 : i32
      %dma_wait3A_290 = arith.constant 0 : i32
      %dma_wait3A_291 = tpu.memref_slice %arg10[%add3A_289, %dma_wait3A_290] : memref<40x128xi32, #tpu.memory_space<vmem>> -> memref<1x128xi32, #tpu.memory_space<vmem>>
      %dma_wait3A_292 = tpu.memref_squeeze %dma_wait3A_291 : memref<1x128xi32, #tpu.memory_space<vmem>> -> memref<128xi32, #tpu.memory_space<vmem>>
      %dma_wait3A_293 = arith.constant 0 : i32
      %dma_wait3A_294 = arith.constant 0 : i32
      %dma_wait3A_295 = tpu.memref_slice %arg13[%dma_wait3A_293, %dma_wait3A_294] : memref<10240x128xf32, #tpu.memory_space<vmem_shared>> -> memref<10240x128xf32, #tpu.memory_space<vmem_shared>>
      tpu.wait_indirect_dma semaphore(%arg16 : memref<!tpu.dma_semaphore, #tpu.memory_space<semaphore_mem>>) src(%arg12 : memref<128x128xf32, #tpu.memory_space<vmem>>) dst(%dma_wait3A_295 : memref<10240x128xf32, #tpu.memory_space<vmem_shared>>)
      %mul3A_296 = arith.constant 2 : i32
      %mul3A_297 = arith.muli %mul3A_296, %add3A_259 : i32
      %add3A_298 = arith.constant 2 : i32
      %add3A_299 = arith.addi %mul3A_297, %add3A_298 : i32
      %dma_start3A_300 = arith.constant 0 : i32
      %dma_start3A_301 = tpu.memref_slice %arg10[%add3A_299, %dma_start3A_300] : memref<40x128xi32, #tpu.memory_space<vmem>> -> memref<1x128xi32, #tpu.memory_space<vmem>>
      %dma_start3A_302 = tpu.memref_squeeze %dma_start3A_301 : memref<1x128xi32, #tpu.memory_space<vmem>> -> memref<128xi32, #tpu.memory_space<vmem>>
      %dma_start3A_303 = arith.constant 0 : i32
      %dma_start3A_304 = arith.constant 0 : i32
      %dma_start3A_305 = tpu.memref_slice %arg13[%dma_start3A_303, %dma_start3A_304] : memref<10240x128xf32, #tpu.memory_space<vmem_shared>> -> memref<10240x128xf32, #tpu.memory_space<vmem_shared>>
      tpu.enqueue_indirect_dma source(%arg11 : memref<128x128xf32, #tpu.memory_space<vmem>>) target(%dma_start3A_305 : memref<10240x128xf32, #tpu.memory_space<vmem_shared>>) offsets(%dma_start3A_302 : memref<128xi32, #tpu.memory_space<vmem>>) semaphore(%arg15 : memref<!tpu.dma_semaphore, #tpu.memory_space<semaphore_mem>>) {add = true}
    }
    %scan3A_136 = arith.constant 15 : i32
    %run_scoped3A_137 = arith.constant 31 : i32
    "tpu.region"() ({
      %run_scoped3A_255 = tpu.sem_alloc : memref<!tpu.dma_semaphore, #tpu.memory_space<semaphore_mem>>
      %dma_start3A_256 = arith.constant 0 : i32
      %dma_start3A_257 = tpu.memref_slice %arg9[%run_scoped3A_137, %dma_start3A_256] : memref<40x128xi32, #tpu.memory_space<vmem>> -> memref<1x128xi32, #tpu.memory_space<vmem>>
      %dma_start3A_258 = tpu.memref_squeeze %dma_start3A_257 : memref<1x128xi32, #tpu.memory_space<vmem>> -> memref<128xi32, #tpu.memory_space<vmem>>
      %dma_start3A_259 = arith.constant 0 : i32
      %dma_start3A_260 = arith.constant 0 : i32
      %dma_start3A_261 = tpu.memref_slice %arg2[%dma_start3A_259, %dma_start3A_260] : memref<10000x128xf32, #tpu.memory_space<hbm>> -> memref<10000x128xf32, #tpu.memory_space<hbm>>
      tpu.enqueue_indirect_dma source(%dma_start3A_261 : memref<10000x128xf32, #tpu.memory_space<hbm>>) target(%arg12 : memref<128x128xf32, #tpu.memory_space<vmem>>) offsets(%dma_start3A_258 : memref<128xi32, #tpu.memory_space<vmem>>) semaphore(%run_scoped3A_255 : memref<!tpu.dma_semaphore, #tpu.memory_space<semaphore_mem>>)
      %dma_wait3A_262 = arith.constant 0 : i32
      %dma_wait3A_263 = tpu.memref_slice %arg9[%run_scoped3A_137, %dma_wait3A_262] : memref<40x128xi32, #tpu.memory_space<vmem>> -> memref<1x128xi32, #tpu.memory_space<vmem>>
      %dma_wait3A_264 = tpu.memref_squeeze %dma_wait3A_263 : memref<1x128xi32, #tpu.memory_space<vmem>> -> memref<128xi32, #tpu.memory_space<vmem>>
      %dma_wait3A_265 = arith.constant 0 : i32
      %dma_wait3A_266 = arith.constant 0 : i32
      %dma_wait3A_267 = tpu.memref_slice %arg2[%dma_wait3A_265, %dma_wait3A_266] : memref<10000x128xf32, #tpu.memory_space<hbm>> -> memref<10000x128xf32, #tpu.memory_space<hbm>>
      tpu.wait_indirect_dma semaphore(%run_scoped3A_255 : memref<!tpu.dma_semaphore, #tpu.memory_space<semaphore_mem>>) src(%dma_wait3A_267 : memref<10000x128xf32, #tpu.memory_space<hbm>>) dst(%arg12 : memref<128x128xf32, #tpu.memory_space<vmem>>)
      tpu.yield
    }) : () -> ()
    %dma_wait3A_138 = arith.constant 30 : i32
    %dma_wait3A_139 = arith.constant 0 : i32
    %dma_wait3A_140 = tpu.memref_slice %arg10[%dma_wait3A_138, %dma_wait3A_139] : memref<40x128xi32, #tpu.memory_space<vmem>> -> memref<1x128xi32, #tpu.memory_space<vmem>>
    %dma_wait3A_141 = tpu.memref_squeeze %dma_wait3A_140 : memref<1x128xi32, #tpu.memory_space<vmem>> -> memref<128xi32, #tpu.memory_space<vmem>>
    %dma_wait3A_142 = arith.constant 0 : i32
    %dma_wait3A_143 = arith.constant 0 : i32
    %dma_wait3A_144 = tpu.memref_slice %arg13[%dma_wait3A_142, %dma_wait3A_143] : memref<10240x128xf32, #tpu.memory_space<vmem_shared>> -> memref<10240x128xf32, #tpu.memory_space<vmem_shared>>
    tpu.wait_indirect_dma semaphore(%arg15 : memref<!tpu.dma_semaphore, #tpu.memory_space<semaphore_mem>>) src(%arg11 : memref<128x128xf32, #tpu.memory_space<vmem>>) dst(%dma_wait3A_144 : memref<10240x128xf32, #tpu.memory_space<vmem_shared>>)
    %dma_start3A_145 = arith.constant 31 : i32
    %dma_start3A_146 = arith.constant 0 : i32
    %dma_start3A_147 = tpu.memref_slice %arg10[%dma_start3A_145, %dma_start3A_146] : memref<40x128xi32, #tpu.memory_space<vmem>> -> memref<1x128xi32, #tpu.memory_space<vmem>>
    %dma_start3A_148 = tpu.memref_squeeze %dma_start3A_147 : memref<1x128xi32, #tpu.memory_space<vmem>> -> memref<128xi32, #tpu.memory_space<vmem>>
    %dma_start3A_149 = arith.constant 0 : i32
    %dma_start3A_150 = arith.constant 0 : i32
    %dma_start3A_151 = tpu.memref_slice %arg13[%dma_start3A_149, %dma_start3A_150] : memref<10240x128xf32, #tpu.memory_space<vmem_shared>> -> memref<10240x128xf32, #tpu.memory_space<vmem_shared>>
    tpu.enqueue_indirect_dma source(%arg12 : memref<128x128xf32, #tpu.memory_space<vmem>>) target(%dma_start3A_151 : memref<10240x128xf32, #tpu.memory_space<vmem_shared>>) offsets(%dma_start3A_148 : memref<128xi32, #tpu.memory_space<vmem>>) semaphore(%arg16 : memref<!tpu.dma_semaphore, #tpu.memory_space<semaphore_mem>>) {add = true}
    %dma_wait3A_152 = arith.constant 31 : i32
    %dma_wait3A_153 = arith.constant 0 : i32
    %dma_wait3A_154 = tpu.memref_slice %arg10[%dma_wait3A_152, %dma_wait3A_153] : memref<40x128xi32, #tpu.memory_space<vmem>> -> memref<1x128xi32, #tpu.memory_space<vmem>>
    %dma_wait3A_155 = tpu.memref_squeeze %dma_wait3A_154 : memref<1x128xi32, #tpu.memory_space<vmem>> -> memref<128xi32, #tpu.memory_space<vmem>>
    %dma_wait3A_156 = arith.constant 0 : i32
    %dma_wait3A_157 = arith.constant 0 : i32
    %dma_wait3A_158 = tpu.memref_slice %arg13[%dma_wait3A_156, %dma_wait3A_157] : memref<10240x128xf32, #tpu.memory_space<vmem_shared>> -> memref<10240x128xf32, #tpu.memory_space<vmem_shared>>
    tpu.wait_indirect_dma semaphore(%arg16 : memref<!tpu.dma_semaphore, #tpu.memory_space<semaphore_mem>>) src(%arg12 : memref<128x128xf32, #tpu.memory_space<vmem>>) dst(%dma_wait3A_158 : memref<10240x128xf32, #tpu.memory_space<vmem_shared>>)
    %dma_start3A_159 = arith.constant 0 : i32
    %dma_start3A_160 = arith.constant 0 : i32
    %dma_start3A_161 = tpu.memref_slice %arg9[%dma_start3A_159, %dma_start3A_160] : memref<40x128xi32, #tpu.memory_space<vmem>> -> memref<8x128xi32, #tpu.memory_space<vmem>>
    %dma_start3A_162 = arith.constant 0 : i32
    %dma_start3A_163 = arith.constant 0 : i32
    %dma_start3A_164 = tpu.memref_slice %arg5[%add3A, %dma_start3A_162, %dma_start3A_163] : memref<32x8x128xi32, #tpu.memory_space<hbm>> -> memref<1x8x128xi32, #tpu.memory_space<hbm>>
    %dma_start3A_165 = tpu.memref_squeeze %dma_start3A_164 : memref<1x8x128xi32, #tpu.memory_space<hbm>> -> memref<8x128xi32, #tpu.memory_space<hbm>>
    %dma_start3A_166 = arith.constant 0 : i32
    %dma_start3A_167 = arith.constant 0 : i32
    %dma_start3A_168 = tpu.memref_slice %arg9[%dma_start3A_166, %dma_start3A_167] : memref<40x128xi32, #tpu.memory_space<vmem>> -> memref<8x128xi32, #tpu.memory_space<vmem>>
    %dma_start3A_169 = arith.constant 0 : i32
    %dma_start3A_170 = arith.constant 0 : i32
    %dma_start3A_171 = tpu.memref_slice %arg5[%add3A, %dma_start3A_169, %dma_start3A_170] : memref<32x8x128xi32, #tpu.memory_space<hbm>> -> memref<1x8x128xi32, #tpu.memory_space<hbm>>
    %dma_start3A_172 = tpu.memref_squeeze %dma_start3A_171 : memref<1x8x128xi32, #tpu.memory_space<hbm>> -> memref<8x128xi32, #tpu.memory_space<hbm>>
    tpu.enqueue_dma source(%dma_start3A_172 : memref<8x128xi32, #tpu.memory_space<hbm>>) target(%dma_start3A_168 : memref<8x128xi32, #tpu.memory_space<vmem>>) target_semaphore(%arg14 : memref<!tpu.dma_semaphore, #tpu.memory_space<semaphore_mem>>)
    %dma_start3A_173 = arith.constant 0 : i32
    %dma_start3A_174 = arith.constant 0 : i32
    %dma_start3A_175 = tpu.memref_slice %arg10[%dma_start3A_173, %dma_start3A_174] : memref<40x128xi32, #tpu.memory_space<vmem>> -> memref<8x128xi32, #tpu.memory_space<vmem>>
    %dma_start3A_176 = arith.constant 0 : i32
    %dma_start3A_177 = arith.constant 0 : i32
    %dma_start3A_178 = tpu.memref_slice %arg6[%add3A, %dma_start3A_176, %dma_start3A_177] : memref<32x8x128xi32, #tpu.memory_space<hbm>> -> memref<1x8x128xi32, #tpu.memory_space<hbm>>
    %dma_start3A_179 = tpu.memref_squeeze %dma_start3A_178 : memref<1x8x128xi32, #tpu.memory_space<hbm>> -> memref<8x128xi32, #tpu.memory_space<hbm>>
    %dma_start3A_180 = arith.constant 0 : i32
    %dma_start3A_181 = arith.constant 0 : i32
    %dma_start3A_182 = tpu.memref_slice %arg10[%dma_start3A_180, %dma_start3A_181] : memref<40x128xi32, #tpu.memory_space<vmem>> -> memref<8x128xi32, #tpu.memory_space<vmem>>
    %dma_start3A_183 = arith.constant 0 : i32
    %dma_start3A_184 = arith.constant 0 : i32
    %dma_start3A_185 = tpu.memref_slice %arg6[%add3A, %dma_start3A_183, %dma_start3A_184] : memref<32x8x128xi32, #tpu.memory_space<hbm>> -> memref<1x8x128xi32, #tpu.memory_space<hbm>>
    %dma_start3A_186 = tpu.memref_squeeze %dma_start3A_185 : memref<1x8x128xi32, #tpu.memory_space<hbm>> -> memref<8x128xi32, #tpu.memory_space<hbm>>
    tpu.enqueue_dma source(%dma_start3A_186 : memref<8x128xi32, #tpu.memory_space<hbm>>) target(%dma_start3A_182 : memref<8x128xi32, #tpu.memory_space<vmem>>) target_semaphore(%arg14 : memref<!tpu.dma_semaphore, #tpu.memory_space<semaphore_mem>>)
    %dma_wait3A_187 = arith.constant 0 : i32
    %dma_wait3A_188 = arith.constant 0 : i32
    %dma_wait3A_189 = tpu.memref_slice %arg9[%dma_wait3A_187, %dma_wait3A_188] : memref<40x128xi32, #tpu.memory_space<vmem>> -> memref<8x128xi32, #tpu.memory_space<vmem>>
    %dma_wait3A_190 = arith.constant 0 : i32
    %dma_wait3A_191 = arith.constant 0 : i32
    %dma_wait3A_192 = tpu.memref_slice %arg5[%add3A, %dma_wait3A_190, %dma_wait3A_191] : memref<32x8x128xi32, #tpu.memory_space<hbm>> -> memref<1x8x128xi32, #tpu.memory_space<hbm>>
    %dma_wait3A_193 = tpu.memref_squeeze %dma_wait3A_192 : memref<1x8x128xi32, #tpu.memory_space<hbm>> -> memref<8x128xi32, #tpu.memory_space<hbm>>
    %dma_wait3A_194 = arith.constant 0 : i32
    %dma_wait3A_195 = arith.constant 0 : i32
    %dma_wait3A_196 = tpu.memref_slice %arg9[%dma_wait3A_194, %dma_wait3A_195] : memref<40x128xi32, #tpu.memory_space<vmem>> -> memref<8x128xi32, #tpu.memory_space<vmem>>
    %dma_wait3A_197 = arith.constant 0 : i32
    %dma_wait3A_198 = arith.constant 0 : i32
    %dma_wait3A_199 = tpu.memref_slice %arg5[%add3A, %dma_wait3A_197, %dma_wait3A_198] : memref<32x8x128xi32, #tpu.memory_space<hbm>> -> memref<1x8x128xi32, #tpu.memory_space<hbm>>
    %dma_wait3A_200 = tpu.memref_squeeze %dma_wait3A_199 : memref<1x8x128xi32, #tpu.memory_space<hbm>> -> memref<8x128xi32, #tpu.memory_space<hbm>>
    tpu.wait_dma2 semaphore(%arg14 : memref<!tpu.dma_semaphore, #tpu.memory_space<semaphore_mem>>) src(%dma_wait3A_200 : memref<8x128xi32, #tpu.memory_space<hbm>>) dst(%dma_wait3A_196 : memref<8x128xi32, #tpu.memory_space<vmem>>)
    %dma_wait3A_201 = arith.constant 0 : i32
    %dma_wait3A_202 = arith.constant 0 : i32
    %dma_wait3A_203 = tpu.memref_slice %arg10[%dma_wait3A_201, %dma_wait3A_202] : memref<40x128xi32, #tpu.memory_space<vmem>> -> memref<8x128xi32, #tpu.memory_space<vmem>>
    %dma_wait3A_204 = arith.constant 0 : i32
    %dma_wait3A_205 = arith.constant 0 : i32
    %dma_wait3A_206 = tpu.memref_slice %arg6[%add3A, %dma_wait3A_204, %dma_wait3A_205] : memref<32x8x128xi32, #tpu.memory_space<hbm>> -> memref<1x8x128xi32, #tpu.memory_space<hbm>>
    %dma_wait3A_207 = tpu.memref_squeeze %dma_wait3A_206 : memref<1x8x128xi32, #tpu.memory_space<hbm>> -> memref<8x128xi32, #tpu.memory_space<hbm>>
    %dma_wait3A_208 = arith.constant 0 : i32
    %dma_wait3A_209 = arith.constant 0 : i32
    %dma_wait3A_210 = tpu.memref_slice %arg10[%dma_wait3A_208, %dma_wait3A_209] : memref<40x128xi32, #tpu.memory_space<vmem>> -> memref<8x128xi32, #tpu.memory_space<vmem>>
    %dma_wait3A_211 = arith.constant 0 : i32
    %dma_wait3A_212 = arith.constant 0 : i32
    %dma_wait3A_213 = tpu.memref_slice %arg6[%add3A, %dma_wait3A_211, %dma_wait3A_212] : memref<32x8x128xi32, #tpu.memory_space<hbm>> -> memref<1x8x128xi32, #tpu.memory_space<hbm>>
    %dma_wait3A_214 = tpu.memref_squeeze %dma_wait3A_213 : memref<1x8x128xi32, #tpu.memory_space<hbm>> -> memref<8x128xi32, #tpu.memory_space<hbm>>
    tpu.wait_dma2 semaphore(%arg14 : memref<!tpu.dma_semaphore, #tpu.memory_space<semaphore_mem>>) src(%dma_wait3A_214 : memref<8x128xi32, #tpu.memory_space<hbm>>) dst(%dma_wait3A_210 : memref<8x128xi32, #tpu.memory_space<vmem>>)
    %run_scoped3A_215 = arith.constant 0 : i32
    "tpu.region"() ({
      %run_scoped3A_255 = tpu.sem_alloc : memref<!tpu.dma_semaphore, #tpu.memory_space<semaphore_mem>>
      %dma_start3A_256 = arith.constant 0 : i32
      %dma_start3A_257 = tpu.memref_slice %arg9[%run_scoped3A_215, %dma_start3A_256] : memref<40x128xi32, #tpu.memory_space<vmem>> -> memref<1x128xi32, #tpu.memory_space<vmem>>
      %dma_start3A_258 = tpu.memref_squeeze %dma_start3A_257 : memref<1x128xi32, #tpu.memory_space<vmem>> -> memref<128xi32, #tpu.memory_space<vmem>>
      %dma_start3A_259 = arith.constant 0 : i32
      %dma_start3A_260 = arith.constant 0 : i32
      %dma_start3A_261 = tpu.memref_slice %arg2[%dma_start3A_259, %dma_start3A_260] : memref<10000x128xf32, #tpu.memory_space<hbm>> -> memref<10000x128xf32, #tpu.memory_space<hbm>>
      tpu.enqueue_indirect_dma source(%dma_start3A_261 : memref<10000x128xf32, #tpu.memory_space<hbm>>) target(%arg11 : memref<128x128xf32, #tpu.memory_space<vmem>>) offsets(%dma_start3A_258 : memref<128xi32, #tpu.memory_space<vmem>>) semaphore(%run_scoped3A_255 : memref<!tpu.dma_semaphore, #tpu.memory_space<semaphore_mem>>)
      %dma_wait3A_262 = arith.constant 0 : i32
      %dma_wait3A_263 = tpu.memref_slice %arg9[%run_scoped3A_215, %dma_wait3A_262] : memref<40x128xi32, #tpu.memory_space<vmem>> -> memref<1x128xi32, #tpu.memory_space<vmem>>
      %dma_wait3A_264 = tpu.memref_squeeze %dma_wait3A_263 : memref<1x128xi32, #tpu.memory_space<vmem>> -> memref<128xi32, #tpu.memory_space<vmem>>
      %dma_wait3A_265 = arith.constant 0 : i32
      %dma_wait3A_266 = arith.constant 0 : i32
      %dma_wait3A_267 = tpu.memref_slice %arg2[%dma_wait3A_265, %dma_wait3A_266] : memref<10000x128xf32, #tpu.memory_space<hbm>> -> memref<10000x128xf32, #tpu.memory_space<hbm>>
      tpu.wait_indirect_dma semaphore(%run_scoped3A_255 : memref<!tpu.dma_semaphore, #tpu.memory_space<semaphore_mem>>) src(%dma_wait3A_267 : memref<10000x128xf32, #tpu.memory_space<hbm>>) dst(%arg11 : memref<128x128xf32, #tpu.memory_space<vmem>>)
      tpu.yield
    }) : () -> ()
    %dma_start3A_216 = arith.constant 0 : i32
    %dma_start3A_217 = arith.constant 0 : i32
    %dma_start3A_218 = tpu.memref_slice %arg10[%dma_start3A_216, %dma_start3A_217] : memref<40x128xi32, #tpu.memory_space<vmem>> -> memref<1x128xi32, #tpu.memory_space<vmem>>
    %dma_start3A_219 = tpu.memref_squeeze %dma_start3A_218 : memref<1x128xi32, #tpu.memory_space<vmem>> -> memref<128xi32, #tpu.memory_space<vmem>>
    %dma_start3A_220 = arith.constant 0 : i32
    %dma_start3A_221 = arith.constant 0 : i32
    %dma_start3A_222 = tpu.memref_slice %arg13[%dma_start3A_220, %dma_start3A_221] : memref<10240x128xf32, #tpu.memory_space<vmem_shared>> -> memref<10240x128xf32, #tpu.memory_space<vmem_shared>>
    tpu.enqueue_indirect_dma source(%arg11 : memref<128x128xf32, #tpu.memory_space<vmem>>) target(%dma_start3A_222 : memref<10240x128xf32, #tpu.memory_space<vmem_shared>>) offsets(%dma_start3A_219 : memref<128xi32, #tpu.memory_space<vmem>>) semaphore(%arg15 : memref<!tpu.dma_semaphore, #tpu.memory_space<semaphore_mem>>) {add = true}
    %scan3A_223 = arith.constant 0 : i32
    %scan3A_224 = arith.constant 3 : i32
    %scan3A_225 = arith.addi %scan3A_223, %scan3A_224 : i32
    %scan3A_226 = arith.constant 1 : i32
    scf.for %scan3A_255 = %scan3A_223 to %scan3A_225 step %scan3A_226  : i32 {
      %mul3A_256 = arith.constant 1 : i32
      %mul3A_257 = arith.muli %scan3A_255, %mul3A_256 : i32
      %add3A_258 = arith.constant 0 : i32
      %add3A_259 = arith.addi %add3A_258, %mul3A_257 : i32
      %mul3A_260 = arith.constant 2 : i32
      %mul3A_261 = arith.muli %mul3A_260, %add3A_259 : i32
      %add3A_262 = arith.constant 1 : i32
      %add3A_263 = arith.addi %mul3A_261, %add3A_262 : i32
      "tpu.region"() ({
        %run_scoped3A_306 = tpu.sem_alloc : memref<!tpu.dma_semaphore, #tpu.memory_space<semaphore_mem>>
        %dma_start3A_307 = arith.constant 0 : i32
        %dma_start3A_308 = tpu.memref_slice %arg9[%add3A_263, %dma_start3A_307] : memref<40x128xi32, #tpu.memory_space<vmem>> -> memref<1x128xi32, #tpu.memory_space<vmem>>
        %dma_start3A_309 = tpu.memref_squeeze %dma_start3A_308 : memref<1x128xi32, #tpu.memory_space<vmem>> -> memref<128xi32, #tpu.memory_space<vmem>>
        %dma_start3A_310 = arith.constant 0 : i32
        %dma_start3A_311 = arith.constant 0 : i32
        %dma_start3A_312 = tpu.memref_slice %arg2[%dma_start3A_310, %dma_start3A_311] : memref<10000x128xf32, #tpu.memory_space<hbm>> -> memref<10000x128xf32, #tpu.memory_space<hbm>>
        tpu.enqueue_indirect_dma source(%dma_start3A_312 : memref<10000x128xf32, #tpu.memory_space<hbm>>) target(%arg12 : memref<128x128xf32, #tpu.memory_space<vmem>>) offsets(%dma_start3A_309 : memref<128xi32, #tpu.memory_space<vmem>>) semaphore(%run_scoped3A_306 : memref<!tpu.dma_semaphore, #tpu.memory_space<semaphore_mem>>)
        %dma_wait3A_313 = arith.constant 0 : i32
        %dma_wait3A_314 = tpu.memref_slice %arg9[%add3A_263, %dma_wait3A_313] : memref<40x128xi32, #tpu.memory_space<vmem>> -> memref<1x128xi32, #tpu.memory_space<vmem>>
        %dma_wait3A_315 = tpu.memref_squeeze %dma_wait3A_314 : memref<1x128xi32, #tpu.memory_space<vmem>> -> memref<128xi32, #tpu.memory_space<vmem>>
        %dma_wait3A_316 = arith.constant 0 : i32
        %dma_wait3A_317 = arith.constant 0 : i32
        %dma_wait3A_318 = tpu.memref_slice %arg2[%dma_wait3A_316, %dma_wait3A_317] : memref<10000x128xf32, #tpu.memory_space<hbm>> -> memref<10000x128xf32, #tpu.memory_space<hbm>>
        tpu.wait_indirect_dma semaphore(%run_scoped3A_306 : memref<!tpu.dma_semaphore, #tpu.memory_space<semaphore_mem>>) src(%dma_wait3A_318 : memref<10000x128xf32, #tpu.memory_space<hbm>>) dst(%arg12 : memref<128x128xf32, #tpu.memory_space<vmem>>)
        tpu.yield
      }) : () -> ()
      %mul3A_264 = arith.constant 2 : i32
      %mul3A_265 = arith.muli %mul3A_264, %add3A_259 : i32
      %dma_wait3A_266 = arith.constant 0 : i32
      %dma_wait3A_267 = tpu.memref_slice %arg10[%mul3A_265, %dma_wait3A_266] : memref<40x128xi32, #tpu.memory_space<vmem>> -> memref<1x128xi32, #tpu.memory_space<vmem>>
      %dma_wait3A_268 = tpu.memref_squeeze %dma_wait3A_267 : memref<1x128xi32, #tpu.memory_space<vmem>> -> memref<128xi32, #tpu.memory_space<vmem>>
      %dma_wait3A_269 = arith.constant 0 : i32
      %dma_wait3A_270 = arith.constant 0 : i32
      %dma_wait3A_271 = tpu.memref_slice %arg13[%dma_wait3A_269, %dma_wait3A_270] : memref<10240x128xf32, #tpu.memory_space<vmem_shared>> -> memref<10240x128xf32, #tpu.memory_space<vmem_shared>>
      tpu.wait_indirect_dma semaphore(%arg15 : memref<!tpu.dma_semaphore, #tpu.memory_space<semaphore_mem>>) src(%arg11 : memref<128x128xf32, #tpu.memory_space<vmem>>) dst(%dma_wait3A_271 : memref<10240x128xf32, #tpu.memory_space<vmem_shared>>)
      %mul3A_272 = arith.constant 2 : i32
      %mul3A_273 = arith.muli %mul3A_272, %add3A_259 : i32
      %add3A_274 = arith.constant 1 : i32
      %add3A_275 = arith.addi %mul3A_273, %add3A_274 : i32
      %dma_start3A_276 = arith.constant 0 : i32
      %dma_start3A_277 = tpu.memref_slice %arg10[%add3A_275, %dma_start3A_276] : memref<40x128xi32, #tpu.memory_space<vmem>> -> memref<1x128xi32, #tpu.memory_space<vmem>>
      %dma_start3A_278 = tpu.memref_squeeze %dma_start3A_277 : memref<1x128xi32, #tpu.memory_space<vmem>> -> memref<128xi32, #tpu.memory_space<vmem>>
      %dma_start3A_279 = arith.constant 0 : i32
      %dma_start3A_280 = arith.constant 0 : i32
      %dma_start3A_281 = tpu.memref_slice %arg13[%dma_start3A_279, %dma_start3A_280] : memref<10240x128xf32, #tpu.memory_space<vmem_shared>> -> memref<10240x128xf32, #tpu.memory_space<vmem_shared>>
      tpu.enqueue_indirect_dma source(%arg12 : memref<128x128xf32, #tpu.memory_space<vmem>>) target(%dma_start3A_281 : memref<10240x128xf32, #tpu.memory_space<vmem_shared>>) offsets(%dma_start3A_278 : memref<128xi32, #tpu.memory_space<vmem>>) semaphore(%arg16 : memref<!tpu.dma_semaphore, #tpu.memory_space<semaphore_mem>>) {add = true}
      %mul3A_282 = arith.constant 2 : i32
      %mul3A_283 = arith.muli %mul3A_282, %add3A_259 : i32
      %add3A_284 = arith.constant 2 : i32
      %add3A_285 = arith.addi %mul3A_283, %add3A_284 : i32
      "tpu.region"() ({
        %run_scoped3A_306 = tpu.sem_alloc : memref<!tpu.dma_semaphore, #tpu.memory_space<semaphore_mem>>
        %dma_start3A_307 = arith.constant 0 : i32
        %dma_start3A_308 = tpu.memref_slice %arg9[%add3A_285, %dma_start3A_307] : memref<40x128xi32, #tpu.memory_space<vmem>> -> memref<1x128xi32, #tpu.memory_space<vmem>>
        %dma_start3A_309 = tpu.memref_squeeze %dma_start3A_308 : memref<1x128xi32, #tpu.memory_space<vmem>> -> memref<128xi32, #tpu.memory_space<vmem>>
        %dma_start3A_310 = arith.constant 0 : i32
        %dma_start3A_311 = arith.constant 0 : i32
        %dma_start3A_312 = tpu.memref_slice %arg2[%dma_start3A_310, %dma_start3A_311] : memref<10000x128xf32, #tpu.memory_space<hbm>> -> memref<10000x128xf32, #tpu.memory_space<hbm>>
        tpu.enqueue_indirect_dma source(%dma_start3A_312 : memref<10000x128xf32, #tpu.memory_space<hbm>>) target(%arg11 : memref<128x128xf32, #tpu.memory_space<vmem>>) offsets(%dma_start3A_309 : memref<128xi32, #tpu.memory_space<vmem>>) semaphore(%run_scoped3A_306 : memref<!tpu.dma_semaphore, #tpu.memory_space<semaphore_mem>>)
        %dma_wait3A_313 = arith.constant 0 : i32
        %dma_wait3A_314 = tpu.memref_slice %arg9[%add3A_285, %dma_wait3A_313] : memref<40x128xi32, #tpu.memory_space<vmem>> -> memref<1x128xi32, #tpu.memory_space<vmem>>
        %dma_wait3A_315 = tpu.memref_squeeze %dma_wait3A_314 : memref<1x128xi32, #tpu.memory_space<vmem>> -> memref<128xi32, #tpu.memory_space<vmem>>
        %dma_wait3A_316 = arith.constant 0 : i32
        %dma_wait3A_317 = arith.constant 0 : i32
        %dma_wait3A_318 = tpu.memref_slice %arg2[%dma_wait3A_316, %dma_wait3A_317] : memref<10000x128xf32, #tpu.memory_space<hbm>> -> memref<10000x128xf32, #tpu.memory_space<hbm>>
        tpu.wait_indirect_dma semaphore(%run_scoped3A_306 : memref<!tpu.dma_semaphore, #tpu.memory_space<semaphore_mem>>) src(%dma_wait3A_318 : memref<10000x128xf32, #tpu.memory_space<hbm>>) dst(%arg11 : memref<128x128xf32, #tpu.memory_space<vmem>>)
        tpu.yield
      }) : () -> ()
      %mul3A_286 = arith.constant 2 : i32
      %mul3A_287 = arith.muli %mul3A_286, %add3A_259 : i32
      %add3A_288 = arith.constant 1 : i32
      %add3A_289 = arith.addi %mul3A_287, %add3A_288 : i32
      %dma_wait3A_290 = arith.constant 0 : i32
      %dma_wait3A_291 = tpu.memref_slice %arg10[%add3A_289, %dma_wait3A_290] : memref<40x128xi32, #tpu.memory_space<vmem>> -> memref<1x128xi32, #tpu.memory_space<vmem>>
      %dma_wait3A_292 = tpu.memref_squeeze %dma_wait3A_291 : memref<1x128xi32, #tpu.memory_space<vmem>> -> memref<128xi32, #tpu.memory_space<vmem>>
      %dma_wait3A_293 = arith.constant 0 : i32
      %dma_wait3A_294 = arith.constant 0 : i32
      %dma_wait3A_295 = tpu.memref_slice %arg13[%dma_wait3A_293, %dma_wait3A_294] : memref<10240x128xf32, #tpu.memory_space<vmem_shared>> -> memref<10240x128xf32, #tpu.memory_space<vmem_shared>>
      tpu.wait_indirect_dma semaphore(%arg16 : memref<!tpu.dma_semaphore, #tpu.memory_space<semaphore_mem>>) src(%arg12 : memref<128x128xf32, #tpu.memory_space<vmem>>) dst(%dma_wait3A_295 : memref<10240x128xf32, #tpu.memory_space<vmem_shared>>)
      %mul3A_296 = arith.constant 2 : i32
      %mul3A_297 = arith.muli %mul3A_296, %add3A_259 : i32
      %add3A_298 = arith.constant 2 : i32
      %add3A_299 = arith.addi %mul3A_297, %add3A_298 : i32
      %dma_start3A_300 = arith.constant 0 : i32
      %dma_start3A_301 = tpu.memref_slice %arg10[%add3A_299, %dma_start3A_300] : memref<40x128xi32, #tpu.memory_space<vmem>> -> memref<1x128xi32, #tpu.memory_space<vmem>>
      %dma_start3A_302 = tpu.memref_squeeze %dma_start3A_301 : memref<1x128xi32, #tpu.memory_space<vmem>> -> memref<128xi32, #tpu.memory_space<vmem>>
      %dma_start3A_303 = arith.constant 0 : i32
      %dma_start3A_304 = arith.constant 0 : i32
      %dma_start3A_305 = tpu.memref_slice %arg13[%dma_start3A_303, %dma_start3A_304] : memref<10240x128xf32, #tpu.memory_space<vmem_shared>> -> memref<10240x128xf32, #tpu.memory_space<vmem_shared>>
      tpu.enqueue_indirect_dma source(%arg11 : memref<128x128xf32, #tpu.memory_space<vmem>>) target(%dma_start3A_305 : memref<10240x128xf32, #tpu.memory_space<vmem_shared>>) offsets(%dma_start3A_302 : memref<128xi32, #tpu.memory_space<vmem>>) semaphore(%arg15 : memref<!tpu.dma_semaphore, #tpu.memory_space<semaphore_mem>>) {add = true}
    }
    %scan3A_227 = arith.constant 3 : i32
    %run_scoped3A_228 = arith.constant 7 : i32
    "tpu.region"() ({
      %run_scoped3A_255 = tpu.sem_alloc : memref<!tpu.dma_semaphore, #tpu.memory_space<semaphore_mem>>
      %dma_start3A_256 = arith.constant 0 : i32
      %dma_start3A_257 = tpu.memref_slice %arg9[%run_scoped3A_228, %dma_start3A_256] : memref<40x128xi32, #tpu.memory_space<vmem>> -> memref<1x128xi32, #tpu.memory_space<vmem>>
      %dma_start3A_258 = tpu.memref_squeeze %dma_start3A_257 : memref<1x128xi32, #tpu.memory_space<vmem>> -> memref<128xi32, #tpu.memory_space<vmem>>
      %dma_start3A_259 = arith.constant 0 : i32
      %dma_start3A_260 = arith.constant 0 : i32
      %dma_start3A_261 = tpu.memref_slice %arg2[%dma_start3A_259, %dma_start3A_260] : memref<10000x128xf32, #tpu.memory_space<hbm>> -> memref<10000x128xf32, #tpu.memory_space<hbm>>
      tpu.enqueue_indirect_dma source(%dma_start3A_261 : memref<10000x128xf32, #tpu.memory_space<hbm>>) target(%arg12 : memref<128x128xf32, #tpu.memory_space<vmem>>) offsets(%dma_start3A_258 : memref<128xi32, #tpu.memory_space<vmem>>) semaphore(%run_scoped3A_255 : memref<!tpu.dma_semaphore, #tpu.memory_space<semaphore_mem>>)
      %dma_wait3A_262 = arith.constant 0 : i32
      %dma_wait3A_263 = tpu.memref_slice %arg9[%run_scoped3A_228, %dma_wait3A_262] : memref<40x128xi32, #tpu.memory_space<vmem>> -> memref<1x128xi32, #tpu.memory_space<vmem>>
      %dma_wait3A_264 = tpu.memref_squeeze %dma_wait3A_263 : memref<1x128xi32, #tpu.memory_space<vmem>> -> memref<128xi32, #tpu.memory_space<vmem>>
      %dma_wait3A_265 = arith.constant 0 : i32
      %dma_wait3A_266 = arith.constant 0 : i32
      %dma_wait3A_267 = tpu.memref_slice %arg2[%dma_wait3A_265, %dma_wait3A_266] : memref<10000x128xf32, #tpu.memory_space<hbm>> -> memref<10000x128xf32, #tpu.memory_space<hbm>>
      tpu.wait_indirect_dma semaphore(%run_scoped3A_255 : memref<!tpu.dma_semaphore, #tpu.memory_space<semaphore_mem>>) src(%dma_wait3A_267 : memref<10000x128xf32, #tpu.memory_space<hbm>>) dst(%arg12 : memref<128x128xf32, #tpu.memory_space<vmem>>)
      tpu.yield
    }) : () -> ()
    %dma_wait3A_229 = arith.constant 6 : i32
    %dma_wait3A_230 = arith.constant 0 : i32
    %dma_wait3A_231 = tpu.memref_slice %arg10[%dma_wait3A_229, %dma_wait3A_230] : memref<40x128xi32, #tpu.memory_space<vmem>> -> memref<1x128xi32, #tpu.memory_space<vmem>>
    %dma_wait3A_232 = tpu.memref_squeeze %dma_wait3A_231 : memref<1x128xi32, #tpu.memory_space<vmem>> -> memref<128xi32, #tpu.memory_space<vmem>>
    %dma_wait3A_233 = arith.constant 0 : i32
    %dma_wait3A_234 = arith.constant 0 : i32
    %dma_wait3A_235 = tpu.memref_slice %arg13[%dma_wait3A_233, %dma_wait3A_234] : memref<10240x128xf32, #tpu.memory_space<vmem_shared>> -> memref<10240x128xf32, #tpu.memory_space<vmem_shared>>
    tpu.wait_indirect_dma semaphore(%arg15 : memref<!tpu.dma_semaphore, #tpu.memory_space<semaphore_mem>>) src(%arg11 : memref<128x128xf32, #tpu.memory_space<vmem>>) dst(%dma_wait3A_235 : memref<10240x128xf32, #tpu.memory_space<vmem_shared>>)
    %dma_start3A_236 = arith.constant 7 : i32
    %dma_start3A_237 = arith.constant 0 : i32
    %dma_start3A_238 = tpu.memref_slice %arg10[%dma_start3A_236, %dma_start3A_237] : memref<40x128xi32, #tpu.memory_space<vmem>> -> memref<1x128xi32, #tpu.memory_space<vmem>>
    %dma_start3A_239 = tpu.memref_squeeze %dma_start3A_238 : memref<1x128xi32, #tpu.memory_space<vmem>> -> memref<128xi32, #tpu.memory_space<vmem>>
    %dma_start3A_240 = arith.constant 0 : i32
    %dma_start3A_241 = arith.constant 0 : i32
    %dma_start3A_242 = tpu.memref_slice %arg13[%dma_start3A_240, %dma_start3A_241] : memref<10240x128xf32, #tpu.memory_space<vmem_shared>> -> memref<10240x128xf32, #tpu.memory_space<vmem_shared>>
    tpu.enqueue_indirect_dma source(%arg12 : memref<128x128xf32, #tpu.memory_space<vmem>>) target(%dma_start3A_242 : memref<10240x128xf32, #tpu.memory_space<vmem_shared>>) offsets(%dma_start3A_239 : memref<128xi32, #tpu.memory_space<vmem>>) semaphore(%arg16 : memref<!tpu.dma_semaphore, #tpu.memory_space<semaphore_mem>>) {add = true}
    %dma_wait3A_243 = arith.constant 7 : i32
    %dma_wait3A_244 = arith.constant 0 : i32
    %dma_wait3A_245 = tpu.memref_slice %arg10[%dma_wait3A_243, %dma_wait3A_244] : memref<40x128xi32, #tpu.memory_space<vmem>> -> memref<1x128xi32, #tpu.memory_space<vmem>>
    %dma_wait3A_246 = tpu.memref_squeeze %dma_wait3A_245 : memref<1x128xi32, #tpu.memory_space<vmem>> -> memref<128xi32, #tpu.memory_space<vmem>>
    %dma_wait3A_247 = arith.constant 0 : i32
    %dma_wait3A_248 = arith.constant 0 : i32
    %dma_wait3A_249 = tpu.memref_slice %arg13[%dma_wait3A_247, %dma_wait3A_248] : memref<10240x128xf32, #tpu.memory_space<vmem_shared>> -> memref<10240x128xf32, #tpu.memory_space<vmem_shared>>
    tpu.wait_indirect_dma semaphore(%arg16 : memref<!tpu.dma_semaphore, #tpu.memory_space<semaphore_mem>>) src(%arg12 : memref<128x128xf32, #tpu.memory_space<vmem>>) dst(%dma_wait3A_249 : memref<10240x128xf32, #tpu.memory_space<vmem_shared>>)
    %barrier3A_250 = arith.constant 0 : index
    tpu.barrier barrier_id(%barrier3A_250)
    %mul3A_251 = arith.constant 640 : i32
    %mul3A_252 = arith.muli %arg1, %mul3A_251 : i32
    %mul3A_253 = arith.constant 640 : i32
    %mul3A_254 = arith.muli %arg1, %mul3A_253 : i32
    "tpu.region"() ({
      %run_scoped3A_255 = tpu.sem_alloc : memref<!tpu.dma_semaphore, #tpu.memory_space<semaphore_mem>>
      %dma_start3A_256 = arith.constant 0 : i32
      %dma_start3A_257 = tpu.memref_slice %arg8[%arg0, %mul3A_254, %dma_start3A_256] : memref<2x10240x128xf32, #tpu.memory_space<hbm>> -> memref<1x640x128xf32, #tpu.memory_space<hbm>>
      %dma_start3A_258 = tpu.memref_squeeze %dma_start3A_257 : memref<1x640x128xf32, #tpu.memory_space<hbm>> -> memref<640x128xf32, #tpu.memory_space<hbm>>
      %dma_start3A_259 = arith.constant 0 : i32
      %dma_start3A_260 = tpu.memref_slice %arg13[%mul3A_252, %dma_start3A_259] : memref<10240x128xf32, #tpu.memory_space<vmem_shared>> -> memref<640x128xf32, #tpu.memory_space<vmem_shared>>
      tpu.enqueue_dma source(%dma_start3A_260 : memref<640x128xf32, #tpu.memory_space<vmem_shared>>) target(%dma_start3A_258 : memref<640x128xf32, #tpu.memory_space<hbm>>) target_semaphore(%run_scoped3A_255 : memref<!tpu.dma_semaphore, #tpu.memory_space<semaphore_mem>>)
      %dma_wait3A_261 = arith.constant 0 : i32
      %dma_wait3A_262 = tpu.memref_slice %arg8[%arg0, %mul3A_254, %dma_wait3A_261] : memref<2x10240x128xf32, #tpu.memory_space<hbm>> -> memref<1x640x128xf32, #tpu.memory_space<hbm>>
      %dma_wait3A_263 = tpu.memref_squeeze %dma_wait3A_262 : memref<1x640x128xf32, #tpu.memory_space<hbm>> -> memref<640x128xf32, #tpu.memory_space<hbm>>
      %dma_wait3A_264 = arith.constant 0 : i32
      %dma_wait3A_265 = tpu.memref_slice %arg13[%mul3A_252, %dma_wait3A_264] : memref<10240x128xf32, #tpu.memory_space<vmem_shared>> -> memref<640x128xf32, #tpu.memory_space<vmem_shared>>
      tpu.wait_dma2 semaphore(%run_scoped3A_255 : memref<!tpu.dma_semaphore, #tpu.memory_space<semaphore_mem>>) src(%dma_wait3A_265 : memref<640x128xf32, #tpu.memory_space<vmem_shared>>) dst(%dma_wait3A_263 : memref<640x128xf32, #tpu.memory_space<hbm>>)
      tpu.yield
    }) : () -> ()
    return
  }
}

module attributes {stable_mosaic.version = 14 : i64} {
  func.func @_first_body(%arg0: i32, %arg1: memref<2000x128xf32, #tpu.memory_space<vmem>>, %arg2: memref<128x128xf32, #tpu.memory_space<vmem>>, %arg3: memref<2000x32xf32, #tpu.memory_space<vmem>>, %arg4: memref<2000x128xf32, #tpu.memory_space<vmem>>, %arg5: memref<2000x128xf32, #tpu.memory_space<vmem>>, %arg6: memref<2000x1xf32, #tpu.memory_space<vmem>>) attributes {dimension_semantics = [#tpu.dimension_semantics<arbitrary>], iteration_bounds = array<i64: 5>, scalar_prefetch = 0 : i64, scratch_operands = 0 : i64, tpu.core_type = #tpu.core_type<tc>, window_params = [{transform_indices = @transform_0, window_bounds = array<i64: 2000, 128>}, {pipeline_mode = #tpu.pipeline_mode<synchronous>, transform_indices = @transform_1, window_bounds = array<i64: 128, 128>}, {transform_indices = @transform_2, window_bounds = array<i64: 2000, 32>}, {transform_indices = @transform_3, window_bounds = array<i64: 2000, 128>}, {transform_indices = @transform_4, window_bounds = array<i64: 2000, 128>}, {transform_indices = @transform_5, window_bounds = array<i64: 2000, 1>}]} {
    %get3A = arith.constant 0 : index
    %get3A_0 = arith.constant 0 : index
    %get3A_1 = vector.load %arg1[%get3A, %get3A_0] : memref<2000x128xf32, #tpu.memory_space<vmem>>, vector<2000x128xf32>
    %get3A_2 = arith.constant 0 : index
    %get3A_3 = arith.constant 0 : index
    %get3A_4 = vector.load %arg2[%get3A_2, %get3A_3] : memref<128x128xf32, #tpu.memory_space<vmem>>, vector<128x128xf32>
    %dot_general3A = arith.constant dense<0.000000e+00> : vector<2000x128xf32>
    %dot_general3A_5 = tpu.matmul %get3A_1, %get3A_4, %dot_general3A {dimension_numbers = #tpu.dot_dimension_numbers<[1], [0], [0], [1], [0, 0, 1, 1], [], []>, transpose_lhs_hint = false} : vector<2000x128xf32>, vector<128x128xf32>, vector<2000x128xf32> -> vector<2000x128xf32>
    %get3A_6 = arith.constant 0 : index
    %get3A_7 = arith.constant 0 : index
    %get3A_8 = vector.load %arg3[%get3A_6, %get3A_7] : memref<2000x32xf32, #tpu.memory_space<vmem>>, vector<2000x32xf32>
    %reduce_sum3A = arith.constant dense<0.000000e+00> : vector<2000xf32>
    %reduce_sum3A_9 = vector.multi_reduction <add>, %get3A_8, %reduce_sum3A [1] : vector<2000x32xf32> to vector<2000xf32>
    %add3A = arith.constant 1.000000e+00 : f32
    %add3A_10 = vector.broadcast %add3A : f32 to vector<2000xf32>
    %add3A_11 = arith.addf %reduce_sum3A_9, %add3A_10 : vector<2000xf32>
    %rsqrt3A = math.rsqrt %add3A_11 : vector<2000xf32>
    %broadcast_in_dim3A = vector.shape_cast %rsqrt3A : vector<2000xf32> to vector<2000x1xf32>
    %swap3A = arith.constant 0 : index
    %swap3A_12 = arith.constant 0 : index
    %swap3A_13 = vector.load %arg4[%swap3A, %swap3A_12] : memref<2000x128xf32, #tpu.memory_space<vmem>>, vector<2000x128xf32>
    tpu.vector_store %arg4[%swap3A, %swap3A_12], %dot_general3A_5 {strides = array<i32>} : memref<2000x128xf32, #tpu.memory_space<vmem>>, vector<2000x128xf32>,
    %mul3A = vector.broadcast %broadcast_in_dim3A : vector<2000x1xf32> to vector<2000x128xf32>
    %mul3A_14 = arith.mulf %dot_general3A_5, %mul3A : vector<2000x128xf32>
    %swap3A_15 = arith.constant 0 : index
    %swap3A_16 = arith.constant 0 : index
    %swap3A_17 = vector.load %arg5[%swap3A_15, %swap3A_16] : memref<2000x128xf32, #tpu.memory_space<vmem>>, vector<2000x128xf32>
    tpu.vector_store %arg5[%swap3A_15, %swap3A_16], %mul3A_14 {strides = array<i32>} : memref<2000x128xf32, #tpu.memory_space<vmem>>, vector<2000x128xf32>,
    %swap3A_18 = arith.constant 0 : index
    %swap3A_19 = arith.constant 0 : index
    %swap3A_20 = vector.load %arg6[%swap3A_18, %swap3A_19] : memref<2000x1xf32, #tpu.memory_space<vmem>>, vector<2000x1xf32>
    tpu.vector_store %arg6[%swap3A_18, %swap3A_19], %broadcast_in_dim3A {strides = array<i32>} : memref<2000x1xf32, #tpu.memory_space<vmem>>, vector<2000x1xf32>,
    return
  }
  func.func @transform_0(%arg0: i32) -> (i32, i32) {
    %c0_i32 = arith.constant 0 : i32
    %c0_i32_0 = arith.constant 0 : i32
    return %arg0, %c0_i32 : i32, i32
  }
  func.func @transform_1(%arg0: i32) -> (i32, i32) {
    %c0_i32 = arith.constant 0 : i32
    %c0_i32_0 = arith.constant 0 : i32
    %c0_i32_1 = arith.constant 0 : i32
    return %c0_i32, %c0_i32_0 : i32, i32
  }
  func.func @transform_2(%arg0: i32) -> (i32, i32) {
    %c0_i32 = arith.constant 0 : i32
    %c0_i32_0 = arith.constant 0 : i32
    return %arg0, %c0_i32 : i32, i32
  }
  func.func @transform_3(%arg0: i32) -> (i32, i32) {
    %c0_i32 = arith.constant 0 : i32
    %c0_i32_0 = arith.constant 0 : i32
    return %arg0, %c0_i32 : i32, i32
  }
  func.func @transform_4(%arg0: i32) -> (i32, i32) {
    %c0_i32 = arith.constant 0 : i32
    %c0_i32_0 = arith.constant 0 : i32
    return %arg0, %c0_i32 : i32, i32
  }
  func.func @transform_5(%arg0: i32) -> (i32, i32) {
    %c0_i32 = arith.constant 0 : i32
    %c0_i32_0 = arith.constant 0 : i32
    return %arg0, %c0_i32 : i32, i32
  }
}

module attributes {stable_mosaic.version = 14 : i64} {
  func.func @_mid_body(%arg0: i32, %arg1: memref<2000x128xf32, #tpu.memory_space<vmem>>, %arg2: memref<2x2000x128xf32, #tpu.memory_space<vmem>>, %arg3: memref<2000x1xf32, #tpu.memory_space<vmem>>, %arg4: memref<1x128xf32, #tpu.memory_space<vmem>>, %arg5: memref<128x128xf32, #tpu.memory_space<vmem>>, %arg6: memref<2000x128xf32, #tpu.memory_space<vmem>>, %arg7: memref<2000x128xf32, #tpu.memory_space<vmem>>) attributes {dimension_semantics = [#tpu.dimension_semantics<arbitrary>], iteration_bounds = array<i64: 5>, scalar_prefetch = 0 : i64, scratch_operands = 0 : i64, tpu.core_type = #tpu.core_type<tc>, window_params = [{transform_indices = @transform_0, window_bounds = array<i64: 2000, 128>}, {transform_indices = @transform_1, window_bounds = array<i64: 2, 2000, 128>}, {transform_indices = @transform_2, window_bounds = array<i64: 2000, 1>}, {pipeline_mode = #tpu.pipeline_mode<synchronous>, transform_indices = @transform_3, window_bounds = array<i64: 1, 128>}, {pipeline_mode = #tpu.pipeline_mode<synchronous>, transform_indices = @transform_4, window_bounds = array<i64: 128, 128>}, {transform_indices = @transform_5, window_bounds = array<i64: 2000, 128>}, {transform_indices = @transform_6, window_bounds = array<i64: 2000, 128>}]} {
    %get3A = arith.constant 0 : index
    %get3A_0 = arith.constant 0 : index
    %get3A_1 = vector.load %arg3[%get3A, %get3A_0] : memref<2000x1xf32, #tpu.memory_space<vmem>>, vector<2000x1xf32>
    %get3A_2 = arith.constant 0 : index
    %get3A_3 = arith.constant 0 : index
    %get3A_4 = arith.constant 0 : index
    %get3A_5 = vector.load %arg2[%get3A_2, %get3A_3, %get3A_4] : memref<2x2000x128xf32, #tpu.memory_space<vmem>>, vector<2x2000x128xf32>
    %slice3A = vector.extract_strided_slice %get3A_5 {offsets = [0, 0, 0], sizes = [1, 2000, 128], strides = [1, 1, 1]} : vector<2x2000x128xf32> to vector<1x2000x128xf32>
    %squeeze3A = vector.shape_cast %slice3A : vector<1x2000x128xf32> to vector<2000x128xf32>
    %slice3A_6 = vector.extract_strided_slice %get3A_5 {offsets = [1, 0, 0], sizes = [1, 2000, 128], strides = [1, 1, 1]} : vector<2x2000x128xf32> to vector<1x2000x128xf32>
    %squeeze3A_7 = vector.shape_cast %slice3A_6 : vector<1x2000x128xf32> to vector<2000x128xf32>
    %add3A = arith.addf %squeeze3A, %squeeze3A_7 : vector<2000x128xf32>
    %mul3A = vector.broadcast %get3A_1 : vector<2000x1xf32> to vector<2000x128xf32>
    %mul3A_8 = arith.mulf %mul3A, %add3A : vector<2000x128xf32>
    %mul3A_9 = arith.mulf %get3A_1, %get3A_1 : vector<2000x1xf32>
    %get3A_10 = arith.constant 0 : index
    %get3A_11 = arith.constant 0 : index
    %get3A_12 = vector.load %arg1[%get3A_10, %get3A_11] : memref<2000x128xf32, #tpu.memory_space<vmem>>, vector<2000x128xf32>
    %mul3A_13 = vector.broadcast %mul3A_9 : vector<2000x1xf32> to vector<2000x128xf32>
    %mul3A_14 = arith.mulf %mul3A_13, %get3A_12 : vector<2000x128xf32>
    %add3A_15 = arith.addf %mul3A_8, %mul3A_14 : vector<2000x128xf32>
    %get3A_16 = arith.constant 0 : index
    %get3A_17 = arith.constant 0 : index
    %get3A_18 = vector.load %arg4[%get3A_16, %get3A_17] : memref<1x128xf32, #tpu.memory_space<vmem>>, vector<1x128xf32>
    %add3A_19 = vector.broadcast %get3A_18 : vector<1x128xf32> to vector<2000x128xf32>
    %add3A_20 = arith.addf %add3A_15, %add3A_19 : vector<2000x128xf32>
    %max3A = arith.constant 0.000000e+00 : f32
    %max3A_21 = vector.broadcast %max3A : f32 to vector<2000x128xf32>
    %max3A_22 = arith.maximumf %add3A_20, %max3A_21 : vector<2000x128xf32>
    %get3A_23 = arith.constant 0 : index
    %get3A_24 = arith.constant 0 : index
    %get3A_25 = vector.load %arg5[%get3A_23, %get3A_24] : memref<128x128xf32, #tpu.memory_space<vmem>>, vector<128x128xf32>
    %dot_general3A = arith.constant dense<0.000000e+00> : vector<2000x128xf32>
    %dot_general3A_26 = tpu.matmul %max3A_22, %get3A_25, %dot_general3A {dimension_numbers = #tpu.dot_dimension_numbers<[1], [0], [0], [1], [0, 0, 1, 1], [], []>, transpose_lhs_hint = false} : vector<2000x128xf32>, vector<128x128xf32>, vector<2000x128xf32> -> vector<2000x128xf32>
    %swap3A = arith.constant 0 : index
    %swap3A_27 = arith.constant 0 : index
    %swap3A_28 = vector.load %arg6[%swap3A, %swap3A_27] : memref<2000x128xf32, #tpu.memory_space<vmem>>, vector<2000x128xf32>
    tpu.vector_store %arg6[%swap3A, %swap3A_27], %dot_general3A_26 {strides = array<i32>} : memref<2000x128xf32, #tpu.memory_space<vmem>>, vector<2000x128xf32>,
    %mul3A_29 = vector.broadcast %get3A_1 : vector<2000x1xf32> to vector<2000x128xf32>
    %mul3A_30 = arith.mulf %dot_general3A_26, %mul3A_29 : vector<2000x128xf32>
    %swap3A_31 = arith.constant 0 : index
    %swap3A_32 = arith.constant 0 : index
    %swap3A_33 = vector.load %arg7[%swap3A_31, %swap3A_32] : memref<2000x128xf32, #tpu.memory_space<vmem>>, vector<2000x128xf32>
    tpu.vector_store %arg7[%swap3A_31, %swap3A_32], %mul3A_30 {strides = array<i32>} : memref<2000x128xf32, #tpu.memory_space<vmem>>, vector<2000x128xf32>,
    return
  }
  func.func @transform_0(%arg0: i32) -> (i32, i32) {
    %c0_i32 = arith.constant 0 : i32
    %c0_i32_0 = arith.constant 0 : i32
    return %arg0, %c0_i32 : i32, i32
  }
  func.func @transform_1(%arg0: i32) -> (i32, i32, i32) {
    %c0_i32 = arith.constant 0 : i32
    %c0_i32_0 = arith.constant 0 : i32
    %c0_i32_1 = arith.constant 0 : i32
    return %c0_i32, %arg0, %c0_i32_0 : i32, i32, i32
  }
  func.func @transform_2(%arg0: i32) -> (i32, i32) {
    %c0_i32 = arith.constant 0 : i32
    %c0_i32_0 = arith.constant 0 : i32
    return %arg0, %c0_i32 : i32, i32
  }
  func.func @transform_3(%arg0: i32) -> (i32, i32) {
    %c0_i32 = arith.constant 0 : i32
    %c0_i32_0 = arith.constant 0 : i32
    %c0_i32_1 = arith.constant 0 : i32
    return %c0_i32, %c0_i32_0 : i32, i32
  }
  func.func @transform_4(%arg0: i32) -> (i32, i32) {
    %c0_i32 = arith.constant 0 : i32
    %c0_i32_0 = arith.constant 0 : i32
    %c0_i32_1 = arith.constant 0 : i32
    return %c0_i32, %c0_i32_0 : i32, i32
  }
  func.func @transform_5(%arg0: i32) -> (i32, i32) {
    %c0_i32 = arith.constant 0 : i32
    %c0_i32_0 = arith.constant 0 : i32
    return %arg0, %c0_i32 : i32, i32
  }
  func.func @transform_6(%arg0: i32) -> (i32, i32) {
    %c0_i32 = arith.constant 0 : i32
    %c0_i32_0 = arith.constant 0 : i32
    return %arg0, %c0_i32 : i32, i32
  }
}

module attributes {stable_mosaic.version = 14 : i64} {
  func.func @_final_body(%arg0: i32, %arg1: memref<2000x128xf32, #tpu.memory_space<vmem>>, %arg2: memref<2x2000x128xf32, #tpu.memory_space<vmem>>, %arg3: memref<2000x1xf32, #tpu.memory_space<vmem>>, %arg4: memref<1x128xf32, #tpu.memory_space<vmem>>, %arg5: memref<2000x128xf32, #tpu.memory_space<vmem>>) attributes {dimension_semantics = [#tpu.dimension_semantics<arbitrary>], iteration_bounds = array<i64: 5>, scalar_prefetch = 0 : i64, scratch_operands = 0 : i64, tpu.core_type = #tpu.core_type<tc>, window_params = [{transform_indices = @transform_0, window_bounds = array<i64: 2000, 128>}, {transform_indices = @transform_1, window_bounds = array<i64: 2, 2000, 128>}, {transform_indices = @transform_2, window_bounds = array<i64: 2000, 1>}, {pipeline_mode = #tpu.pipeline_mode<synchronous>, transform_indices = @transform_3, window_bounds = array<i64: 1, 128>}, {transform_indices = @transform_4, window_bounds = array<i64: 2000, 128>}]} {
    %get3A = arith.constant 0 : index
    %get3A_0 = arith.constant 0 : index
    %get3A_1 = vector.load %arg3[%get3A, %get3A_0] : memref<2000x1xf32, #tpu.memory_space<vmem>>, vector<2000x1xf32>
    %get3A_2 = arith.constant 0 : index
    %get3A_3 = arith.constant 0 : index
    %get3A_4 = arith.constant 0 : index
    %get3A_5 = vector.load %arg2[%get3A_2, %get3A_3, %get3A_4] : memref<2x2000x128xf32, #tpu.memory_space<vmem>>, vector<2x2000x128xf32>
    %slice3A = vector.extract_strided_slice %get3A_5 {offsets = [0, 0, 0], sizes = [1, 2000, 128], strides = [1, 1, 1]} : vector<2x2000x128xf32> to vector<1x2000x128xf32>
    %squeeze3A = vector.shape_cast %slice3A : vector<1x2000x128xf32> to vector<2000x128xf32>
    %slice3A_6 = vector.extract_strided_slice %get3A_5 {offsets = [1, 0, 0], sizes = [1, 2000, 128], strides = [1, 1, 1]} : vector<2x2000x128xf32> to vector<1x2000x128xf32>
    %squeeze3A_7 = vector.shape_cast %slice3A_6 : vector<1x2000x128xf32> to vector<2000x128xf32>
    %add3A = arith.addf %squeeze3A, %squeeze3A_7 : vector<2000x128xf32>
    %mul3A = vector.broadcast %get3A_1 : vector<2000x1xf32> to vector<2000x128xf32>
    %mul3A_8 = arith.mulf %mul3A, %add3A : vector<2000x128xf32>
    %mul3A_9 = arith.mulf %get3A_1, %get3A_1 : vector<2000x1xf32>
    %get3A_10 = arith.constant 0 : index
    %get3A_11 = arith.constant 0 : index
    %get3A_12 = vector.load %arg1[%get3A_10, %get3A_11] : memref<2000x128xf32, #tpu.memory_space<vmem>>, vector<2000x128xf32>
    %mul3A_13 = vector.broadcast %mul3A_9 : vector<2000x1xf32> to vector<2000x128xf32>
    %mul3A_14 = arith.mulf %mul3A_13, %get3A_12 : vector<2000x128xf32>
    %add3A_15 = arith.addf %mul3A_8, %mul3A_14 : vector<2000x128xf32>
    %get3A_16 = arith.constant 0 : index
    %get3A_17 = arith.constant 0 : index
    %get3A_18 = vector.load %arg4[%get3A_16, %get3A_17] : memref<1x128xf32, #tpu.memory_space<vmem>>, vector<1x128xf32>
    %add3A_19 = vector.broadcast %get3A_18 : vector<1x128xf32> to vector<2000x128xf32>
    %add3A_20 = arith.addf %add3A_15, %add3A_19 : vector<2000x128xf32>
    %max3A = arith.constant 0.000000e+00 : f32
    %max3A_21 = vector.broadcast %max3A : f32 to vector<2000x128xf32>
    %max3A_22 = arith.maximumf %add3A_20, %max3A_21 : vector<2000x128xf32>
    %swap3A = arith.constant 0 : index
    %swap3A_23 = arith.constant 0 : index
    %swap3A_24 = vector.load %arg5[%swap3A, %swap3A_23] : memref<2000x128xf32, #tpu.memory_space<vmem>>, vector<2000x128xf32>
    tpu.vector_store %arg5[%swap3A, %swap3A_23], %max3A_22 {strides = array<i32>} : memref<2000x128xf32, #tpu.memory_space<vmem>>, vector<2000x128xf32>,
    return
  }
  func.func @transform_0(%arg0: i32) -> (i32, i32) {
    %c0_i32 = arith.constant 0 : i32
    %c0_i32_0 = arith.constant 0 : i32
    return %arg0, %c0_i32 : i32, i32
  }
  func.func @transform_1(%arg0: i32) -> (i32, i32, i32) {
    %c0_i32 = arith.constant 0 : i32
    %c0_i32_0 = arith.constant 0 : i32
    %c0_i32_1 = arith.constant 0 : i32
    return %c0_i32, %arg0, %c0_i32_0 : i32, i32, i32
  }
  func.func @transform_2(%arg0: i32) -> (i32, i32) {
    %c0_i32 = arith.constant 0 : i32
    %c0_i32_0 = arith.constant 0 : i32
    return %arg0, %c0_i32 : i32, i32
  }
  func.func @transform_3(%arg0: i32) -> (i32, i32) {
    %c0_i32 = arith.constant 0 : i32
    %c0_i32_0 = arith.constant 0 : i32
    %c0_i32_1 = arith.constant 0 : i32
    return %c0_i32, %c0_i32_0 : i32, i32
  }
  func.func @transform_4(%arg0: i32) -> (i32, i32) {
    %c0_i32 = arith.constant 0 : i32
    %c0_i32_0 = arith.constant 0 : i32
    return %arg0, %c0_i32 : i32, i32
  }
}

</mosaic_0001>

<sc_bundles>
// kernel: kernel.11.cloned.1.call-start
scs
__scs_entry_jumppad:
0x0: {  	(pc) =	sbr.rel $0x88, $3  }
0x1: {  	(tag) =	ssettag $0x0;
	lr =	simm.s32 $0x1  }
0x2: {  	[smem:$0x3F9B] =	sst lr;
	_ =	strace $0xD0000000  }
0x3: {  	_ = 	snop  }
0x4: {  	_ = 	snop  }
0x5: {  	_ = 	snop  }
0x6: {  	_ = 	snop  }
0x7: {  	_ = 	snop  }
__scs_overlays_trampoline_lowered:
0x8: {  	[smem:$0x3FAA] =	sst s0  }
0x9: {  	[smem:$0x3FAB] =	sst s1  }
0xa: {  	[smem:$0x3FAC] =	sst s2  }
0xb: {  	[smem:$0x3FAD] =	sst s3  }
0xc: {  	[smem:$0x3FAE] =	sst s4  }
0xd: {  	[smem:$0x3FAF] =	sst s5  }
0xe: {  	[smem:$0x3FB0] =	sst s6  }
0xf: {  	[smem:$0x3FB1] =	sst s7  }
0x10: {  	[smem:$0x3FB2] =	sst s8  }
0x11: {  	[smem:$0x3FB3] =	sst s9;
	s0 =	simm.s32 @!p0 $0x0  }
0x12: {  	s1 =	sld [smem:$0x3F99];
	s0 =	simm.s32 @p0 $0x1  }
0x13: {  	[smem:$0x3FB4] =	sst s0;
	s0 =	simm.s32 @!p1 $0x0  }
0x14: {  	s2 =	sld [smem:$0x3F98];
	s0 =	simm.s32 @p1 $0x1  }
0x15: {  	[smem:$0x3FB5] =	sst s0;
	s0 =	simm.s32 @!p2 $0x0  }
0x16: {  	s3 =	sld [smem:$0x3FDB];
	s0 =	simm.s32 @p2 $0x1  }
0x17: {  	s4 =	simm.s32 $0x1BF5;
	[smem:$0x3FB7] =	sst s0  }
0x18: {  	s0 =	sld [smem:$0x3F9A];
	_ =	swait.ge [sflag:s4], $0x0  }
0x19: {  	s7 =	sld [smem:$0x3F9B]  }
0x1a: {  	s8 =	sadd.s32 $0xFFFFE003, lr  }
0x1b: {  	s9 =	sadd.s32 $0xFFFFFEF7, lr;
	s5 =	simm.s32 $0xFFFFFFFF;
	p2 =	slt.u32 s8, $0xFFFFF086  }
0x1c: {  	p1 =	slt.u32 s9, $0xF7A;
	s5 =	simm.s32 @!p2 $0x0  }
0x1d: {  	s5 =	simm.s32 @p1 $0x1;
	p0 =	seq.s32 s7, s2  }
0x1e: {  	s7 =	smul.u32 @!p0 $0xF7A, s2;
	p2 =	seq.s32 @!p0 s5, $0x0  }
0x1f: {  	s9 =	smul.u32 $0xF7A, s1;
	s8 =	simm.s32 @!p0 $0x1BF5;
	p2 =	por !p2, p0  }
0x20: {  	[sflag:s8] =	ssyncset.s32 @!p0 $0xFFFFF086;
	s6 =	sadd.s32 @!p0 s3, s7;
	s7 =	simm.s32 @!p0 $0x108  }
0x21: {  	s3 =	sadd.s32 s3, s9;
	s6 =	sadd.s32 @!p0 $0x88, s6;
	s7 =	simm.s32 @p2 $0x1082  }
0x22: {  	[simem:s7], [sflag:s8] =	dma.local @!p0 [hbm:s6], $0xF7A  }
0x23: {  	s9 =	sor.u32 $0xD0000000, s2;
	s6 =	simm.s32 $0x108;
	_ =	swait.ge @!p0 [sflag:s8], $0x0  }
0x24: {  	s3 =	sadd.s32 $0x88, s3;
	s6 =	simm.s32 @!p1 $0x1082;
	[sflag:s4] =	ssyncset.s32 $0xFFFFF086  }
0x25: {  	[simem:s6], [sflag:s4] =	dma.local [hbm:s3], $0xF7A  }
0x26: {  	[smem:$0x3F9B] =	sst s1;
	(tag) =	ssettag s2;
	_ =	strace s9  }
0x27: {  	s1 =	sld [smem:$0x3FAB]  }
0x28: {  	s2 =	sld [smem:$0x3FAC]  }
0x29: {  	s4 =	sld [smem:$0x3FAE]  }
0x2a: {  	p0 =	seq.s32 s5, $0x0;
	s5 =	sld [smem:$0x3FAF]  }
0x2b: {  	s6 =	sld [smem:$0x3FB0]  }
0x2c: {  	s7 =	sld [smem:$0x3FB1]  }
0x2d: {  	s3 =	simm.s32 $0x108;
	s8 =	sld [smem:$0x3FB2]  }
0x2e: {  	s3 =	simm.s32 @!p0 $0x1082;
	s9 =	sld [smem:$0x3FB3]  }
0x2f: {  	lr =	sadd.s32 s0, s3;
	s0 =	sld [smem:$0x3FAA]  }
0x30: {  	s3 =	sld [smem:$0x3FAD]  }
0x31: {  	[smem:$0x3FB6] =	sst s10  }
0x32: {  	s10 =	sld [smem:$0x3FB4];
	_ =	sdelay $0x3  }
0x33: {  	p0 =	seq.s32 s10, $0x1;
	s10 =	sld [smem:$0x3FB6];
	_ =	sdelay $0x3  }
0x34: {  	[smem:$0x3FB6] =	sst s10  }
0x35: {  	s10 =	sld [smem:$0x3FB5];
	_ =	sdelay $0x3  }
0x36: {  	p1 =	seq.s32 s10, $0x1;
	s10 =	sld [smem:$0x3FB6];
	_ =	sdelay $0x3  }
0x37: {  	[smem:$0x3FB6] =	sst s10  }
0x38: {  	s10 =	sld [smem:$0x3FB7]  }
0x39: {  	_ = 	snop;
	(pc) =	sbr.ind lr, $3  }
0x3a: {  	_ = 	snop  }
0x3b: {  	_ = 	snop  }
0x3c: {  	p2 =	seq.s32 s10, $0x1;
	s10 =	sld [smem:$0x3FB6]  }
0x3d: {  	_ =	shalt  }
0x3e: {  	_ =	shalt  }
0x3f: {  	_ =	shalt  }
0x40: {  	_ =	shalt  }
0x41: {  	_ =	shalt  }
0x42: {  	_ =	shalt  }
0x43: {  	_ =	shalt  }
0x44: {  	_ =	shalt  }
0x45: {  	_ =	shalt  }
0x46: {  	_ =	shalt  }
0x47: {  	_ =	shalt  }
0x48: {  	_ =	shalt  }
0x49: {  	_ =	shalt  }
0x4a: {  	_ =	shalt  }
0x4b: {  	_ =	shalt  }
0x4c: {  	_ =	shalt  }
0x4d: {  	_ =	shalt  }
0x4e: {  	_ =	shalt  }
0x4f: {  	_ =	shalt  }
0x50: {  	_ =	shalt  }
0x51: {  	_ =	shalt  }
0x52: {  	_ =	shalt  }
0x53: {  	_ =	shalt  }
0x54: {  	_ =	shalt  }
0x55: {  	_ =	shalt  }
0x56: {  	_ =	shalt  }
0x57: {  	_ =	shalt  }
0x58: {  	_ =	shalt  }
0x59: {  	_ =	shalt  }
0x5a: {  	_ =	shalt  }
0x5b: {  	_ =	shalt  }
0x5c: {  	_ =	shalt  }
0x5d: {  	_ =	shalt  }
0x5e: {  	_ =	shalt  }
0x5f: {  	_ =	shalt  }
0x60: {  	_ =	shalt  }
0x61: {  	_ =	shalt  }
0x62: {  	_ =	shalt  }
0x63: {  	_ =	shalt  }
0x64: {  	_ =	shalt  }
0x65: {  	_ =	shalt  }
0x66: {  	_ =	shalt  }
0x67: {  	_ =	shalt  }
0x68: {  	_ =	shalt  }
0x69: {  	_ =	shalt  }
0x6a: {  	_ =	shalt  }
0x6b: {  	_ =	shalt  }
0x6c: {  	_ =	shalt  }
0x6d: {  	_ =	shalt  }
0x6e: {  	_ =	shalt  }
0x6f: {  	_ =	shalt  }
0x70: {  	_ =	shalt  }
0x71: {  	_ =	shalt  }
0x72: {  	_ =	shalt  }
0x73: {  	_ =	shalt  }
0x74: {  	_ =	shalt  }
0x75: {  	_ =	shalt  }
0x76: {  	_ =	shalt  }
0x77: {  	_ =	shalt  }
0x78: {  	_ =	shalt  }
0x79: {  	_ =	shalt  }
0x7a: {  	_ =	shalt  }
0x7b: {  	_ =	shalt  }
0x7c: {  	_ =	shalt  }
0x7d: {  	_ =	shalt  }
0x7e: {  	_ =	shalt  }
0x7f: {  	_ =	shalt  }
0x80: {  	_ =	shalt  }
0x81: {  	_ =	shalt  }
0x82: {  	_ =	shalt  }
0x83: {  	_ =	shalt  }
0x84: {  	_ =	shalt  }
0x85: {  	_ =	shalt  }
0x86: {  	_ =	shalt  }
0x87: {  	_ =	shalt  }
.Lfunc_end0:
.L_simem_size_0:
called_computation.1_lowered:
.L_overlay_start_0:
0x88: {  	s2 =	sld [smem:$0x3FD9]  }
0x89: {  	s3 =	sld [smem:$0x3FFE];
	_ =	sdelay $0x1  }
0x8a: {  	s1 =	srdreg.scid  }
0x8b: {  	s0 =	sand.u32 $0x1, s1  }
0x8c: {  	s17 =	sshll.u32 s0, $0xA;
	s2 =	sadd.s32 s3, s2  }
0x8d: {  	s2 =	sadd.s32 s2, s17  }
0x8e: {  	[smem:$0x3FC2] =	sst s2  }
0x8f: {  	_ = 	snop  }
0x90: {  	s2 =	sld [smem:$0x3FD0];
	(tm) =	ssettm $0x1  }
0x91: {  	s18 =	sld [smem:$0x3FFB];
	_ =	sdelay $0x3  }
0x92: {  	_ =	strace s18  }
0x93: {  	s3 =	sld [smem:$0x3FFC];
	_ =	sdelay $0x3  }
0x94: {  	_ =	strace s3  }
0x95: {  	s3 =	sld [smem:$0x3FFD];
	_ =	sdelay $0x3  }
0x96: {  	_ =	strace s3  }
0x97: {  	_ =	strace $0x8FFFFFFF  }
0x98: {  	s19 =	sld [smem:$0x3FDB];
	_ =	sdelay $0x1  }
0x99: {  	s4 =	simm.s32 $_scs_section_size  }
0x9a: {  	s5 =	simm.s32 $_size__tile_overlayer_lowered;
	s6 =	simm.s32 $_tile_overlayer_lowered  }
0x9b: {  	s22 =	simm.s32 $0x1BFF;
	s21 =	sshll.u32 s6, $0x1;
	s3 =	sadd.s32 s4, s19  }
0x9c: {  	s7 =	simm.s32 $0x0;
	s20 =	sshll.u32 s5, $0x1;
	s5 =	sadd.s32 s21, s3  }
0x9d: {  	[timem:s7], [sflag:s22] =	dma.local [hbm:s5], s20  }
0x9e: {  	_ =	swait.ge [sflag:s22], s20  }
0x9f: {  	s4 =	ssub.s32 $0x0, s20;
	[sflag:s22] =	ssyncset.done $0x0  }
0xa0: {  	[sflag:s22] =	ssyncadd.s32 s4;
	_ =	sdelay $0x1  }
0xa1: {  	s23 =	simm.s32 $0x1B8B  }
0xa2: {  	_ =	swait.ge [sflag:s23], $0x1  }
0xa3: {  	[sflag:s23] =	ssyncset.done $0x0  }
0xa4: {  	s25 =	simm.s32 $0x1B8E;
	s24 =	sld [smem:$0x3FFE];
	[sflag:s23] =	ssyncadd.s32 $0xFFFFFFFF  }
0xa5: {  	s26 =	simm.s32 $execute0_lowered;
	[smem:$0x3FD2] =	sst s25  }
0xa6: {  	s5 =	sshll.u32 s26, $0x1;
	_ =	strace $0x80000049;
	[dreg:$0x1] =	wrdreg $0xFFFFFFFF  }
0xa7: {  	s28 =	simm.s32 $_size_execute0_lowered;
	s3 =	sadd.s32 s3, s5;
	[dreg:$0x0] =	wrdreg $0x0  }
0xa8: {  	s5 =	sshll.u32 s28, $0x1;
	[dreg:$0x2] =	wrdreg s3  }
0xa9: {  	[dreg:$0x3] =	wrdreg s5  }
0xaa: {  	[dreg:$0x4] =	wrdreg $0xC0  }
0xab: {  	_ =	task [dreg:s7], $0x5FFFF  }
0xac: {  	[dreg:$0x1] =	wrdreg $0xFFFFFFFF  }
0xad: {  	[dreg:$0x0] =	wrdreg $0x60  }
0xae: {  	[dreg:$0x2] =	wrdreg s2  }
0xaf: {  	[dreg:$0x3] =	wrdreg s24  }
0xb0: {  	[dreg:$0x4] =	wrdreg $0xA8000  }
0xb1: {  	[dreg:$0x5] =	wrdreg $0x9  }
0xb2: {  	_ =	task.clear_ibuf [dreg:s7], $0x6FFFF;
	_ =	strace $0x90000049  }
0xb3: {  	s29 =	simm.s32 $0x9;
	_ =	strace $0x8000004B  }
0xb4: {  	_ =	swait.ge [sflag:s29], $0x1  }
0xb5: {  	[sflag:s29] =	ssyncadd.s32 $0xFFFFFFFF  }
0xb6: {  	_ =	strace $0x9000004B  }
0xb7: {  	_ =	sfence  }
0xb8: {  	s30 =	sld [smem:$0x0];
	_ =	sdelay $0x2  }
0xb9: {  	s31 =	sshll.u32 s1, $0xD;
	s1 =	sshrl.u32 s1, $0x2  }
0xba: {  	s3 =	sand.u32 $0x4000, s31;
	s1 =	sadd.s32 s1, s30  }
0xbb: {  	s0 =	sor.u32 s3, s0;
	s1 =	sshll.u32 s1, $0x11  }
0xbc: {  	s0 =	sor.u32 s1, s0  }
0xbd: {  	s0 =	sadd.s32 $0x8F2B, s0  }
0xbe: {  	[sflag:s0] =	ssyncadd.remote.s32 $0x1  }
0xbf: {  	_ =	sfence.sel $0xFFFF  }
0xc0: {  	[dreg:$0x0] =	wrdreg $0xFFFFFFFF;
	(pc) =	sbr.abs _section_cstart, $3  }
0xc1: {  	[dreg:$0x1] =	wrdreg $0xFFFFFFFF  }
0xc2: {  	_ =	task.clear_ibuf [dreg:s7], $0x2FFFF;
	_ =	strace $0x9FFFFFFF  }
0xc3: {  	(tm) =	ssettm $0x7FFFFFFF  }
tec
execute0_lowered:
.L_overlay_start_1:
0x0: {  	(tag) =	ssettag $0x1  }
0x1: {  	s1 =	rddreg [dreg:$0x0]  }
0x2: {  	s0 =	rddreg [dreg:$0x1]  }
0x3: {  	s2 =	rddreg [dreg:$0x2]  }
0x4: {  	s3 =	srdreg.scid;
	s4 =	simm.s32 $0x0;
	s14 =	stileid.u32  }
0x5: {  	s15 =	simm.s32 $0x1400;
	s17 =	simm.s32 $0x4;
	s18 =	simm.s32 $0x1  }
0x6: {  	s19 =	simm.s32 $0x80;
	s20 =	simm.s32 $0x2800;
	s21 =	simm.s32 $0x6800  }
0x7: {  	s22 =	simm.s32 $0x2;
	s23 =	simm.s32 $0x3;
	s30 =	simm.s32 $0x1700  }
0x8: {  	s31 =	simm.s32 $0x380;
	s3 =	sand.u32 $0x1, s3;
	[smem:$0x7FF] =	sst s4  }
0x9: {  	s8 =	smul.u32 $0x14000, s14;
	s9 =	sadd.s32 $0x2200, s0;
	s10 =	sadd.s32 $0xB200, s0  }
0xa: {  	s11 =	smul.u32 $0x50000, s14;
	s28 =	sshll.u32 s14, $0x6;
	s5 =	sshll.u32 s3, $0x4  }
0xb: {  	s7 =	smul.u32 $0x140000, s3;
	_ =	strace $0x8000004A;
	s3 =	ssub.s32 $0x2, s3  }
0xc: {  	s6 =	sor.u32 s14, s5;
	s25 =	sshrl.u32 s3, $0x1;
	s26 =	sshrl.u32 s11, $0x2  }
0xd: {  	s5 =	sshll.u32 s6, $0x7;
	s7 =	sadd.s32 s8, s7;
	s24 =	smul.u32 $0x480, s6  }
0xe: {  	s13 =	smul.u32 $0x2400, s6;
	s3 =	ssub.s32 s3, s25;
	s16 =	sadd.s32 s26, s2  }
0xf: {  	s8 =	sor.u32 $0x1C04, s28;
	s12 =	sadd.s32 s5, s0;
	s5 =	sadd.s32 $0x17200, s0  }
0x10: {  	s7 =	sshrl.u32 s7, $0x3;
	s14 =	smax.u32 s3, $0x1;
	s16 =	sshrl.u32 s16, $0x3  }
0x11: {  	s3 =	simm.s32 $0x0;
	s0 =	sadd.s32 s7, s0;
	s6 =	sadd.s32 s9, s24  }
0x12: {  	s7 =	sadd.s32 s10, s24;
	s13 =	sshrl.u32 s13, $0x3;
	s11 =	sadd.s32 $0x16200, s12  }
0x13: {  	s12 =	sadd.s32 $0x15200, s12;
	s29 =	sadd.s32 $0x280, s13;
	s13 =	sadd.s32 $0x19A00, s0  }
0x14: {  	s0 =	simm.s32 $0x1780;
	s9 =	sadd.s32 s9, s29;
	s10 =	sadd.s32 s10, s29  }
.LBB2_1:
0x15: {  	[tilespmem:s4], [sflag:$0x1] =	stream.linear.gather [hbm4b:s6+s4], $0x1400, $0x38;
	[tilespmem:$0x1E800] =	vst v63  }
0x16: {  	_ = 	snop  }
0x17: {  	[tilespmem:s15], [sflag:$0x1] =	stream.linear.gather [hbm4b:s7+s4], $0x1400, $0x38;
	[tilespmem:$0x1E800] =	vst v63  }
0x18: {  	[spmem:s16], [sflag:s8] =	dma.local [hbm:s5], $0x2800  }
0x19: {  	_ =	swait.ge [sflag:s17], $0x2800  }
0x1a: {  	[sflag:s17] =	ssyncset.done $0x0  }
0x1b: {  	[sflag:s17] =	ssyncadd.s32 $0xFFFFD800  }
0x1c: {  	[bflag:$0x0] =	sbarrier.arrive $0xFFFF  }
0x1d: {  	_ =	swait.ge [sflag:s18], $0x1400  }
0x1e: {  	[sflag:s18] =	ssyncset.done $0x0  }
0x1f: {  	[sflag:s18] =	ssyncadd.s32 $0xFFFFEC00  }
0x20: {  	_ =	swait.ge [sflag:s18], $0x1400  }
0x21: {  	[sflag:s18] =	ssyncset.done $0x0  }
0x22: {  	[sflag:s18] =	ssyncadd.s32 $0xFFFFEC00  }
0x23: {  	[tilespmem:s20], [sflag:$0x4] =	stream.indirect.gather [hbm4b:s1+s19], $0x80, s4, s19, $0xb8;
	[tilespmem:$0x1E800] =	vst v63  }
0x24: {  	_ =	swait.ge [sflag:s17], $0x4000  }
0x25: {  	[sflag:s17] =	ssyncset.done $0x0  }
0x26: {  	[sflag:s17] =	ssyncadd.s32 $0xFFFFC000  }
0x27: {  	[spmem:s2] =	stream.indirect.scatter.add.f32 [tilespmem:s20], [sflag:$0x2], $0x80, s15, s19, $0xb8;
	[tilespmem:$0x1E800] =	vst v63  }
0x28: {  	s24 =	simm.s32 $0x80  }
0x29: {  	[tilespmem:s21], [sflag:$0x4] =	stream.indirect.gather [hbm4b:s1+s19], $0x80, s24, s19, $0xb8;
	[tilespmem:$0x1E800] =	vst v63  }
0x2a: {  	_ =	swait.ge [sflag:s17], $0x4000  }
0x2b: {  	[sflag:s17] =	ssyncset.done $0x0  }
0x2c: {  	[sflag:s17] =	ssyncadd.s32 $0xFFFFC000  }
0x2d: {  	_ =	swait.ge [sflag:s22], $0x4000  }
0x2e: {  	[sflag:s22] =	ssyncset.done $0x0  }
0x2f: {  	s28 =	simm.s32 $0x1480;
	[sflag:s22] =	ssyncadd.s32 $0xFFFFC000  }
0x30: {  	[spmem:s2] =	stream.indirect.scatter.add.f32 [tilespmem:s21], [sflag:$0x3], $0x80, s28, s19, $0xb8;
	[tilespmem:$0x1E800] =	vst v63  }
0x31: {  	s29 =	simm.s32 $0x100  }
0x32: {  	[tilespmem:s20], [sflag:$0x4] =	stream.indirect.gather [hbm4b:s1+s19], $0x80, s29, s19, $0xb8;
	[tilespmem:$0x1E800] =	vst v63  }
0x33: {  	_ =	swait.ge [sflag:s17], $0x4000  }
0x34: {  	[sflag:s17] =	ssyncset.done $0x0  }
0x35: {  	[sflag:s17] =	ssyncadd.s32 $0xFFFFC000  }
0x36: {  	_ =	swait.ge [sflag:s23], $0x4000  }
0x37: {  	s25 =	simm.s32 $0xFFFFBC00;
	[sflag:s23] =	ssyncset.done $0x0  }
0x38: {  	s26 =	simm.s32 $0x1500;
	s24 =	simm.s32 $0xFFFFEE00;
	[sflag:s23] =	ssyncadd.s32 $0xFFFFC000  }
.LBB2_2:
0x39: {  	[spmem:s2] =	stream.indirect.scatter.add.f32 [tilespmem:s20], [sflag:$0x2], $0x80, s26, s19, $0xb8;
	[tilespmem:$0x1E800] =	vst v63  }
0x3a: {  	s26 =	smov.u32 s25  }
0x3b: {  	s29 =	sadd.s32 $0x400, s25;
	s28 =	sshra.s32 s26, $0x2;
	s26 =	sadd.s32 $0x1380, s24  }
0x3c: {  	[tilespmem:s21], [sflag:$0x4] =	stream.indirect.gather [hbm4b:s1+s19], $0x80, s26, s19, $0xb8;
	[tilespmem:$0x1E800] =	vst v63  }
0x3d: {  	p0 =	sne.s32 s25, $0xFFFFFC00;
	_ =	swait.ge [sflag:s17], $0x4000  }
0x3e: {  	[sflag:s17] =	ssyncset.done $0x0  }
0x3f: {  	[sflag:s17] =	ssyncadd.s32 $0xFFFFC000  }
0x40: {  	_ =	swait.ge [sflag:s22], $0x4000  }
0x41: {  	[sflag:s22] =	ssyncset.done $0x0  }
0x42: {  	s25 =	sadd.s32 $0x2780, s24;
	[sflag:s22] =	ssyncadd.s32 $0xFFFFC000  }
0x43: {  	[spmem:s2] =	stream.indirect.scatter.add.f32 [tilespmem:s21], [sflag:$0x3], $0x80, s25, s19, $0xb8;
	[tilespmem:$0x1E800] =	vst v63  }
0x44: {  	s25 =	sadd.s32 $0x1400, s24  }
0x45: {  	[tilespmem:s20], [sflag:$0x4] =	stream.indirect.gather [hbm4b:s1+s19], $0x80, s25, s19, $0xb8;
	[tilespmem:$0x1E800] =	vst v63  }
0x46: {  	_ =	swait.ge [sflag:s17], $0x4000  }
.Ltmp0:
0x47: {  	[sflag:s17] =	ssyncset.done $0x0;
	(pc) =	sbr.rel @p0 .LBB2_2-.Ltmp0, $4  }
0x48: {  	[sflag:s17] =	ssyncadd.s32 $0xFFFFC000  }
0x49: {  	_ =	swait.ge [sflag:s23], $0x4000  }
0x4a: {  	s26 =	sadd.s32 $0x2800, s24;
	[sflag:s23] =	ssyncset.done $0x0  }
0x4b: {  	s24 =	smov.u32 s28;
	s25 =	smov.u32 s29;
	[sflag:s23] =	ssyncadd.s32 $0xFFFFC000  }
0x4c: {  	[spmem:s2] =	stream.indirect.scatter.add.f32 [tilespmem:s20], [sflag:$0x2], $0x80, s26, s19, $0xb8;
	[tilespmem:$0x1E800] =	vst v63  }
0x4d: {  	s25 =	sadd.s32 $0x1380, s24  }
0x4e: {  	[tilespmem:s21], [sflag:$0x4] =	stream.indirect.gather [hbm4b:s1+s19], $0x80, s25, s19, $0xb8;
	[tilespmem:$0x1E800] =	vst v63  }
0x4f: {  	_ =	swait.ge [sflag:s17], $0x4000  }
0x50: {  	[sflag:s17] =	ssyncset.done $0x0  }
0x51: {  	[sflag:s17] =	ssyncadd.s32 $0xFFFFC000  }
0x52: {  	_ =	swait.ge [sflag:s22], $0x4000  }
0x53: {  	[sflag:s22] =	ssyncset.done $0x0  }
0x54: {  	s29 =	sadd.s32 $0x2780, s24;
	[sflag:s22] =	ssyncadd.s32 $0xFFFFC000  }
0x55: {  	[spmem:s2] =	stream.indirect.scatter.add.f32 [tilespmem:s21], [sflag:$0x3], $0x80, s29, s19, $0xb8;
	[tilespmem:$0x1E800] =	vst v63  }
0x56: {  	s26 =	sadd.s32 $0x1400, s24  }
0x57: {  	[tilespmem:s20], [sflag:$0x4] =	stream.indirect.gather [hbm4b:s1+s19], $0x80, s26, s19, $0xb8;
	[tilespmem:$0x1E800] =	vst v63  }
0x58: {  	_ =	swait.ge [sflag:s17], $0x4000  }
0x59: {  	[sflag:s17] =	ssyncset.done $0x0  }
0x5a: {  	[sflag:s17] =	ssyncadd.s32 $0xFFFFC000  }
0x5b: {  	_ =	swait.ge [sflag:s23], $0x4000  }
0x5c: {  	[sflag:s23] =	ssyncset.done $0x0  }
0x5d: {  	s28 =	sadd.s32 $0x2800, s24;
	[sflag:s23] =	ssyncadd.s32 $0xFFFFC000  }
0x5e: {  	[spmem:s2] =	stream.indirect.scatter.add.f32 [tilespmem:s20], [sflag:$0x2], $0x80, s28, s19, $0xb8;
	[tilespmem:$0x1E800] =	vst v63  }
0x5f: {  	s29 =	simm.s32 $0x1380  }
0x60: {  	[tilespmem:s21], [sflag:$0x4] =	stream.indirect.gather [hbm4b:s1+s19], $0x80, s29, s19, $0xb8;
	[tilespmem:$0x1E800] =	vst v63  }
0x61: {  	_ =	swait.ge [sflag:s17], $0x4000  }
0x62: {  	[sflag:s17] =	ssyncset.done $0x0  }
0x63: {  	[sflag:s17] =	ssyncadd.s32 $0xFFFFC000  }
0x64: {  	_ =	swait.ge [sflag:s22], $0x4000  }
0x65: {  	[sflag:s22] =	ssyncset.done $0x0  }
0x66: {  	s25 =	simm.s32 $0x2780;
	[sflag:s22] =	ssyncadd.s32 $0xFFFFC000  }
0x67: {  	[spmem:s2] =	stream.indirect.scatter.add.f32 [tilespmem:s21], [sflag:$0x3], $0x80, s25, s19, $0xb8;
	[tilespmem:$0x1E800] =	vst v63  }
0x68: {  	_ =	swait.ge [sflag:s23], $0x4000  }
0x69: {  	[sflag:s23] =	ssyncset.done $0x0  }
0x6a: {  	[sflag:s23] =	ssyncadd.s32 $0xFFFFC000  }
0x6b: {  	[tilespmem:s4], [sflag:$0x1] =	stream.linear.gather [hbm4b:s9+s4], $0x1000, $0x38;
	[tilespmem:$0x1E800] =	vst v63  }
0x6c: {  	_ = 	snop  }
0x6d: {  	[tilespmem:s15], [sflag:$0x1] =	stream.linear.gather [hbm4b:s10+s4], $0x1000, $0x38;
	[tilespmem:$0x1E800] =	vst v63  }
0x6e: {  	_ =	swait.ge [sflag:s18], $0x1000  }
0x6f: {  	[sflag:s18] =	ssyncset.done $0x0  }
0x70: {  	[sflag:s18] =	ssyncadd.s32 $0xFFFFF000  }
0x71: {  	_ =	swait.ge [sflag:s18], $0x1000  }
0x72: {  	[sflag:s18] =	ssyncset.done $0x0  }
0x73: {  	[sflag:s18] =	ssyncadd.s32 $0xFFFFF000  }
0x74: {  	[tilespmem:s20], [sflag:$0x4] =	stream.indirect.gather [hbm4b:s1+s19], $0x80, s4, s19, $0xb8;
	[tilespmem:$0x1E800] =	vst v63  }
0x75: {  	_ =	swait.ge [sflag:s17], $0x4000  }
0x76: {  	[sflag:s17] =	ssyncset.done $0x0  }
0x77: {  	[sflag:s17] =	ssyncadd.s32 $0xFFFFC000  }
0x78: {  	[spmem:s2] =	stream.indirect.scatter.add.f32 [tilespmem:s20], [sflag:$0x2], $0x80, s15, s19, $0xb8;
	[tilespmem:$0x1E800] =	vst v63  }
0x79: {  	s26 =	simm.s32 $0x80  }
0x7a: {  	[tilespmem:s21], [sflag:$0x4] =	stream.indirect.gather [hbm4b:s1+s19], $0x80, s26, s19, $0xb8;
	[tilespmem:$0x1E800] =	vst v63  }
0x7b: {  	_ =	swait.ge [sflag:s17], $0x4000  }
0x7c: {  	[sflag:s17] =	ssyncset.done $0x0  }
0x7d: {  	[sflag:s17] =	ssyncadd.s32 $0xFFFFC000  }
0x7e: {  	_ =	swait.ge [sflag:s22], $0x4000  }
0x7f: {  	[sflag:s22] =	ssyncset.done $0x0  }
0x80: {  	s28 =	simm.s32 $0x1480;
	[sflag:s22] =	ssyncadd.s32 $0xFFFFC000  }
0x81: {  	[spmem:s2] =	stream.indirect.scatter.add.f32 [tilespmem:s21], [sflag:$0x3], $0x80, s28, s19, $0xb8;
	[tilespmem:$0x1E800] =	vst v63  }
0x82: {  	s29 =	simm.s32 $0x100  }
0x83: {  	[tilespmem:s20], [sflag:$0x4] =	stream.indirect.gather [hbm4b:s1+s19], $0x80, s29, s19, $0xb8;
	[tilespmem:$0x1E800] =	vst v63  }
0x84: {  	_ =	swait.ge [sflag:s17], $0x4000  }
0x85: {  	[sflag:s17] =	ssyncset.done $0x0  }
0x86: {  	[sflag:s17] =	ssyncadd.s32 $0xFFFFC000  }
0x87: {  	_ =	swait.ge [sflag:s23], $0x4000  }
0x88: {  	s24 =	simm.s32 $0xFFFFF200;
	[sflag:s23] =	ssyncset.done $0x0  }
0x89: {  	s25 =	simm.s32 $0xFFFFCC00;
	s26 =	simm.s32 $0x1500;
	[sflag:s23] =	ssyncadd.s32 $0xFFFFC000  }
.LBB2_4:
0x8a: {  	[spmem:s2] =	stream.indirect.scatter.add.f32 [tilespmem:s20], [sflag:$0x2], $0x80, s26, s19, $0xb8;
	[tilespmem:$0x1E800] =	vst v63  }
0x8b: {  	s26 =	smov.u32 s25  }
0x8c: {  	s29 =	sadd.s32 $0x400, s25;
	s28 =	sshra.s32 s26, $0x2;
	s26 =	sadd.s32 $0xF80, s24  }
0x8d: {  	[tilespmem:s21], [sflag:$0x4] =	stream.indirect.gather [hbm4b:s1+s19], $0x80, s26, s19, $0xb8;
	[tilespmem:$0x1E800] =	vst v63  }
0x8e: {  	p0 =	sne.s32 s25, $0xFFFFFC00;
	_ =	swait.ge [sflag:s17], $0x4000  }
0x8f: {  	[sflag:s17] =	ssyncset.done $0x0  }
0x90: {  	[sflag:s17] =	ssyncadd.s32 $0xFFFFC000  }
0x91: {  	_ =	swait.ge [sflag:s22], $0x4000  }
0x92: {  	[sflag:s22] =	ssyncset.done $0x0  }
0x93: {  	s25 =	sadd.s32 $0x2380, s24;
	[sflag:s22] =	ssyncadd.s32 $0xFFFFC000  }
0x94: {  	[spmem:s2] =	stream.indirect.scatter.add.f32 [tilespmem:s21], [sflag:$0x3], $0x80, s25, s19, $0xb8;
	[tilespmem:$0x1E800] =	vst v63  }
0x95: {  	s25 =	sadd.s32 $0x1000, s24  }
0x96: {  	[tilespmem:s20], [sflag:$0x4] =	stream.indirect.gather [hbm4b:s1+s19], $0x80, s25, s19, $0xb8;
	[tilespmem:$0x1E800] =	vst v63  }
0x97: {  	_ =	swait.ge [sflag:s17], $0x4000  }
.Ltmp1:
0x98: {  	[sflag:s17] =	ssyncset.done $0x0;
	(pc) =	sbr.rel @p0 .LBB2_4-.Ltmp1, $4  }
0x99: {  	[sflag:s17] =	ssyncadd.s32 $0xFFFFC000  }
0x9a: {  	_ =	swait.ge [sflag:s23], $0x4000  }
0x9b: {  	s26 =	sadd.s32 $0x2400, s24;
	[sflag:s23] =	ssyncset.done $0x0  }
0x9c: {  	s24 =	smov.u32 s28;
	s25 =	smov.u32 s29;
	[sflag:s23] =	ssyncadd.s32 $0xFFFFC000  }
0x9d: {  	[spmem:s2] =	stream.indirect.scatter.add.f32 [tilespmem:s20], [sflag:$0x2], $0x80, s26, s19, $0xb8;
	[tilespmem:$0x1E800] =	vst v63  }
0x9e: {  	s25 =	sadd.s32 $0xF80, s24  }
0x9f: {  	[tilespmem:s21], [sflag:$0x4] =	stream.indirect.gather [hbm4b:s1+s19], $0x80, s25, s19, $0xb8;
	[tilespmem:$0x1E800] =	vst v63  }
0xa0: {  	_ =	swait.ge [sflag:s17], $0x4000  }
0xa1: {  	[sflag:s17] =	ssyncset.done $0x0  }
0xa2: {  	[sflag:s17] =	ssyncadd.s32 $0xFFFFC000  }
0xa3: {  	_ =	swait.ge [sflag:s22], $0x4000  }
0xa4: {  	[sflag:s22] =	ssyncset.done $0x0  }
0xa5: {  	s26 =	sadd.s32 $0x2380, s24;
	[sflag:s22] =	ssyncadd.s32 $0xFFFFC000  }
0xa6: {  	[spmem:s2] =	stream.indirect.scatter.add.f32 [tilespmem:s21], [sflag:$0x3], $0x80, s26, s19, $0xb8;
	[tilespmem:$0x1E800] =	vst v63  }
0xa7: {  	s28 =	sadd.s32 $0x1000, s24  }
0xa8: {  	[tilespmem:s20], [sflag:$0x4] =	stream.indirect.gather [hbm4b:s1+s19], $0x80, s28, s19, $0xb8;
	[tilespmem:$0x1E800] =	vst v63  }
0xa9: {  	_ =	swait.ge [sflag:s17], $0x4000  }
0xaa: {  	[sflag:s17] =	ssyncset.done $0x0  }
0xab: {  	[sflag:s17] =	ssyncadd.s32 $0xFFFFC000  }
0xac: {  	_ =	swait.ge [sflag:s23], $0x4000  }
0xad: {  	[sflag:s23] =	ssyncset.done $0x0  }
0xae: {  	s29 =	sadd.s32 $0x2400, s24;
	[sflag:s23] =	ssyncadd.s32 $0xFFFFC000  }
0xaf: {  	[spmem:s2] =	stream.indirect.scatter.add.f32 [tilespmem:s20], [sflag:$0x2], $0x80, s29, s19, $0xb8;
	[tilespmem:$0x1E800] =	vst v63  }
0xb0: {  	s25 =	simm.s32 $0xF80  }
0xb1: {  	[tilespmem:s21], [sflag:$0x4] =	stream.indirect.gather [hbm4b:s1+s19], $0x80, s25, s19, $0xb8;
	[tilespmem:$0x1E800] =	vst v63  }
0xb2: {  	_ =	swait.ge [sflag:s17], $0x4000  }
0xb3: {  	[sflag:s17] =	ssyncset.done $0x0  }
0xb4: {  	[sflag:s17] =	ssyncadd.s32 $0xFFFFC000  }
0xb5: {  	_ =	swait.ge [sflag:s22], $0x4000  }
0xb6: {  	[sflag:s22] =	ssyncset.done $0x0  }
0xb7: {  	s26 =	simm.s32 $0x2380;
	[sflag:s22] =	ssyncadd.s32 $0xFFFFC000  }
0xb8: {  	[spmem:s2] =	stream.indirect.scatter.add.f32 [tilespmem:s21], [sflag:$0x3], $0x80, s26, s19, $0xb8;
	[tilespmem:$0x1E800] =	vst v63  }
0xb9: {  	_ =	swait.ge [sflag:s23], $0x4000  }
0xba: {  	[sflag:s23] =	ssyncset.done $0x0  }
0xbb: {  	[sflag:s23] =	ssyncadd.s32 $0xFFFFC000  }
0xbc: {  	[tilespmem:s4], [sflag:$0x1] =	stream.linear.gather [hbm4b:s11+s4], $0x400, $0x38;
	[tilespmem:$0x1E800] =	vst v63  }
0xbd: {  	_ = 	snop  }
0xbe: {  	[tilespmem:s15], [sflag:$0x1] =	stream.linear.gather [hbm4b:s12+s4], $0x400, $0x38;
	[tilespmem:$0x1E800] =	vst v63  }
0xbf: {  	_ =	swait.ge [sflag:s18], $0x400  }
0xc0: {  	[sflag:s18] =	ssyncset.done $0x0  }
0xc1: {  	[sflag:s18] =	ssyncadd.s32 $0xFFFFFC00  }
0xc2: {  	_ =	swait.ge [sflag:s18], $0x400  }
0xc3: {  	[sflag:s18] =	ssyncset.done $0x0  }
0xc4: {  	[sflag:s18] =	ssyncadd.s32 $0xFFFFFC00  }
0xc5: {  	[tilespmem:s20], [sflag:$0x4] =	stream.indirect.gather [hbm4b:s1+s19], $0x80, s4, s19, $0xb8;
	[tilespmem:$0x1E800] =	vst v63  }
0xc6: {  	_ =	swait.ge [sflag:s17], $0x4000  }
0xc7: {  	[sflag:s17] =	ssyncset.done $0x0  }
0xc8: {  	[sflag:s17] =	ssyncadd.s32 $0xFFFFC000  }
0xc9: {  	[spmem:s2] =	stream.indirect.scatter.add.f32 [tilespmem:s20], [sflag:$0x2], $0x80, s15, s19, $0xb8;
	[tilespmem:$0x1E800] =	vst v63  }
0xca: {  	_ = 	snop  }
0xcb: {  	[tilespmem:s21], [sflag:$0x4] =	stream.indirect.gather [hbm4b:s1+s19], $0x80, s19, s19, $0xb8;
	[tilespmem:$0x1E800] =	vst v63  }
0xcc: {  	_ =	swait.ge [sflag:s17], $0x4000  }
0xcd: {  	[sflag:s17] =	ssyncset.done $0x0  }
0xce: {  	[sflag:s17] =	ssyncadd.s32 $0xFFFFC000  }
0xcf: {  	_ =	swait.ge [sflag:s22], $0x4000  }
0xd0: {  	[sflag:s22] =	ssyncset.done $0x0  }
0xd1: {  	s28 =	simm.s32 $0x1480;
	[sflag:s22] =	ssyncadd.s32 $0xFFFFC000  }
0xd2: {  	[spmem:s2] =	stream.indirect.scatter.add.f32 [tilespmem:s21], [sflag:$0x3], $0x80, s28, s19, $0xb8;
	[tilespmem:$0x1E800] =	vst v63  }
0xd3: {  	s29 =	simm.s32 $0x100  }
0xd4: {  	[tilespmem:s20], [sflag:$0x4] =	stream.indirect.gather [hbm4b:s1+s19], $0x80, s29, s19, $0xb8;
	[tilespmem:$0x1E800] =	vst v63  }
0xd5: {  	_ =	swait.ge [sflag:s17], $0x4000  }
0xd6: {  	[sflag:s17] =	ssyncset.done $0x0  }
0xd7: {  	[sflag:s17] =	ssyncadd.s32 $0xFFFFC000  }
0xd8: {  	_ =	swait.ge [sflag:s23], $0x4000  }
0xd9: {  	[sflag:s23] =	ssyncset.done $0x0  }
0xda: {  	s25 =	simm.s32 $0x1500;
	[sflag:s23] =	ssyncadd.s32 $0xFFFFC000  }
0xdb: {  	[spmem:s2] =	stream.indirect.scatter.add.f32 [tilespmem:s20], [sflag:$0x2], $0x80, s25, s19, $0xb8;
	[tilespmem:$0x1E800] =	vst v63  }
0xdc: {  	s26 =	simm.s32 $0x180  }
0xdd: {  	[tilespmem:s21], [sflag:$0x4] =	stream.indirect.gather [hbm4b:s1+s19], $0x80, s26, s19, $0xb8;
	[tilespmem:$0x1E800] =	vst v63  }
0xde: {  	_ =	swait.ge [sflag:s17], $0x4000  }
0xdf: {  	[sflag:s17] =	ssyncset.done $0x0  }
0xe0: {  	[sflag:s17] =	ssyncadd.s32 $0xFFFFC000  }
0xe1: {  	_ =	swait.ge [sflag:s22], $0x4000  }
0xe2: {  	[sflag:s22] =	ssyncset.done $0x0  }
0xe3: {  	s28 =	simm.s32 $0x1580;
	[sflag:s22] =	ssyncadd.s32 $0xFFFFC000  }
0xe4: {  	[spmem:s2] =	stream.indirect.scatter.add.f32 [tilespmem:s21], [sflag:$0x3], $0x80, s28, s19, $0xb8;
	[tilespmem:$0x1E800] =	vst v63  }
0xe5: {  	s29 =	simm.s32 $0x200  }
0xe6: {  	[tilespmem:s20], [sflag:$0x4] =	stream.indirect.gather [hbm4b:s1+s19], $0x80, s29, s19, $0xb8;
	[tilespmem:$0x1E800] =	vst v63  }
0xe7: {  	_ =	swait.ge [sflag:s17], $0x4000  }
0xe8: {  	[sflag:s17] =	ssyncset.done $0x0  }
0xe9: {  	[sflag:s17] =	ssyncadd.s32 $0xFFFFC000  }
0xea: {  	_ =	swait.ge [sflag:s23], $0x4000  }
0xeb: {  	[sflag:s23] =	ssyncset.done $0x0  }
0xec: {  	s25 =	simm.s32 $0x1600;
	[sflag:s23] =	ssyncadd.s32 $0xFFFFC000  }
0xed: {  	[spmem:s2] =	stream.indirect.scatter.add.f32 [tilespmem:s20], [sflag:$0x2], $0x80, s25, s19, $0xb8;
	[tilespmem:$0x1E800] =	vst v63  }
0xee: {  	s26 =	simm.s32 $0x280  }
0xef: {  	[tilespmem:s21], [sflag:$0x4] =	stream.indirect.gather [hbm4b:s1+s19], $0x80, s26, s19, $0xb8;
	[tilespmem:$0x1E800] =	vst v63  }
0xf0: {  	_ =	swait.ge [sflag:s17], $0x4000  }
0xf1: {  	[sflag:s17] =	ssyncset.done $0x0  }
0xf2: {  	[sflag:s17] =	ssyncadd.s32 $0xFFFFC000  }
0xf3: {  	_ =	swait.ge [sflag:s22], $0x4000  }
0xf4: {  	[sflag:s22] =	ssyncset.done $0x0  }
0xf5: {  	s28 =	simm.s32 $0x1680;
	[sflag:s22] =	ssyncadd.s32 $0xFFFFC000  }
0xf6: {  	[spmem:s2] =	stream.indirect.scatter.add.f32 [tilespmem:s21], [sflag:$0x3], $0x80, s28, s19, $0xb8;
	[tilespmem:$0x1E800] =	vst v63  }
0xf7: {  	s29 =	simm.s32 $0x300  }
0xf8: {  	[tilespmem:s20], [sflag:$0x4] =	stream.indirect.gather [hbm4b:s1+s19], $0x80, s29, s19, $0xb8;
	[tilespmem:$0x1E800] =	vst v63  }
0xf9: {  	_ =	swait.ge [sflag:s17], $0x4000  }
0xfa: {  	[sflag:s17] =	ssyncset.done $0x0  }
0xfb: {  	[sflag:s17] =	ssyncadd.s32 $0xFFFFC000  }
0xfc: {  	_ =	swait.ge [sflag:s23], $0x4000  }
0xfd: {  	[sflag:s23] =	ssyncset.done $0x0  }
0xfe: {  	[sflag:s23] =	ssyncadd.s32 $0xFFFFC000  }
0xff: {  	[spmem:s2] =	stream.indirect.scatter.add.f32 [tilespmem:s20], [sflag:$0x2], $0x80, s30, s19, $0xb8;
	[tilespmem:$0x1E800] =	vst v63  }
0x100: {  	_ = 	snop  }
0x101: {  	[tilespmem:s21], [sflag:$0x4] =	stream.indirect.gather [hbm4b:s1+s19], $0x80, s31, s19, $0xb8;
	[tilespmem:$0x1E800] =	vst v63  }
0x102: {  	_ =	swait.ge [sflag:s17], $0x4000  }
0x103: {  	[sflag:s17] =	ssyncset.done $0x0  }
0x104: {  	[sflag:s17] =	ssyncadd.s32 $0xFFFFC000  }
0x105: {  	_ =	swait.ge [sflag:s22], $0x4000  }
0x106: {  	[sflag:s22] =	ssyncset.done $0x0  }
0x107: {  	[sflag:s22] =	ssyncadd.s32 $0xFFFFC000  }
0x108: {  	[spmem:s2] =	stream.indirect.scatter.add.f32 [tilespmem:s21], [sflag:$0x3], $0x80, s0, s19, $0xb8;
	[tilespmem:$0x1E800] =	vst v63  }
0x109: {  	_ =	swait.ge [sflag:s23], $0x4000  }
0x10a: {  	s3 =	sadd.s32 $0x1, s3;
	[sflag:s23] =	ssyncset.done $0x0  }
0x10b: {  	p0 =	sne.s32 s3, s14;
	[sflag:s23] =	ssyncadd.s32 $0xFFFFC000  }
.Ltmp2:
0x10c: {  	[bflag:$0x0] =	sbarrier.arrive $0xFFFF;
	(pc) =	sbr.rel @p0 .LBB2_1-.Ltmp2, $4  }
0x10d: {  	[hbm:s13], [sflag:s8] =	dma.local [spmem:s16], $0x2800  }
0x10e: {  	_ =	swait.ge [sflag:s17], $0x2800  }
0x10f: {  	[sflag:s17] =	ssyncset.done $0x0  }
0x110: {  	[sflag:s17] =	ssyncadd.s32 $0xFFFFD800  }
0x111: {  	_ =	sfence.sel $0x180000  }
0x112: {  	[bflag:$0x0] =	sbarrier.arrive $0xFFFF  }
0x113: {  	_ =	strace $0x9000004A  }
0x114: {  	s0 =	stileid.u32;
	[bflag:$0x2] =	sbarrier.arrive $0xFFFF  }
0x115: {  	p0 =	sne.s32 s0, $0x0;
	s0 =	rddreg [dreg:$0x3]  }
0x116: {  	s0 =	sadd.s32 @!p0 $0x100000, s0  }
0x117: {  	[sflag:s0] =	ssyncadd.tile.s32 @!p0 $0x1;
	_ =	shalt  }
.Lfunc_end2:
_tile_overlayer_lowered:
.L_overlay_start_2:
0x118: {  	(tag) =	ssettag $0x2  }
0x119: {  	s0 =	rddreg [dreg:$0x0];
	s2 =	stileid.u32  }
0x11a: {  	s1 =	rddreg [dreg:$0x1];
	p0 =	sne.s32 s2, $0x0  }
0x11b: {  	s3 =	rddreg [dreg:$0x2];
	[bflag:$0x3] =	sbarrier.arrive $0xFFFF;
	s2 =	simm.s32 @!p0 $0x1C04  }
0x11c: {  	[timem:s3], [sflag:s2] =	dma.local @!p0 [hbm:s0], s1  }
0x11d: {  	s0 =	simm.s32 @!p0 $0x4  }
0x11e: {  	_ =	swait.ge @!p0 [sflag:s0], s1  }
0x11f: {  	s1 =	ssub.s32 @!p0 $0x0, s1;
	[sflag:s0] =	ssyncset.done @!p0 $0x0  }
0x120: {  	[sflag:s0] =	ssyncadd.s32 @!p0 s1  }
0x121: {  	[bflag:$0x3] =	sbarrier.arrive $0xFFFF  }
0x122: {  	_ =	shalt  }

// kernel: kernel.14.cloned.1.call-start
scs
__scs_entry_jumppad:
0x0: {  	(pc) =	sbr.rel $0x88, $3  }
0x1: {  	(tag) =	ssettag $0x0;
	lr =	simm.s32 $0x1  }
0x2: {  	[smem:$0x3F9B] =	sst lr;
	_ =	strace $0xD0000000  }
0x3: {  	_ = 	snop  }
0x4: {  	_ = 	snop  }
0x5: {  	_ = 	snop  }
0x6: {  	_ = 	snop  }
0x7: {  	_ = 	snop  }
__scs_overlays_trampoline_lowered:
0x8: {  	[smem:$0x3FAA] =	sst s0  }
0x9: {  	[smem:$0x3FAB] =	sst s1  }
0xa: {  	[smem:$0x3FAC] =	sst s2  }
0xb: {  	[smem:$0x3FAD] =	sst s3  }
0xc: {  	[smem:$0x3FAE] =	sst s4  }
0xd: {  	[smem:$0x3FAF] =	sst s5  }
0xe: {  	[smem:$0x3FB0] =	sst s6  }
0xf: {  	[smem:$0x3FB1] =	sst s7  }
0x10: {  	[smem:$0x3FB2] =	sst s8  }
0x11: {  	[smem:$0x3FB3] =	sst s9;
	s0 =	simm.s32 @!p0 $0x0  }
0x12: {  	s1 =	sld [smem:$0x3F99];
	s0 =	simm.s32 @p0 $0x1  }
0x13: {  	[smem:$0x3FB4] =	sst s0;
	s0 =	simm.s32 @!p1 $0x0  }
0x14: {  	s2 =	sld [smem:$0x3F98];
	s0 =	simm.s32 @p1 $0x1  }
0x15: {  	[smem:$0x3FB5] =	sst s0;
	s0 =	simm.s32 @!p2 $0x0  }
0x16: {  	s3 =	sld [smem:$0x3FDB];
	s0 =	simm.s32 @p2 $0x1  }
0x17: {  	s4 =	simm.s32 $0x1BF5;
	[smem:$0x3FB7] =	sst s0  }
0x18: {  	s0 =	sld [smem:$0x3F9A];
	_ =	swait.ge [sflag:s4], $0x0  }
0x19: {  	s7 =	sld [smem:$0x3F9B]  }
0x1a: {  	s8 =	sadd.s32 $0xFFFFE003, lr  }
0x1b: {  	s9 =	sadd.s32 $0xFFFFFEF7, lr;
	s5 =	simm.s32 $0xFFFFFFFF;
	p2 =	slt.u32 s8, $0xFFFFF086  }
0x1c: {  	p1 =	slt.u32 s9, $0xF7A;
	s5 =	simm.s32 @!p2 $0x0  }
0x1d: {  	s5 =	simm.s32 @p1 $0x1;
	p0 =	seq.s32 s7, s2  }
0x1e: {  	s7 =	smul.u32 @!p0 $0xF7A, s2;
	p2 =	seq.s32 @!p0 s5, $0x0  }
0x1f: {  	s9 =	smul.u32 $0xF7A, s1;
	s8 =	simm.s32 @!p0 $0x1BF5;
	p2 =	por !p2, p0  }
0x20: {  	[sflag:s8] =	ssyncset.s32 @!p0 $0xFFFFF086;
	s6 =	sadd.s32 @!p0 s3, s7;
	s7 =	simm.s32 @!p0 $0x108  }
0x21: {  	s3 =	sadd.s32 s3, s9;
	s6 =	sadd.s32 @!p0 $0x88, s6;
	s7 =	simm.s32 @p2 $0x1082  }
0x22: {  	[simem:s7], [sflag:s8] =	dma.local @!p0 [hbm:s6], $0xF7A  }
0x23: {  	s9 =	sor.u32 $0xD0000000, s2;
	s6 =	simm.s32 $0x108;
	_ =	swait.ge @!p0 [sflag:s8], $0x0  }
0x24: {  	s3 =	sadd.s32 $0x88, s3;
	s6 =	simm.s32 @!p1 $0x1082;
	[sflag:s4] =	ssyncset.s32 $0xFFFFF086  }
0x25: {  	[simem:s6], [sflag:s4] =	dma.local [hbm:s3], $0xF7A  }
0x26: {  	[smem:$0x3F9B] =	sst s1;
	(tag) =	ssettag s2;
	_ =	strace s9  }
0x27: {  	s1 =	sld [smem:$0x3FAB]  }
0x28: {  	s2 =	sld [smem:$0x3FAC]  }
0x29: {  	s4 =	sld [smem:$0x3FAE]  }
0x2a: {  	p0 =	seq.s32 s5, $0x0;
	s5 =	sld [smem:$0x3FAF]  }
0x2b: {  	s6 =	sld [smem:$0x3FB0]  }
0x2c: {  	s7 =	sld [smem:$0x3FB1]  }
0x2d: {  	s3 =	simm.s32 $0x108;
	s8 =	sld [smem:$0x3FB2]  }
0x2e: {  	s3 =	simm.s32 @!p0 $0x1082;
	s9 =	sld [smem:$0x3FB3]  }
0x2f: {  	lr =	sadd.s32 s0, s3;
	s0 =	sld [smem:$0x3FAA]  }
0x30: {  	s3 =	sld [smem:$0x3FAD]  }
0x31: {  	[smem:$0x3FB6] =	sst s10  }
0x32: {  	s10 =	sld [smem:$0x3FB4];
	_ =	sdelay $0x3  }
0x33: {  	p0 =	seq.s32 s10, $0x1;
	s10 =	sld [smem:$0x3FB6];
	_ =	sdelay $0x3  }
0x34: {  	[smem:$0x3FB6] =	sst s10  }
0x35: {  	s10 =	sld [smem:$0x3FB5];
	_ =	sdelay $0x3  }
0x36: {  	p1 =	seq.s32 s10, $0x1;
	s10 =	sld [smem:$0x3FB6];
	_ =	sdelay $0x3  }
0x37: {  	[smem:$0x3FB6] =	sst s10  }
0x38: {  	s10 =	sld [smem:$0x3FB7]  }
0x39: {  	_ = 	snop;
	(pc) =	sbr.ind lr, $3  }
0x3a: {  	_ = 	snop  }
0x3b: {  	_ = 	snop  }
0x3c: {  	p2 =	seq.s32 s10, $0x1;
	s10 =	sld [smem:$0x3FB6]  }
0x3d: {  	_ =	shalt  }
0x3e: {  	_ =	shalt  }
0x3f: {  	_ =	shalt  }
0x40: {  	_ =	shalt  }
0x41: {  	_ =	shalt  }
0x42: {  	_ =	shalt  }
0x43: {  	_ =	shalt  }
0x44: {  	_ =	shalt  }
0x45: {  	_ =	shalt  }
0x46: {  	_ =	shalt  }
0x47: {  	_ =	shalt  }
0x48: {  	_ =	shalt  }
0x49: {  	_ =	shalt  }
0x4a: {  	_ =	shalt  }
0x4b: {  	_ =	shalt  }
0x4c: {  	_ =	shalt  }
0x4d: {  	_ =	shalt  }
0x4e: {  	_ =	shalt  }
0x4f: {  	_ =	shalt  }
0x50: {  	_ =	shalt  }
0x51: {  	_ =	shalt  }
0x52: {  	_ =	shalt  }
0x53: {  	_ =	shalt  }
0x54: {  	_ =	shalt  }
0x55: {  	_ =	shalt  }
0x56: {  	_ =	shalt  }
0x57: {  	_ =	shalt  }
0x58: {  	_ =	shalt  }
0x59: {  	_ =	shalt  }
0x5a: {  	_ =	shalt  }
0x5b: {  	_ =	shalt  }
0x5c: {  	_ =	shalt  }
0x5d: {  	_ =	shalt  }
0x5e: {  	_ =	shalt  }
0x5f: {  	_ =	shalt  }
0x60: {  	_ =	shalt  }
0x61: {  	_ =	shalt  }
0x62: {  	_ =	shalt  }
0x63: {  	_ =	shalt  }
0x64: {  	_ =	shalt  }
0x65: {  	_ =	shalt  }
0x66: {  	_ =	shalt  }
0x67: {  	_ =	shalt  }
0x68: {  	_ =	shalt  }
0x69: {  	_ =	shalt  }
0x6a: {  	_ =	shalt  }
0x6b: {  	_ =	shalt  }
0x6c: {  	_ =	shalt  }
0x6d: {  	_ =	shalt  }
0x6e: {  	_ =	shalt  }
0x6f: {  	_ =	shalt  }
0x70: {  	_ =	shalt  }
0x71: {  	_ =	shalt  }
0x72: {  	_ =	shalt  }
0x73: {  	_ =	shalt  }
0x74: {  	_ =	shalt  }
0x75: {  	_ =	shalt  }
0x76: {  	_ =	shalt  }
0x77: {  	_ =	shalt  }
0x78: {  	_ =	shalt  }
0x79: {  	_ =	shalt  }
0x7a: {  	_ =	shalt  }
0x7b: {  	_ =	shalt  }
0x7c: {  	_ =	shalt  }
0x7d: {  	_ =	shalt  }
0x7e: {  	_ =	shalt  }
0x7f: {  	_ =	shalt  }
0x80: {  	_ =	shalt  }
0x81: {  	_ =	shalt  }
0x82: {  	_ =	shalt  }
0x83: {  	_ =	shalt  }
0x84: {  	_ =	shalt  }
0x85: {  	_ =	shalt  }
0x86: {  	_ =	shalt  }
0x87: {  	_ =	shalt  }
.Lfunc_end0:
.L_simem_size_0:
called_computation.2_lowered:
.L_overlay_start_0:
0x88: {  	s2 =	sld [smem:$0x3FD9]  }
0x89: {  	s3 =	sld [smem:$0x3FFE];
	_ =	sdelay $0x1  }
0x8a: {  	s1 =	srdreg.scid  }
0x8b: {  	s0 =	sand.u32 $0x1, s1  }
0x8c: {  	s17 =	sshll.u32 s0, $0xA;
	s2 =	sadd.s32 s3, s2  }
0x8d: {  	s2 =	sadd.s32 s2, s17  }
0x8e: {  	[smem:$0x3FC2] =	sst s2  }
0x8f: {  	_ = 	snop  }
0x90: {  	s2 =	sld [smem:$0x3FD0];
	(tm) =	ssettm $0x1  }
0x91: {  	s18 =	sld [smem:$0x3FFB];
	_ =	sdelay $0x3  }
0x92: {  	_ =	strace s18  }
0x93: {  	s3 =	sld [smem:$0x3FFC];
	_ =	sdelay $0x3  }
0x94: {  	_ =	strace s3  }
0x95: {  	s3 =	sld [smem:$0x3FFD];
	_ =	sdelay $0x3  }
0x96: {  	_ =	strace s3  }
0x97: {  	_ =	strace $0x8FFFFFFF  }
0x98: {  	s19 =	sld [smem:$0x3FDB];
	_ =	sdelay $0x1  }
0x99: {  	s4 =	simm.s32 $_scs_section_size  }
0x9a: {  	s5 =	simm.s32 $_size__tile_overlayer_lowered;
	s6 =	simm.s32 $_tile_overlayer_lowered  }
0x9b: {  	s22 =	simm.s32 $0x1BFF;
	s21 =	sshll.u32 s6, $0x1;
	s3 =	sadd.s32 s4, s19  }
0x9c: {  	s7 =	simm.s32 $0x0;
	s20 =	sshll.u32 s5, $0x1;
	s5 =	sadd.s32 s21, s3  }
0x9d: {  	[timem:s7], [sflag:s22] =	dma.local [hbm:s5], s20  }
0x9e: {  	_ =	swait.ge [sflag:s22], s20  }
0x9f: {  	s4 =	ssub.s32 $0x0, s20;
	[sflag:s22] =	ssyncset.done $0x0  }
0xa0: {  	[sflag:s22] =	ssyncadd.s32 s4;
	_ =	sdelay $0x1  }
0xa1: {  	s23 =	simm.s32 $0x1B8B  }
0xa2: {  	_ =	swait.ge [sflag:s23], $0x1  }
0xa3: {  	[sflag:s23] =	ssyncset.done $0x0  }
0xa4: {  	s25 =	simm.s32 $0x1B8E;
	s24 =	sld [smem:$0x3FFE];
	[sflag:s23] =	ssyncadd.s32 $0xFFFFFFFF  }
0xa5: {  	s26 =	simm.s32 $execute0_lowered;
	[smem:$0x3FD2] =	sst s25  }
0xa6: {  	s5 =	sshll.u32 s26, $0x1;
	_ =	strace $0x8000004C;
	[dreg:$0x1] =	wrdreg $0xFFFFFFFF  }
0xa7: {  	s28 =	simm.s32 $_size_execute0_lowered;
	s3 =	sadd.s32 s3, s5;
	[dreg:$0x0] =	wrdreg $0x0  }
0xa8: {  	s5 =	sshll.u32 s28, $0x1;
	[dreg:$0x2] =	wrdreg s3  }
0xa9: {  	[dreg:$0x3] =	wrdreg s5  }
0xaa: {  	[dreg:$0x4] =	wrdreg $0xC0  }
0xab: {  	_ =	task [dreg:s7], $0x5FFFF  }
0xac: {  	[dreg:$0x1] =	wrdreg $0xFFFFFFFF  }
0xad: {  	[dreg:$0x0] =	wrdreg $0x60  }
0xae: {  	[dreg:$0x2] =	wrdreg s2  }
0xaf: {  	[dreg:$0x3] =	wrdreg s24  }
0xb0: {  	[dreg:$0x4] =	wrdreg $0xA8000  }
0xb1: {  	[dreg:$0x5] =	wrdreg $0x9  }
0xb2: {  	_ =	task.clear_ibuf [dreg:s7], $0x6FFFF;
	_ =	strace $0x9000004C  }
0xb3: {  	s29 =	simm.s32 $0x9;
	_ =	strace $0x8000004E  }
0xb4: {  	_ =	swait.ge [sflag:s29], $0x1  }
0xb5: {  	[sflag:s29] =	ssyncadd.s32 $0xFFFFFFFF  }
0xb6: {  	_ =	strace $0x9000004E  }
0xb7: {  	_ =	sfence  }
0xb8: {  	s30 =	sld [smem:$0x0];
	_ =	sdelay $0x2  }
0xb9: {  	s31 =	sshll.u32 s1, $0xD;
	s1 =	sshrl.u32 s1, $0x2  }
0xba: {  	s3 =	sand.u32 $0x4000, s31;
	s1 =	sadd.s32 s1, s30  }
0xbb: {  	s0 =	sor.u32 s3, s0;
	s1 =	sshll.u32 s1, $0x11  }
0xbc: {  	s0 =	sor.u32 s1, s0  }
0xbd: {  	s0 =	sadd.s32 $0x8F2B, s0  }
0xbe: {  	[sflag:s0] =	ssyncadd.remote.s32 $0x1  }
0xbf: {  	_ =	sfence.sel $0xFFFF  }
0xc0: {  	[dreg:$0x0] =	wrdreg $0xFFFFFFFF;
	(pc) =	sbr.abs _section_cstart, $3  }
0xc1: {  	[dreg:$0x1] =	wrdreg $0xFFFFFFFF  }
0xc2: {  	_ =	task.clear_ibuf [dreg:s7], $0x2FFFF;
	_ =	strace $0x9FFFFFFF  }
0xc3: {  	(tm) =	ssettm $0x7FFFFFFF  }
tec
execute0_lowered:
.L_overlay_start_1:
0x0: {  	(tag) =	ssettag $0x1  }
0x1: {  	s1 =	rddreg [dreg:$0x0]  }
0x2: {  	s0 =	rddreg [dreg:$0x1]  }
0x3: {  	s2 =	rddreg [dreg:$0x2]  }
0x4: {  	s3 =	srdreg.scid;
	s4 =	simm.s32 $0x0;
	s14 =	stileid.u32  }
0x5: {  	s15 =	simm.s32 $0x1400;
	s17 =	simm.s32 $0x4;
	s18 =	simm.s32 $0x1  }
0x6: {  	s19 =	simm.s32 $0x80;
	s20 =	simm.s32 $0x2800;
	s21 =	simm.s32 $0x6800  }
0x7: {  	s22 =	simm.s32 $0x2;
	s23 =	simm.s32 $0x3;
	s30 =	simm.s32 $0x1700  }
0x8: {  	s31 =	simm.s32 $0x380;
	s3 =	sand.u32 $0x1, s3;
	[smem:$0x7FF] =	sst s4  }
0x9: {  	s8 =	smul.u32 $0x14000, s14;
	s9 =	sadd.s32 $0x2200, s0;
	s10 =	sadd.s32 $0xB200, s0  }
0xa: {  	s11 =	smul.u32 $0x50000, s14;
	s28 =	sshll.u32 s14, $0x6;
	s5 =	sshll.u32 s3, $0x4  }
0xb: {  	s7 =	smul.u32 $0x140000, s3;
	_ =	strace $0x8000004D;
	s3 =	ssub.s32 $0x2, s3  }
0xc: {  	s6 =	sor.u32 s14, s5;
	s25 =	sshrl.u32 s3, $0x1;
	s26 =	sshrl.u32 s11, $0x2  }
0xd: {  	s5 =	sshll.u32 s6, $0x7;
	s7 =	sadd.s32 s8, s7;
	s24 =	smul.u32 $0x480, s6  }
0xe: {  	s13 =	smul.u32 $0x2400, s6;
	s3 =	ssub.s32 s3, s25;
	s16 =	sadd.s32 s26, s2  }
0xf: {  	s8 =	sor.u32 $0x1C04, s28;
	s12 =	sadd.s32 s5, s0;
	s5 =	sadd.s32 $0x17200, s0  }
0x10: {  	s7 =	sshrl.u32 s7, $0x3;
	s14 =	smax.u32 s3, $0x1;
	s16 =	sshrl.u32 s16, $0x3  }
0x11: {  	s3 =	simm.s32 $0x0;
	s0 =	sadd.s32 s7, s0;
	s6 =	sadd.s32 s9, s24  }
0x12: {  	s7 =	sadd.s32 s10, s24;
	s13 =	sshrl.u32 s13, $0x3;
	s11 =	sadd.s32 $0x16200, s12  }
0x13: {  	s12 =	sadd.s32 $0x15200, s12;
	s29 =	sadd.s32 $0x280, s13;
	s13 =	sadd.s32 $0x19A00, s0  }
0x14: {  	s0 =	simm.s32 $0x1780;
	s9 =	sadd.s32 s9, s29;
	s10 =	sadd.s32 s10, s29  }
.LBB2_1:
0x15: {  	[tilespmem:s4], [sflag:$0x1] =	stream.linear.gather [hbm4b:s6+s4], $0x1400, $0x38;
	[tilespmem:$0x1E800] =	vst v63  }
0x16: {  	_ = 	snop  }
0x17: {  	[tilespmem:s15], [sflag:$0x1] =	stream.linear.gather [hbm4b:s7+s4], $0x1400, $0x38;
	[tilespmem:$0x1E800] =	vst v63  }
0x18: {  	[spmem:s16], [sflag:s8] =	dma.local [hbm:s5], $0x2800  }
0x19: {  	_ =	swait.ge [sflag:s17], $0x2800  }
0x1a: {  	[sflag:s17] =	ssyncset.done $0x0  }
0x1b: {  	[sflag:s17] =	ssyncadd.s32 $0xFFFFD800  }
0x1c: {  	[bflag:$0x0] =	sbarrier.arrive $0xFFFF  }
0x1d: {  	_ =	swait.ge [sflag:s18], $0x1400  }
0x1e: {  	[sflag:s18] =	ssyncset.done $0x0  }
0x1f: {  	[sflag:s18] =	ssyncadd.s32 $0xFFFFEC00  }
0x20: {  	_ =	swait.ge [sflag:s18], $0x1400  }
0x21: {  	[sflag:s18] =	ssyncset.done $0x0  }
0x22: {  	[sflag:s18] =	ssyncadd.s32 $0xFFFFEC00  }
0x23: {  	[tilespmem:s20], [sflag:$0x4] =	stream.indirect.gather [hbm4b:s1+s19], $0x80, s4, s19, $0xb8;
	[tilespmem:$0x1E800] =	vst v63  }
0x24: {  	_ =	swait.ge [sflag:s17], $0x4000  }
0x25: {  	[sflag:s17] =	ssyncset.done $0x0  }
0x26: {  	[sflag:s17] =	ssyncadd.s32 $0xFFFFC000  }
0x27: {  	[spmem:s2] =	stream.indirect.scatter.add.f32 [tilespmem:s20], [sflag:$0x2], $0x80, s15, s19, $0xb8;
	[tilespmem:$0x1E800] =	vst v63  }
0x28: {  	s24 =	simm.s32 $0x80  }
0x29: {  	[tilespmem:s21], [sflag:$0x4] =	stream.indirect.gather [hbm4b:s1+s19], $0x80, s24, s19, $0xb8;
	[tilespmem:$0x1E800] =	vst v63  }
0x2a: {  	_ =	swait.ge [sflag:s17], $0x4000  }
0x2b: {  	[sflag:s17] =	ssyncset.done $0x0  }
0x2c: {  	[sflag:s17] =	ssyncadd.s32 $0xFFFFC000  }
0x2d: {  	_ =	swait.ge [sflag:s22], $0x4000  }
0x2e: {  	[sflag:s22] =	ssyncset.done $0x0  }
0x2f: {  	s28 =	simm.s32 $0x1480;
	[sflag:s22] =	ssyncadd.s32 $0xFFFFC000  }
0x30: {  	[spmem:s2] =	stream.indirect.scatter.add.f32 [tilespmem:s21], [sflag:$0x3], $0x80, s28, s19, $0xb8;
	[tilespmem:$0x1E800] =	vst v63  }
0x31: {  	s29 =	simm.s32 $0x100  }
0x32: {  	[tilespmem:s20], [sflag:$0x4] =	stream.indirect.gather [hbm4b:s1+s19], $0x80, s29, s19, $0xb8;
	[tilespmem:$0x1E800] =	vst v63  }
0x33: {  	_ =	swait.ge [sflag:s17], $0x4000  }
0x34: {  	[sflag:s17] =	ssyncset.done $0x0  }
0x35: {  	[sflag:s17] =	ssyncadd.s32 $0xFFFFC000  }
0x36: {  	_ =	swait.ge [sflag:s23], $0x4000  }
0x37: {  	s25 =	simm.s32 $0xFFFFBC00;
	[sflag:s23] =	ssyncset.done $0x0  }
0x38: {  	s26 =	simm.s32 $0x1500;
	s24 =	simm.s32 $0xFFFFEE00;
	[sflag:s23] =	ssyncadd.s32 $0xFFFFC000  }
.LBB2_2:
0x39: {  	[spmem:s2] =	stream.indirect.scatter.add.f32 [tilespmem:s20], [sflag:$0x2], $0x80, s26, s19, $0xb8;
	[tilespmem:$0x1E800] =	vst v63  }
0x3a: {  	s26 =	smov.u32 s25  }
0x3b: {  	s29 =	sadd.s32 $0x400, s25;
	s28 =	sshra.s32 s26, $0x2;
	s26 =	sadd.s32 $0x1380, s24  }
0x3c: {  	[tilespmem:s21], [sflag:$0x4] =	stream.indirect.gather [hbm4b:s1+s19], $0x80, s26, s19, $0xb8;
	[tilespmem:$0x1E800] =	vst v63  }
0x3d: {  	p0 =	sne.s32 s25, $0xFFFFFC00;
	_ =	swait.ge [sflag:s17], $0x4000  }
0x3e: {  	[sflag:s17] =	ssyncset.done $0x0  }
0x3f: {  	[sflag:s17] =	ssyncadd.s32 $0xFFFFC000  }
0x40: {  	_ =	swait.ge [sflag:s22], $0x4000  }
0x41: {  	[sflag:s22] =	ssyncset.done $0x0  }
0x42: {  	s25 =	sadd.s32 $0x2780, s24;
	[sflag:s22] =	ssyncadd.s32 $0xFFFFC000  }
0x43: {  	[spmem:s2] =	stream.indirect.scatter.add.f32 [tilespmem:s21], [sflag:$0x3], $0x80, s25, s19, $0xb8;
	[tilespmem:$0x1E800] =	vst v63  }
0x44: {  	s25 =	sadd.s32 $0x1400, s24  }
0x45: {  	[tilespmem:s20], [sflag:$0x4] =	stream.indirect.gather [hbm4b:s1+s19], $0x80, s25, s19, $0xb8;
	[tilespmem:$0x1E800] =	vst v63  }
0x46: {  	_ =	swait.ge [sflag:s17], $0x4000  }
.Ltmp0:
0x47: {  	[sflag:s17] =	ssyncset.done $0x0;
	(pc) =	sbr.rel @p0 .LBB2_2-.Ltmp0, $4  }
0x48: {  	[sflag:s17] =	ssyncadd.s32 $0xFFFFC000  }
0x49: {  	_ =	swait.ge [sflag:s23], $0x4000  }
0x4a: {  	s26 =	sadd.s32 $0x2800, s24;
	[sflag:s23] =	ssyncset.done $0x0  }
0x4b: {  	s24 =	smov.u32 s28;
	s25 =	smov.u32 s29;
	[sflag:s23] =	ssyncadd.s32 $0xFFFFC000  }
0x4c: {  	[spmem:s2] =	stream.indirect.scatter.add.f32 [tilespmem:s20], [sflag:$0x2], $0x80, s26, s19, $0xb8;
	[tilespmem:$0x1E800] =	vst v63  }
0x4d: {  	s25 =	sadd.s32 $0x1380, s24  }
0x4e: {  	[tilespmem:s21], [sflag:$0x4] =	stream.indirect.gather [hbm4b:s1+s19], $0x80, s25, s19, $0xb8;
	[tilespmem:$0x1E800] =	vst v63  }
0x4f: {  	_ =	swait.ge [sflag:s17], $0x4000  }
0x50: {  	[sflag:s17] =	ssyncset.done $0x0  }
0x51: {  	[sflag:s17] =	ssyncadd.s32 $0xFFFFC000  }
0x52: {  	_ =	swait.ge [sflag:s22], $0x4000  }
0x53: {  	[sflag:s22] =	ssyncset.done $0x0  }
0x54: {  	s29 =	sadd.s32 $0x2780, s24;
	[sflag:s22] =	ssyncadd.s32 $0xFFFFC000  }
0x55: {  	[spmem:s2] =	stream.indirect.scatter.add.f32 [tilespmem:s21], [sflag:$0x3], $0x80, s29, s19, $0xb8;
	[tilespmem:$0x1E800] =	vst v63  }
0x56: {  	s26 =	sadd.s32 $0x1400, s24  }
0x57: {  	[tilespmem:s20], [sflag:$0x4] =	stream.indirect.gather [hbm4b:s1+s19], $0x80, s26, s19, $0xb8;
	[tilespmem:$0x1E800] =	vst v63  }
0x58: {  	_ =	swait.ge [sflag:s17], $0x4000  }
0x59: {  	[sflag:s17] =	ssyncset.done $0x0  }
0x5a: {  	[sflag:s17] =	ssyncadd.s32 $0xFFFFC000  }
0x5b: {  	_ =	swait.ge [sflag:s23], $0x4000  }
0x5c: {  	[sflag:s23] =	ssyncset.done $0x0  }
0x5d: {  	s28 =	sadd.s32 $0x2800, s24;
	[sflag:s23] =	ssyncadd.s32 $0xFFFFC000  }
0x5e: {  	[spmem:s2] =	stream.indirect.scatter.add.f32 [tilespmem:s20], [sflag:$0x2], $0x80, s28, s19, $0xb8;
	[tilespmem:$0x1E800] =	vst v63  }
0x5f: {  	s29 =	simm.s32 $0x1380  }
0x60: {  	[tilespmem:s21], [sflag:$0x4] =	stream.indirect.gather [hbm4b:s1+s19], $0x80, s29, s19, $0xb8;
	[tilespmem:$0x1E800] =	vst v63  }
0x61: {  	_ =	swait.ge [sflag:s17], $0x4000  }
0x62: {  	[sflag:s17] =	ssyncset.done $0x0  }
0x63: {  	[sflag:s17] =	ssyncadd.s32 $0xFFFFC000  }
0x64: {  	_ =	swait.ge [sflag:s22], $0x4000  }
0x65: {  	[sflag:s22] =	ssyncset.done $0x0  }
0x66: {  	s25 =	simm.s32 $0x2780;
	[sflag:s22] =	ssyncadd.s32 $0xFFFFC000  }
0x67: {  	[spmem:s2] =	stream.indirect.scatter.add.f32 [tilespmem:s21], [sflag:$0x3], $0x80, s25, s19, $0xb8;
	[tilespmem:$0x1E800] =	vst v63  }
0x68: {  	_ =	swait.ge [sflag:s23], $0x4000  }
0x69: {  	[sflag:s23] =	ssyncset.done $0x0  }
0x6a: {  	[sflag:s23] =	ssyncadd.s32 $0xFFFFC000  }
0x6b: {  	[tilespmem:s4], [sflag:$0x1] =	stream.linear.gather [hbm4b:s9+s4], $0x1000, $0x38;
	[tilespmem:$0x1E800] =	vst v63  }
0x6c: {  	_ = 	snop  }
0x6d: {  	[tilespmem:s15], [sflag:$0x1] =	stream.linear.gather [hbm4b:s10+s4], $0x1000, $0x38;
	[tilespmem:$0x1E800] =	vst v63  }
0x6e: {  	_ =	swait.ge [sflag:s18], $0x1000  }
0x6f: {  	[sflag:s18] =	ssyncset.done $0x0  }
0x70: {  	[sflag:s18] =	ssyncadd.s32 $0xFFFFF000  }
0x71: {  	_ =	swait.ge [sflag:s18], $0x1000  }
0x72: {  	[sflag:s18] =	ssyncset.done $0x0  }
0x73: {  	[sflag:s18] =	ssyncadd.s32 $0xFFFFF000  }
0x74: {  	[tilespmem:s20], [sflag:$0x4] =	stream.indirect.gather [hbm4b:s1+s19], $0x80, s4, s19, $0xb8;
	[tilespmem:$0x1E800] =	vst v63  }
0x75: {  	_ =	swait.ge [sflag:s17], $0x4000  }
0x76: {  	[sflag:s17] =	ssyncset.done $0x0  }
0x77: {  	[sflag:s17] =	ssyncadd.s32 $0xFFFFC000  }
0x78: {  	[spmem:s2] =	stream.indirect.scatter.add.f32 [tilespmem:s20], [sflag:$0x2], $0x80, s15, s19, $0xb8;
	[tilespmem:$0x1E800] =	vst v63  }
0x79: {  	s26 =	simm.s32 $0x80  }
0x7a: {  	[tilespmem:s21], [sflag:$0x4] =	stream.indirect.gather [hbm4b:s1+s19], $0x80, s26, s19, $0xb8;
	[tilespmem:$0x1E800] =	vst v63  }
0x7b: {  	_ =	swait.ge [sflag:s17], $0x4000  }
0x7c: {  	[sflag:s17] =	ssyncset.done $0x0  }
0x7d: {  	[sflag:s17] =	ssyncadd.s32 $0xFFFFC000  }
0x7e: {  	_ =	swait.ge [sflag:s22], $0x4000  }
0x7f: {  	[sflag:s22] =	ssyncset.done $0x0  }
0x80: {  	s28 =	simm.s32 $0x1480;
	[sflag:s22] =	ssyncadd.s32 $0xFFFFC000  }
0x81: {  	[spmem:s2] =	stream.indirect.scatter.add.f32 [tilespmem:s21], [sflag:$0x3], $0x80, s28, s19, $0xb8;
	[tilespmem:$0x1E800] =	vst v63  }
0x82: {  	s29 =	simm.s32 $0x100  }
0x83: {  	[tilespmem:s20], [sflag:$0x4] =	stream.indirect.gather [hbm4b:s1+s19], $0x80, s29, s19, $0xb8;
	[tilespmem:$0x1E800] =	vst v63  }
0x84: {  	_ =	swait.ge [sflag:s17], $0x4000  }
0x85: {  	[sflag:s17] =	ssyncset.done $0x0  }
0x86: {  	[sflag:s17] =	ssyncadd.s32 $0xFFFFC000  }
0x87: {  	_ =	swait.ge [sflag:s23], $0x4000  }
0x88: {  	s24 =	simm.s32 $0xFFFFF200;
	[sflag:s23] =	ssyncset.done $0x0  }
0x89: {  	s25 =	simm.s32 $0xFFFFCC00;
	s26 =	simm.s32 $0x1500;
	[sflag:s23] =	ssyncadd.s32 $0xFFFFC000  }
.LBB2_4:
0x8a: {  	[spmem:s2] =	stream.indirect.scatter.add.f32 [tilespmem:s20], [sflag:$0x2], $0x80, s26, s19, $0xb8;
	[tilespmem:$0x1E800] =	vst v63  }
0x8b: {  	s26 =	smov.u32 s25  }
0x8c: {  	s29 =	sadd.s32 $0x400, s25;
	s28 =	sshra.s32 s26, $0x2;
	s26 =	sadd.s32 $0xF80, s24  }
0x8d: {  	[tilespmem:s21], [sflag:$0x4] =	stream.indirect.gather [hbm4b:s1+s19], $0x80, s26, s19, $0xb8;
	[tilespmem:$0x1E800] =	vst v63  }
0x8e: {  	p0 =	sne.s32 s25, $0xFFFFFC00;
	_ =	swait.ge [sflag:s17], $0x4000  }
0x8f: {  	[sflag:s17] =	ssyncset.done $0x0  }
0x90: {  	[sflag:s17] =	ssyncadd.s32 $0xFFFFC000  }
0x91: {  	_ =	swait.ge [sflag:s22], $0x4000  }
0x92: {  	[sflag:s22] =	ssyncset.done $0x0  }
0x93: {  	s25 =	sadd.s32 $0x2380, s24;
	[sflag:s22] =	ssyncadd.s32 $0xFFFFC000  }
0x94: {  	[spmem:s2] =	stream.indirect.scatter.add.f32 [tilespmem:s21], [sflag:$0x3], $0x80, s25, s19, $0xb8;
	[tilespmem:$0x1E800] =	vst v63  }
0x95: {  	s25 =	sadd.s32 $0x1000, s24  }
0x96: {  	[tilespmem:s20], [sflag:$0x4] =	stream.indirect.gather [hbm4b:s1+s19], $0x80, s25, s19, $0xb8;
	[tilespmem:$0x1E800] =	vst v63  }
0x97: {  	_ =	swait.ge [sflag:s17], $0x4000  }
.Ltmp1:
0x98: {  	[sflag:s17] =	ssyncset.done $0x0;
	(pc) =	sbr.rel @p0 .LBB2_4-.Ltmp1, $4  }
0x99: {  	[sflag:s17] =	ssyncadd.s32 $0xFFFFC000  }
0x9a: {  	_ =	swait.ge [sflag:s23], $0x4000  }
0x9b: {  	s26 =	sadd.s32 $0x2400, s24;
	[sflag:s23] =	ssyncset.done $0x0  }
0x9c: {  	s24 =	smov.u32 s28;
	s25 =	smov.u32 s29;
	[sflag:s23] =	ssyncadd.s32 $0xFFFFC000  }
0x9d: {  	[spmem:s2] =	stream.indirect.scatter.add.f32 [tilespmem:s20], [sflag:$0x2], $0x80, s26, s19, $0xb8;
	[tilespmem:$0x1E800] =	vst v63  }
0x9e: {  	s25 =	sadd.s32 $0xF80, s24  }
0x9f: {  	[tilespmem:s21], [sflag:$0x4] =	stream.indirect.gather [hbm4b:s1+s19], $0x80, s25, s19, $0xb8;
	[tilespmem:$0x1E800] =	vst v63  }
0xa0: {  	_ =	swait.ge [sflag:s17], $0x4000  }
0xa1: {  	[sflag:s17] =	ssyncset.done $0x0  }
0xa2: {  	[sflag:s17] =	ssyncadd.s32 $0xFFFFC000  }
0xa3: {  	_ =	swait.ge [sflag:s22], $0x4000  }
0xa4: {  	[sflag:s22] =	ssyncset.done $0x0  }
0xa5: {  	s26 =	sadd.s32 $0x2380, s24;
	[sflag:s22] =	ssyncadd.s32 $0xFFFFC000  }
0xa6: {  	[spmem:s2] =	stream.indirect.scatter.add.f32 [tilespmem:s21], [sflag:$0x3], $0x80, s26, s19, $0xb8;
	[tilespmem:$0x1E800] =	vst v63  }
0xa7: {  	s28 =	sadd.s32 $0x1000, s24  }
0xa8: {  	[tilespmem:s20], [sflag:$0x4] =	stream.indirect.gather [hbm4b:s1+s19], $0x80, s28, s19, $0xb8;
	[tilespmem:$0x1E800] =	vst v63  }
0xa9: {  	_ =	swait.ge [sflag:s17], $0x4000  }
0xaa: {  	[sflag:s17] =	ssyncset.done $0x0  }
0xab: {  	[sflag:s17] =	ssyncadd.s32 $0xFFFFC000  }
0xac: {  	_ =	swait.ge [sflag:s23], $0x4000  }
0xad: {  	[sflag:s23] =	ssyncset.done $0x0  }
0xae: {  	s29 =	sadd.s32 $0x2400, s24;
	[sflag:s23] =	ssyncadd.s32 $0xFFFFC000  }
0xaf: {  	[spmem:s2] =	stream.indirect.scatter.add.f32 [tilespmem:s20], [sflag:$0x2], $0x80, s29, s19, $0xb8;
	[tilespmem:$0x1E800] =	vst v63  }
0xb0: {  	s25 =	simm.s32 $0xF80  }
0xb1: {  	[tilespmem:s21], [sflag:$0x4] =	stream.indirect.gather [hbm4b:s1+s19], $0x80, s25, s19, $0xb8;
	[tilespmem:$0x1E800] =	vst v63  }
0xb2: {  	_ =	swait.ge [sflag:s17], $0x4000  }
0xb3: {  	[sflag:s17] =	ssyncset.done $0x0  }
0xb4: {  	[sflag:s17] =	ssyncadd.s32 $0xFFFFC000  }
0xb5: {  	_ =	swait.ge [sflag:s22], $0x4000  }
0xb6: {  	[sflag:s22] =	ssyncset.done $0x0  }
0xb7: {  	s26 =	simm.s32 $0x2380;
	[sflag:s22] =	ssyncadd.s32 $0xFFFFC000  }
0xb8: {  	[spmem:s2] =	stream.indirect.scatter.add.f32 [tilespmem:s21], [sflag:$0x3], $0x80, s26, s19, $0xb8;
	[tilespmem:$0x1E800] =	vst v63  }
0xb9: {  	_ =	swait.ge [sflag:s23], $0x4000  }
0xba: {  	[sflag:s23] =	ssyncset.done $0x0  }
0xbb: {  	[sflag:s23] =	ssyncadd.s32 $0xFFFFC000  }
0xbc: {  	[tilespmem:s4], [sflag:$0x1] =	stream.linear.gather [hbm4b:s11+s4], $0x400, $0x38;
	[tilespmem:$0x1E800] =	vst v63  }
0xbd: {  	_ = 	snop  }
0xbe: {  	[tilespmem:s15], [sflag:$0x1] =	stream.linear.gather [hbm4b:s12+s4], $0x400, $0x38;
	[tilespmem:$0x1E800] =	vst v63  }
0xbf: {  	_ =	swait.ge [sflag:s18], $0x400  }
0xc0: {  	[sflag:s18] =	ssyncset.done $0x0  }
0xc1: {  	[sflag:s18] =	ssyncadd.s32 $0xFFFFFC00  }
0xc2: {  	_ =	swait.ge [sflag:s18], $0x400  }
0xc3: {  	[sflag:s18] =	ssyncset.done $0x0  }
0xc4: {  	[sflag:s18] =	ssyncadd.s32 $0xFFFFFC00  }
0xc5: {  	[tilespmem:s20], [sflag:$0x4] =	stream.indirect.gather [hbm4b:s1+s19], $0x80, s4, s19, $0xb8;
	[tilespmem:$0x1E800] =	vst v63  }
0xc6: {  	_ =	swait.ge [sflag:s17], $0x4000  }
0xc7: {  	[sflag:s17] =	ssyncset.done $0x0  }
0xc8: {  	[sflag:s17] =	ssyncadd.s32 $0xFFFFC000  }
0xc9: {  	[spmem:s2] =	stream.indirect.scatter.add.f32 [tilespmem:s20], [sflag:$0x2], $0x80, s15, s19, $0xb8;
	[tilespmem:$0x1E800] =	vst v63  }
0xca: {  	_ = 	snop  }
0xcb: {  	[tilespmem:s21], [sflag:$0x4] =	stream.indirect.gather [hbm4b:s1+s19], $0x80, s19, s19, $0xb8;
	[tilespmem:$0x1E800] =	vst v63  }
0xcc: {  	_ =	swait.ge [sflag:s17], $0x4000  }
0xcd: {  	[sflag:s17] =	ssyncset.done $0x0  }
0xce: {  	[sflag:s17] =	ssyncadd.s32 $0xFFFFC000  }
0xcf: {  	_ =	swait.ge [sflag:s22], $0x4000  }
0xd0: {  	[sflag:s22] =	ssyncset.done $0x0  }
0xd1: {  	s28 =	simm.s32 $0x1480;
	[sflag:s22] =	ssyncadd.s32 $0xFFFFC000  }
0xd2: {  	[spmem:s2] =	stream.indirect.scatter.add.f32 [tilespmem:s21], [sflag:$0x3], $0x80, s28, s19, $0xb8;
	[tilespmem:$0x1E800] =	vst v63  }
0xd3: {  	s29 =	simm.s32 $0x100  }
0xd4: {  	[tilespmem:s20], [sflag:$0x4] =	stream.indirect.gather [hbm4b:s1+s19], $0x80, s29, s19, $0xb8;
	[tilespmem:$0x1E800] =	vst v63  }
0xd5: {  	_ =	swait.ge [sflag:s17], $0x4000  }
0xd6: {  	[sflag:s17] =	ssyncset.done $0x0  }
0xd7: {  	[sflag:s17] =	ssyncadd.s32 $0xFFFFC000  }
0xd8: {  	_ =	swait.ge [sflag:s23], $0x4000  }
0xd9: {  	[sflag:s23] =	ssyncset.done $0x0  }
0xda: {  	s25 =	simm.s32 $0x1500;
	[sflag:s23] =	ssyncadd.s32 $0xFFFFC000  }
0xdb: {  	[spmem:s2] =	stream.indirect.scatter.add.f32 [tilespmem:s20], [sflag:$0x2], $0x80, s25, s19, $0xb8;
	[tilespmem:$0x1E800] =	vst v63  }
0xdc: {  	s26 =	simm.s32 $0x180  }
0xdd: {  	[tilespmem:s21], [sflag:$0x4] =	stream.indirect.gather [hbm4b:s1+s19], $0x80, s26, s19, $0xb8;
	[tilespmem:$0x1E800] =	vst v63  }
0xde: {  	_ =	swait.ge [sflag:s17], $0x4000  }
0xdf: {  	[sflag:s17] =	ssyncset.done $0x0  }
0xe0: {  	[sflag:s17] =	ssyncadd.s32 $0xFFFFC000  }
0xe1: {  	_ =	swait.ge [sflag:s22], $0x4000  }
0xe2: {  	[sflag:s22] =	ssyncset.done $0x0  }
0xe3: {  	s28 =	simm.s32 $0x1580;
	[sflag:s22] =	ssyncadd.s32 $0xFFFFC000  }
0xe4: {  	[spmem:s2] =	stream.indirect.scatter.add.f32 [tilespmem:s21], [sflag:$0x3], $0x80, s28, s19, $0xb8;
	[tilespmem:$0x1E800] =	vst v63  }
0xe5: {  	s29 =	simm.s32 $0x200  }
0xe6: {  	[tilespmem:s20], [sflag:$0x4] =	stream.indirect.gather [hbm4b:s1+s19], $0x80, s29, s19, $0xb8;
	[tilespmem:$0x1E800] =	vst v63  }
0xe7: {  	_ =	swait.ge [sflag:s17], $0x4000  }
0xe8: {  	[sflag:s17] =	ssyncset.done $0x0  }
0xe9: {  	[sflag:s17] =	ssyncadd.s32 $0xFFFFC000  }
0xea: {  	_ =	swait.ge [sflag:s23], $0x4000  }
0xeb: {  	[sflag:s23] =	ssyncset.done $0x0  }
0xec: {  	s25 =	simm.s32 $0x1600;
	[sflag:s23] =	ssyncadd.s32 $0xFFFFC000  }
0xed: {  	[spmem:s2] =	stream.indirect.scatter.add.f32 [tilespmem:s20], [sflag:$0x2], $0x80, s25, s19, $0xb8;
	[tilespmem:$0x1E800] =	vst v63  }
0xee: {  	s26 =	simm.s32 $0x280  }
0xef: {  	[tilespmem:s21], [sflag:$0x4] =	stream.indirect.gather [hbm4b:s1+s19], $0x80, s26, s19, $0xb8;
	[tilespmem:$0x1E800] =	vst v63  }
0xf0: {  	_ =	swait.ge [sflag:s17], $0x4000  }
0xf1: {  	[sflag:s17] =	ssyncset.done $0x0  }
0xf2: {  	[sflag:s17] =	ssyncadd.s32 $0xFFFFC000  }
0xf3: {  	_ =	swait.ge [sflag:s22], $0x4000  }
0xf4: {  	[sflag:s22] =	ssyncset.done $0x0  }
0xf5: {  	s28 =	simm.s32 $0x1680;
	[sflag:s22] =	ssyncadd.s32 $0xFFFFC000  }
0xf6: {  	[spmem:s2] =	stream.indirect.scatter.add.f32 [tilespmem:s21], [sflag:$0x3], $0x80, s28, s19, $0xb8;
	[tilespmem:$0x1E800] =	vst v63  }
0xf7: {  	s29 =	simm.s32 $0x300  }
0xf8: {  	[tilespmem:s20], [sflag:$0x4] =	stream.indirect.gather [hbm4b:s1+s19], $0x80, s29, s19, $0xb8;
	[tilespmem:$0x1E800] =	vst v63  }
0xf9: {  	_ =	swait.ge [sflag:s17], $0x4000  }
0xfa: {  	[sflag:s17] =	ssyncset.done $0x0  }
0xfb: {  	[sflag:s17] =	ssyncadd.s32 $0xFFFFC000  }
0xfc: {  	_ =	swait.ge [sflag:s23], $0x4000  }
0xfd: {  	[sflag:s23] =	ssyncset.done $0x0  }
0xfe: {  	[sflag:s23] =	ssyncadd.s32 $0xFFFFC000  }
0xff: {  	[spmem:s2] =	stream.indirect.scatter.add.f32 [tilespmem:s20], [sflag:$0x2], $0x80, s30, s19, $0xb8;
	[tilespmem:$0x1E800] =	vst v63  }
0x100: {  	_ = 	snop  }
0x101: {  	[tilespmem:s21], [sflag:$0x4] =	stream.indirect.gather [hbm4b:s1+s19], $0x80, s31, s19, $0xb8;
	[tilespmem:$0x1E800] =	vst v63  }
0x102: {  	_ =	swait.ge [sflag:s17], $0x4000  }
0x103: {  	[sflag:s17] =	ssyncset.done $0x0  }
0x104: {  	[sflag:s17] =	ssyncadd.s32 $0xFFFFC000  }
0x105: {  	_ =	swait.ge [sflag:s22], $0x4000  }
0x106: {  	[sflag:s22] =	ssyncset.done $0x0  }
0x107: {  	[sflag:s22] =	ssyncadd.s32 $0xFFFFC000  }
0x108: {  	[spmem:s2] =	stream.indirect.scatter.add.f32 [tilespmem:s21], [sflag:$0x3], $0x80, s0, s19, $0xb8;
	[tilespmem:$0x1E800] =	vst v63  }
0x109: {  	_ =	swait.ge [sflag:s23], $0x4000  }
0x10a: {  	s3 =	sadd.s32 $0x1, s3;
	[sflag:s23] =	ssyncset.done $0x0  }
0x10b: {  	p0 =	sne.s32 s3, s14;
	[sflag:s23] =	ssyncadd.s32 $0xFFFFC000  }
.Ltmp2:
0x10c: {  	[bflag:$0x0] =	sbarrier.arrive $0xFFFF;
	(pc) =	sbr.rel @p0 .LBB2_1-.Ltmp2, $4  }
0x10d: {  	[hbm:s13], [sflag:s8] =	dma.local [spmem:s16], $0x2800  }
0x10e: {  	_ =	swait.ge [sflag:s17], $0x2800  }
0x10f: {  	[sflag:s17] =	ssyncset.done $0x0  }
0x110: {  	[sflag:s17] =	ssyncadd.s32 $0xFFFFD800  }
0x111: {  	_ =	sfence.sel $0x180000  }
0x112: {  	[bflag:$0x0] =	sbarrier.arrive $0xFFFF  }
0x113: {  	_ =	strace $0x9000004D  }
0x114: {  	s0 =	stileid.u32;
	[bflag:$0x2] =	sbarrier.arrive $0xFFFF  }
0x115: {  	p0 =	sne.s32 s0, $0x0;
	s0 =	rddreg [dreg:$0x3]  }
0x116: {  	s0 =	sadd.s32 @!p0 $0x100000, s0  }
0x117: {  	[sflag:s0] =	ssyncadd.tile.s32 @!p0 $0x1;
	_ =	shalt  }
.Lfunc_end2:
_tile_overlayer_lowered:
.L_overlay_start_2:
0x118: {  	(tag) =	ssettag $0x2  }
0x119: {  	s0 =	rddreg [dreg:$0x0];
	s2 =	stileid.u32  }
0x11a: {  	s1 =	rddreg [dreg:$0x1];
	p0 =	sne.s32 s2, $0x0  }
0x11b: {  	s3 =	rddreg [dreg:$0x2];
	[bflag:$0x3] =	sbarrier.arrive $0xFFFF;
	s2 =	simm.s32 @!p0 $0x1C04  }
0x11c: {  	[timem:s3], [sflag:s2] =	dma.local @!p0 [hbm:s0], s1  }
0x11d: {  	s0 =	simm.s32 @!p0 $0x4  }
0x11e: {  	_ =	swait.ge @!p0 [sflag:s0], s1  }
0x11f: {  	s1 =	ssub.s32 @!p0 $0x0, s1;
	[sflag:s0] =	ssyncset.done @!p0 $0x0  }
0x120: {  	[sflag:s0] =	ssyncadd.s32 @!p0 s1  }
0x121: {  	[bflag:$0x3] =	sbarrier.arrive $0xFFFF  }
0x122: {  	_ =	shalt  }

// kernel: kernel.8.cloned.1.call-start
scs
__scs_entry_jumppad:
0x0: {  	(pc) =	sbr.rel $0x88, $3  }
0x1: {  	(tag) =	ssettag $0x0;
	lr =	simm.s32 $0x1  }
0x2: {  	[smem:$0x3F9B] =	sst lr;
	_ =	strace $0xD0000000  }
0x3: {  	_ = 	snop  }
0x4: {  	_ = 	snop  }
0x5: {  	_ = 	snop  }
0x6: {  	_ = 	snop  }
0x7: {  	_ = 	snop  }
__scs_overlays_trampoline_lowered:
0x8: {  	[smem:$0x3FAA] =	sst s0  }
0x9: {  	[smem:$0x3FAB] =	sst s1  }
0xa: {  	[smem:$0x3FAC] =	sst s2  }
0xb: {  	[smem:$0x3FAD] =	sst s3  }
0xc: {  	[smem:$0x3FAE] =	sst s4  }
0xd: {  	[smem:$0x3FAF] =	sst s5  }
0xe: {  	[smem:$0x3FB0] =	sst s6  }
0xf: {  	[smem:$0x3FB1] =	sst s7  }
0x10: {  	[smem:$0x3FB2] =	sst s8  }
0x11: {  	[smem:$0x3FB3] =	sst s9;
	s0 =	simm.s32 @!p0 $0x0  }
0x12: {  	s1 =	sld [smem:$0x3F99];
	s0 =	simm.s32 @p0 $0x1  }
0x13: {  	[smem:$0x3FB4] =	sst s0;
	s0 =	simm.s32 @!p1 $0x0  }
0x14: {  	s2 =	sld [smem:$0x3F98];
	s0 =	simm.s32 @p1 $0x1  }
0x15: {  	[smem:$0x3FB5] =	sst s0;
	s0 =	simm.s32 @!p2 $0x0  }
0x16: {  	s3 =	sld [smem:$0x3FDB];
	s0 =	simm.s32 @p2 $0x1  }
0x17: {  	s4 =	simm.s32 $0x1BF5;
	[smem:$0x3FB7] =	sst s0  }
0x18: {  	s0 =	sld [smem:$0x3F9A];
	_ =	swait.ge [sflag:s4], $0x0  }
0x19: {  	s7 =	sld [smem:$0x3F9B]  }
0x1a: {  	s8 =	sadd.s32 $0xFFFFE003, lr  }
0x1b: {  	s9 =	sadd.s32 $0xFFFFFEF7, lr;
	s5 =	simm.s32 $0xFFFFFFFF;
	p2 =	slt.u32 s8, $0xFFFFF086  }
0x1c: {  	p1 =	slt.u32 s9, $0xF7A;
	s5 =	simm.s32 @!p2 $0x0  }
0x1d: {  	s5 =	simm.s32 @p1 $0x1;
	p0 =	seq.s32 s7, s2  }
0x1e: {  	s7 =	smul.u32 @!p0 $0xF7A, s2;
	p2 =	seq.s32 @!p0 s5, $0x0  }
0x1f: {  	s9 =	smul.u32 $0xF7A, s1;
	s8 =	simm.s32 @!p0 $0x1BF5;
	p2 =	por !p2, p0  }
0x20: {  	[sflag:s8] =	ssyncset.s32 @!p0 $0xFFFFF086;
	s6 =	sadd.s32 @!p0 s3, s7;
	s7 =	simm.s32 @!p0 $0x108  }
0x21: {  	s3 =	sadd.s32 s3, s9;
	s6 =	sadd.s32 @!p0 $0x88, s6;
	s7 =	simm.s32 @p2 $0x1082  }
0x22: {  	[simem:s7], [sflag:s8] =	dma.local @!p0 [hbm:s6], $0xF7A  }
0x23: {  	s9 =	sor.u32 $0xD0000000, s2;
	s6 =	simm.s32 $0x108;
	_ =	swait.ge @!p0 [sflag:s8], $0x0  }
0x24: {  	s3 =	sadd.s32 $0x88, s3;
	s6 =	simm.s32 @!p1 $0x1082;
	[sflag:s4] =	ssyncset.s32 $0xFFFFF086  }
0x25: {  	[simem:s6], [sflag:s4] =	dma.local [hbm:s3], $0xF7A  }
0x26: {  	[smem:$0x3F9B] =	sst s1;
	(tag) =	ssettag s2;
	_ =	strace s9  }
0x27: {  	s1 =	sld [smem:$0x3FAB]  }
0x28: {  	s2 =	sld [smem:$0x3FAC]  }
0x29: {  	s4 =	sld [smem:$0x3FAE]  }
0x2a: {  	p0 =	seq.s32 s5, $0x0;
	s5 =	sld [smem:$0x3FAF]  }
0x2b: {  	s6 =	sld [smem:$0x3FB0]  }
0x2c: {  	s7 =	sld [smem:$0x3FB1]  }
0x2d: {  	s3 =	simm.s32 $0x108;
	s8 =	sld [smem:$0x3FB2]  }
0x2e: {  	s3 =	simm.s32 @!p0 $0x1082;
	s9 =	sld [smem:$0x3FB3]  }
0x2f: {  	lr =	sadd.s32 s0, s3;
	s0 =	sld [smem:$0x3FAA]  }
0x30: {  	s3 =	sld [smem:$0x3FAD]  }
0x31: {  	[smem:$0x3FB6] =	sst s10  }
0x32: {  	s10 =	sld [smem:$0x3FB4];
	_ =	sdelay $0x3  }
0x33: {  	p0 =	seq.s32 s10, $0x1;
	s10 =	sld [smem:$0x3FB6];
	_ =	sdelay $0x3  }
0x34: {  	[smem:$0x3FB6] =	sst s10  }
0x35: {  	s10 =	sld [smem:$0x3FB5];
	_ =	sdelay $0x3  }
0x36: {  	p1 =	seq.s32 s10, $0x1;
	s10 =	sld [smem:$0x3FB6];
	_ =	sdelay $0x3  }
0x37: {  	[smem:$0x3FB6] =	sst s10  }
0x38: {  	s10 =	sld [smem:$0x3FB7]  }
0x39: {  	_ = 	snop;
	(pc) =	sbr.ind lr, $3  }
0x3a: {  	_ = 	snop  }
0x3b: {  	_ = 	snop  }
0x3c: {  	p2 =	seq.s32 s10, $0x1;
	s10 =	sld [smem:$0x3FB6]  }
0x3d: {  	_ =	shalt  }
0x3e: {  	_ =	shalt  }
0x3f: {  	_ =	shalt  }
0x40: {  	_ =	shalt  }
0x41: {  	_ =	shalt  }
0x42: {  	_ =	shalt  }
0x43: {  	_ =	shalt  }
0x44: {  	_ =	shalt  }
0x45: {  	_ =	shalt  }
0x46: {  	_ =	shalt  }
0x47: {  	_ =	shalt  }
0x48: {  	_ =	shalt  }
0x49: {  	_ =	shalt  }
0x4a: {  	_ =	shalt  }
0x4b: {  	_ =	shalt  }
0x4c: {  	_ =	shalt  }
0x4d: {  	_ =	shalt  }
0x4e: {  	_ =	shalt  }
0x4f: {  	_ =	shalt  }
0x50: {  	_ =	shalt  }
0x51: {  	_ =	shalt  }
0x52: {  	_ =	shalt  }
0x53: {  	_ =	shalt  }
0x54: {  	_ =	shalt  }
0x55: {  	_ =	shalt  }
0x56: {  	_ =	shalt  }
0x57: {  	_ =	shalt  }
0x58: {  	_ =	shalt  }
0x59: {  	_ =	shalt  }
0x5a: {  	_ =	shalt  }
0x5b: {  	_ =	shalt  }
0x5c: {  	_ =	shalt  }
0x5d: {  	_ =	shalt  }
0x5e: {  	_ =	shalt  }
0x5f: {  	_ =	shalt  }
0x60: {  	_ =	shalt  }
0x61: {  	_ =	shalt  }
0x62: {  	_ =	shalt  }
0x63: {  	_ =	shalt  }
0x64: {  	_ =	shalt  }
0x65: {  	_ =	shalt  }
0x66: {  	_ =	shalt  }
0x67: {  	_ =	shalt  }
0x68: {  	_ =	shalt  }
0x69: {  	_ =	shalt  }
0x6a: {  	_ =	shalt  }
0x6b: {  	_ =	shalt  }
0x6c: {  	_ =	shalt  }
0x6d: {  	_ =	shalt  }
0x6e: {  	_ =	shalt  }
0x6f: {  	_ =	shalt  }
0x70: {  	_ =	shalt  }
0x71: {  	_ =	shalt  }
0x72: {  	_ =	shalt  }
0x73: {  	_ =	shalt  }
0x74: {  	_ =	shalt  }
0x75: {  	_ =	shalt  }
0x76: {  	_ =	shalt  }
0x77: {  	_ =	shalt  }
0x78: {  	_ =	shalt  }
0x79: {  	_ =	shalt  }
0x7a: {  	_ =	shalt  }
0x7b: {  	_ =	shalt  }
0x7c: {  	_ =	shalt  }
0x7d: {  	_ =	shalt  }
0x7e: {  	_ =	shalt  }
0x7f: {  	_ =	shalt  }
0x80: {  	_ =	shalt  }
0x81: {  	_ =	shalt  }
0x82: {  	_ =	shalt  }
0x83: {  	_ =	shalt  }
0x84: {  	_ =	shalt  }
0x85: {  	_ =	shalt  }
0x86: {  	_ =	shalt  }
0x87: {  	_ =	shalt  }
.Lfunc_end0:
.L_simem_size_0:
called_computation_lowered:
.L_overlay_start_0:
0x88: {  	s2 =	sld [smem:$0x3FD9]  }
0x89: {  	s3 =	sld [smem:$0x3FFE];
	_ =	sdelay $0x1  }
0x8a: {  	s1 =	srdreg.scid  }
0x8b: {  	s0 =	sand.u32 $0x1, s1  }
0x8c: {  	s17 =	sshll.u32 s0, $0xA;
	s2 =	sadd.s32 s3, s2  }
0x8d: {  	s2 =	sadd.s32 s2, s17  }
0x8e: {  	[smem:$0x3FC2] =	sst s2  }
0x8f: {  	_ = 	snop  }
0x90: {  	s2 =	sld [smem:$0x3FD0];
	(tm) =	ssettm $0x1  }
0x91: {  	s18 =	sld [smem:$0x3FFB];
	_ =	sdelay $0x3  }
0x92: {  	_ =	strace s18  }
0x93: {  	s3 =	sld [smem:$0x3FFC];
	_ =	sdelay $0x3  }
0x94: {  	_ =	strace s3  }
0x95: {  	s3 =	sld [smem:$0x3FFD];
	_ =	sdelay $0x3  }
0x96: {  	_ =	strace s3  }
0x97: {  	_ =	strace $0x8FFFFFFF  }
0x98: {  	s19 =	sld [smem:$0x3FDB];
	_ =	sdelay $0x1  }
0x99: {  	s4 =	simm.s32 $_scs_section_size  }
0x9a: {  	s5 =	simm.s32 $_size__tile_overlayer_lowered;
	s6 =	simm.s32 $_tile_overlayer_lowered  }
0x9b: {  	s22 =	simm.s32 $0x1BFF;
	s21 =	sshll.u32 s6, $0x1;
	s3 =	sadd.s32 s4, s19  }
0x9c: {  	s7 =	simm.s32 $0x0;
	s20 =	sshll.u32 s5, $0x1;
	s5 =	sadd.s32 s21, s3  }
0x9d: {  	[timem:s7], [sflag:s22] =	dma.local [hbm:s5], s20  }
0x9e: {  	_ =	swait.ge [sflag:s22], s20  }
0x9f: {  	s4 =	ssub.s32 $0x0, s20;
	[sflag:s22] =	ssyncset.done $0x0  }
0xa0: {  	[sflag:s22] =	ssyncadd.s32 s4;
	_ =	sdelay $0x1  }
0xa1: {  	s23 =	simm.s32 $0x1B8B  }
0xa2: {  	_ =	swait.ge [sflag:s23], $0x1  }
0xa3: {  	[sflag:s23] =	ssyncset.done $0x0  }
0xa4: {  	s25 =	simm.s32 $0x1B8E;
	s24 =	sld [smem:$0x3FFE];
	[sflag:s23] =	ssyncadd.s32 $0xFFFFFFFF  }
0xa5: {  	s26 =	simm.s32 $execute0_lowered;
	[smem:$0x3FD2] =	sst s25  }
0xa6: {  	s5 =	sshll.u32 s26, $0x1;
	_ =	strace $0x80000046;
	[dreg:$0x1] =	wrdreg $0xFFFFFFFF  }
0xa7: {  	s28 =	simm.s32 $_size_execute0_lowered;
	s3 =	sadd.s32 s3, s5;
	[dreg:$0x0] =	wrdreg $0x0  }
0xa8: {  	s5 =	sshll.u32 s28, $0x1;
	[dreg:$0x2] =	wrdreg s3  }
0xa9: {  	[dreg:$0x3] =	wrdreg s5  }
0xaa: {  	[dreg:$0x4] =	wrdreg $0xC0  }
0xab: {  	_ =	task [dreg:s7], $0x5FFFF  }
0xac: {  	[dreg:$0x1] =	wrdreg $0xFFFFFFFF  }
0xad: {  	[dreg:$0x0] =	wrdreg $0x60  }
0xae: {  	[dreg:$0x2] =	wrdreg s24  }
0xaf: {  	[dreg:$0x3] =	wrdreg s2  }
0xb0: {  	[dreg:$0x4] =	wrdreg $0x9  }
0xb1: {  	_ =	task.clear_ibuf [dreg:s7], $0x5FFFF;
	_ =	strace $0x90000046  }
0xb2: {  	s29 =	simm.s32 $0x9;
	_ =	strace $0x80000048  }
0xb3: {  	_ =	swait.ge [sflag:s29], $0x1  }
0xb4: {  	[sflag:s29] =	ssyncadd.s32 $0xFFFFFFFF  }
0xb5: {  	_ =	strace $0x90000048  }
0xb6: {  	_ =	sfence  }
0xb7: {  	s30 =	sld [smem:$0x0];
	_ =	sdelay $0x2  }
0xb8: {  	s31 =	sshll.u32 s1, $0xD;
	s1 =	sshrl.u32 s1, $0x2  }
0xb9: {  	s3 =	sand.u32 $0x4000, s31;
	s1 =	sadd.s32 s1, s30  }
0xba: {  	s0 =	sor.u32 s3, s0;
	s1 =	sshll.u32 s1, $0x11  }
0xbb: {  	s0 =	sor.u32 s1, s0  }
0xbc: {  	s0 =	sadd.s32 $0x8F2B, s0  }
0xbd: {  	[sflag:s0] =	ssyncadd.remote.s32 $0x1  }
0xbe: {  	_ =	sfence.sel $0xFFFF  }
0xbf: {  	[dreg:$0x0] =	wrdreg $0xFFFFFFFF;
	(pc) =	sbr.abs _section_cstart, $3  }
0xc0: {  	[dreg:$0x1] =	wrdreg $0xFFFFFFFF  }
0xc1: {  	_ =	task.clear_ibuf [dreg:s7], $0x2FFFF;
	_ =	strace $0x9FFFFFFF  }
0xc2: {  	(tm) =	ssettm $0x7FFFFFFF  }
0xc3: {  	_ =	shalt  }
tec
execute0_lowered:
.L_overlay_start_1:
0x0: {  	(tag) =	ssettag $0x1  }
0x1: {  	s3 =	rddreg [dreg:$0x0]  }
0x2: {  	s5 =	rddreg [dreg:$0x1]  }
0x3: {  	s1 =	srdreg.scid;
	s0 =	rddreg [dreg:$0x2]  }
0x4: {  	s2 =	simm.s32 $0x0;
	s11 =	simm.s32 $0x2800;
	s12 =	simm.s32 $0x2  }
0x5: {  	s13 =	simm.s32 $0x0;
	s4 =	sand.u32 $0x1, s1;
	[smem:$0x7FF] =	sst s2  }
0x6: {  	s1 =	stileid.u32;
	s6 =	sshll.u32 s4, $0x4;
	_ =	strace $0x80000047  }
0x7: {  	s8 =	sshll.u32 s1, $0x7;
	s4 =	ssub.s32 $0x2, s4;
	s6 =	sor.u32 s1, s6  }
0x8: {  	s8 =	sand.u32 $0x380, s8;
	s7 =	sshrl.u32 s6, $0x3;
	s6 =	smul.u32 $0x480, s6  }
0x9: {  	s10 =	sshrl.u32 s4, $0x1;
	s9 =	sshll.u32 s7, $0xD;
	s7 =	smul.u32 $0x14000, s7  }
0xa: {  	s10 =	ssub.s32 s4, s10;
	s9 =	sor.u32 s8, s9;
	s6 =	sadd.s32 s6, s3  }
0xb: {  	s9 =	sshrl.u32 s9, $0x3;
	s7 =	sor.u32 s8, s7;
	s8 =	simm.s32 $0x400  }
0xc: {  	s9 =	sadd.s32 s9, s3;
	s3 =	sadd.s32 $0xB200, s6;
	s31 =	sshrl.u32 s7, $0x3  }
0xd: {  	s6 =	smax.u32 s10, $0x1;
	s7 =	simm.s32 $0x80;
	s10 =	simm.s32 $0x1  }
0xe: {  	v0 =	vimm.f32 $0.0e+00;
	v1 =	vimm.f32 $1.000000000e+00;
	s4 =	sadd.s32 $0x14200, s9;
	s5 =	sadd.s32 s5, s31;
	s9 =	simm.s32 $0x2400  }
.LBB2_1:
0xf: {  	[tilespmem:s2], [sflag:$0x1] =	stream.linear.gather [hbm4b:s3+s2], $0x2400, $0x38;
	[tilespmem:$0x5000] =	vst v63  }
0x10: {  	s14 =	simm.s32 $0x40;
	s15 =	simm.s32 $0x0  }
0x11: {  	[tilespmem:s9], [sflag:$0x1] =	stream.strided.gather [hbm4b:s4+s7], $0x400, s8, s7, $0x38;
	[tilespmem:$0x5000] =	vst v63  }
.LBB2_2:
0x12: {  	p0 =	sne.s32 s14, $0x9FC0;
	[tilespmem:s15+$0x2800] =	vst v0;
	s15 =	smov.u32 s14;
	s14 =	sadd.s32 $0x40, s14  }
.Ltmp0:
0x13: {  	(pc) =	sbr.rel @p0 .LBB2_2-.Ltmp0, $2  }
0x14: {  	_ =	sdelay $0x2  }
0x15: {  	s15 =	sshra.s32 s15, $0x2  }
0x16: {  	[tilespmem:s15+$0x2800] =	vst v0  }
0x17: {  	_ =	swait.ge [sflag:s10], $0x2400  }
0x18: {  	[sflag:s10] =	ssyncset.done $0x0  }
0x19: {  	[sflag:s10] =	ssyncadd.s32 $0xFFFFDC00  }
0x1a: {  	_ =	swait.ge [sflag:s10], $0x400  }
0x1b: {  	[sflag:s10] =	ssyncset.done $0x0  }
0x1c: {  	s15 =	simm.s32 $0x0;
	s14 =	simm.s32 $0x40;
	[sflag:s10] =	ssyncadd.s32 $0xFFFFFC00  }
.LBB2_4:
0x1d: {  	p0 =	sne.s32 s14, $0x9FC0;
	v2 =	vld [tilespmem:s15+$0x0];
	_ =	sdelay $0x3  }
.Ltmp1:
0x1e: {  	(pc) =	sbr.rel @p0 .LBB2_4-.Ltmp1, $2  }
0x1f: {  	_ =	sdelay $0x2  }
0x20: {  	s15 =	sshra.s32 s14, $0x2;
	s14 =	sadd.s32 $0x40, s14;
	[tilespmem:v2+s11+$0x0] =	vst.idx.add.f32.msk $0xffff, v1  }
0x21: {  	v2 =	vld [tilespmem:s15+$0x0];
	_ =	sdelay $0x5  }
0x22: {  	s13 =	sadd.s32 $0x1, s13  }
0x23: {  	p0 =	sne.s32 s13, s6  }
.Ltmp2:
0x24: {  	[tilespmem:v2+s11+$0x0] =	vst.idx.add.f32.msk $0xffff, v1;
	(pc) =	sbr.rel @p0 .LBB2_1-.Ltmp2, $4  }
0x25: {  	[hbm4b:s5+s7] =	stream.strided.scatter [tilespmem:s11], [sflag:$0x2], $0x2800, s8, s7, $0x38;
	[tilespmem:$0x5000] =	vst v63  }
0x26: {  	_ =	swait.ge [sflag:s12], $0x2800  }
0x27: {  	[sflag:s12] =	ssyncset.done $0x0  }
0x28: {  	[sflag:s12] =	ssyncadd.s32 $0xFFFFD800  }
0x29: {  	_ =	sfence.sel $0x180000  }
0x2a: {  	[bflag:$0x0] =	sbarrier.arrive $0xFFFF  }
0x2b: {  	p0 =	sne.s32 s1, $0x0;
	_ =	strace $0x90000047  }
0x2c: {  	s0 =	sadd.s32 @!p0 $0x100000, s0;
	[bflag:$0x2] =	sbarrier.arrive $0xFFFF  }
0x2d: {  	[sflag:s0] =	ssyncadd.tile.s32 @!p0 $0x1;
	_ =	shalt  }
.Lfunc_end2:
_tile_overlayer_lowered:
.L_overlay_start_2:
0x2e: {  	(tag) =	ssettag $0x2  }
0x2f: {  	s0 =	rddreg [dreg:$0x0];
	s2 =	stileid.u32  }
0x30: {  	s1 =	rddreg [dreg:$0x1];
	p0 =	sne.s32 s2, $0x0  }
0x31: {  	s3 =	rddreg [dreg:$0x2];
	[bflag:$0x3] =	sbarrier.arrive $0xFFFF;
	s2 =	simm.s32 @!p0 $0x1C02  }
0x32: {  	[timem:s3], [sflag:s2] =	dma.local @!p0 [hbm:s0], s1  }
0x33: {  	s0 =	simm.s32 @!p0 $0x2  }
0x34: {  	_ =	swait.ge @!p0 [sflag:s0], s1  }
0x35: {  	s1 =	ssub.s32 @!p0 $0x0, s1;
	[sflag:s0] =	ssyncset.done @!p0 $0x0  }
0x36: {  	[sflag:s0] =	ssyncadd.s32 @!p0 s1  }
0x37: {  	[bflag:$0x3] =	sbarrier.arrive $0xFFFF  }
0x38: {  	_ =	shalt  }

</sc_bundles>
